<compile_context>
chip_gen: v7x
topology: tpu7x:2x2x1
jax: 0.10.2.dev20260603
libtpu: 0.0.44.dev20260713+nightly
codegen_flags: <defaults>
</compile_context>

<pallas_src>
import jax
import jax.numpy as jnp
from jax import lax
from jax.experimental import pallas as pl
from jax.experimental.pallas import tpu as pltpu
from jax.experimental.pallas import tpu_sc as plsc

V = 1000000
B, C, D = 16384, 10, 64
NC, NS = 2, 16
NW = NC * NS
ROWS_W = B // NW
CHUNK = 64
NCHUNK = ROWS_W // CHUNK
PL = 128
KCOLS = 8192
HBLK = 61
HALF = HBLK * KCOLS
NBLK = HBLK + 1


def _relayout_body(lo_ref, hi_ref, out_ref):
    out_ref[:, 0:D] = lo_ref[...].T
    out_ref[:, D:PL] = hi_ref[...].T


def _gather_body(li_hbm, off_hbm, table_hbm, out_hbm, li_v, off_v, rows_v,
                 out_v, sem):
    w = lax.axis_index("s") * NC + lax.axis_index("c")

    def chunk_body(i, carry):
        pltpu.sync_copy(li_hbm.at[w, i], li_v)
        pltpu.sync_copy(off_hbm.at[w, i], off_v)
        copies = [
            pltpu.async_copy(table_hbm.at[li_v.at[c]], rows_v.at[c], sem)
            for c in range(C)
        ]
        for cp in copies:
            cp.wait()

        @plsc.parallel_loop(0, CHUNK, step=1, unroll=2)
        def acc_row(b):
            offs = [off_v[c, pl.ds(b, 1)][0] for c in range(C)]
            for j in range(D // 16):
                s = rows_v[0, b, pl.ds(offs[0] + j * 16, 16)]
                for c in range(1, C):
                    s = s + rows_v[c, b, pl.ds(offs[c] + j * 16, 16)]
                out_v[b, pl.ds(j * 16, 16)] = s * (1.0 / C)

        base = (w * NCHUNK + i) * CHUNK
        pltpu.sync_copy(out_v, out_hbm.at[pl.ds(base, CHUNK)])
        return carry

    lax.fori_loop(0, NCHUNK, chunk_body, 0)


@jax.jit
def kernel(context_words, input_embeddings):
    idx = context_words.astype(jnp.int32).reshape(NW, NCHUNK, CHUNK, C)
    idx = idx.transpose(0, 1, 3, 2)
    li = jnp.where(idx >= HALF, idx - HALF, idx)
    off = jnp.where((idx >= HALF) & (idx < 2 * HALF), D, 0).astype(jnp.int32)

    et = input_embeddings.T
    lines = pl.pallas_call(
        _relayout_body,
        grid=(NBLK,),
        in_specs=[
            pl.BlockSpec((D, KCOLS),
                         lambda i: (0, jnp.where(i == HBLK, 2 * HBLK, i))),
            pl.BlockSpec((D, KCOLS),
                         lambda i: (0, jnp.where(i == HBLK, 0, HBLK + i))),
        ],
        out_specs=pl.BlockSpec((KCOLS, PL), lambda i: (i, 0)),
        out_shape=jax.ShapeDtypeStruct((NBLK * KCOLS, PL), jnp.float32),
    )(et, et)

    f = pl.kernel(
        _gather_body,
        out_type=jax.ShapeDtypeStruct((B, D), jnp.float32),
        mesh=plsc.VectorSubcoreMesh(core_axis_name="c", subcore_axis_name="s"),
        scratch_types=[
            pltpu.VMEM((C, CHUNK), jnp.int32),
            pltpu.VMEM((C, CHUNK), jnp.int32),
            pltpu.VMEM((C, CHUNK, PL), jnp.float32),
            pltpu.VMEM((CHUNK, D), jnp.float32),
            pltpu.SemaphoreType.DMA,
        ],
        compiler_params=pltpu.CompilerParams(use_tc_tiling_on_sc=True),
    )
    return f(li, off, lines)

# --- scband reference (transcript-rebuilt; emitter-appended) ---
"""Pipeline reference for scband-cbowmodel-90254442758229 (READ-ONLY COPY).

The authoritative reference and input builder live on the scoring server;
editing this copy changes nothing except your own understanding.
"""

import jax, jax.numpy as jnp
import numpy as np

VOCAB_SIZE = 1000000
EMBED_DIM = 64
BATCH = 16384
CONTEXT = 10

def setup_inputs(seed: int = 0) -> dict:
    key = jax.random.key(seed)
    k_idx, k_emb = jax.random.split(key)
    context_words = jax.random.randint(k_idx, (BATCH, CONTEXT), 0, VOCAB_SIZE, dtype=jnp.int64 if jax.config.jax_enable_x64 else jnp.int32)
    bound = 0.5 / EMBED_DIM
    input_embeddings = jax.random.uniform(k_emb, (VOCAB_SIZE, EMBED_DIM), dtype=jnp.float32, minval=-bound, maxval=bound)
    return {"context_words": context_words, "input_embeddings": input_embeddings}

def reference(context_words, input_embeddings):
    # Embedding lookup: gather rows of the table
    context_embeddings = jnp.take(input_embeddings, context_words, axis=0)  # (B, C, D)
    # Mean over context dimension
    context_vector = jnp.mean(context_embeddings, axis=1)  # (B, D)
    return context_vector

if __name__ == "__main__":
    import jax
    _d = setup_inputs()
    print(jax.jit(kernel)(*tuple(_d.values())))

</pallas_src>

<mosaic_0001>
#map = affine_map<(d0, d1) -> (0, 0, 0, 0)>
#map1 = affine_map<(d0, d1) -> (0, 0)>
module attributes {stable_mosaic.version = 14 : i64} {
  func.func @_gather_body(%arg0: i32, %arg1: i32, %arg2: memref<32x8x10x64xi32, #tpu.memory_space<hbm>>, %arg3: memref<32x8x10x64xi32, #tpu.memory_space<hbm>>, %arg4: memref<507904x128xf32, #tpu.memory_space<hbm>>, %arg5: memref<16384x64xf32, #tpu.memory_space<hbm>>, %arg6: memref<10x64xi32, #tpu.memory_space<vmem>>, %arg7: memref<10x64xi32, #tpu.memory_space<vmem>>, %arg8: memref<10x64x128xf32, #tpu.memory_space<vmem>>, %arg9: memref<64x64xf32, #tpu.memory_space<vmem>>, %arg10: memref<!tpu.dma_semaphore, #tpu.memory_space<semaphore_mem>>) attributes {dimension_semantics = [#tpu.dimension_semantics<core_parallel>, #tpu.dimension_semantics<subcore_parallel>], iteration_bounds = array<i64: 2, 16>, scalar_prefetch = 0 : i64, scratch_operands = 5 : i64, tpu.core_type = #tpu.core_type<sc_vector_subcore>, window_params = [{transform_indices = #map}, {transform_indices = #map}, {transform_indices = #map1}, {transform_indices = #map1}]} {
    %mul3A = arith.constant 2 : i32
    %mul3A_0 = arith.muli %arg1, %mul3A : i32
    %add3A = arith.addi %mul3A_0, %arg0 : i32
    %scan3A = arith.constant 0 : i32
    %scan3A_1 = arith.constant 0 : i32
    %scan3A_2 = arith.constant 8 : i32
    %scan3A_3 = arith.addi %scan3A_1, %scan3A_2 : i32
    %scan3A_4 = arith.constant 1 : i32
    scf.for %scan3A_6 = %scan3A_1 to %scan3A_3 step %scan3A_4  : i32 {
      "tpu.region"() ({
        %run_scoped3A = tpu.sem_alloc : memref<!tpu.dma_semaphore, #tpu.memory_space<semaphore_mem>>
        %dma_start3A_252 = arith.constant 0 : i32
        %dma_start3A_253 = arith.constant 0 : i32
        %dma_start3A_254 = tpu.memref_slice %arg2[%add3A, %scan3A_6, %dma_start3A_252, %dma_start3A_253] : memref<32x8x10x64xi32, #tpu.memory_space<hbm>> -> memref<1x1x10x64xi32, #tpu.memory_space<hbm>>
        %dma_start3A_255 = tpu.memref_squeeze %dma_start3A_254 : memref<1x1x10x64xi32, #tpu.memory_space<hbm>> -> memref<10x64xi32, #tpu.memory_space<hbm>>
        %dma_start3A_256 = arith.constant 0 : i32
        %dma_start3A_257 = arith.constant 0 : i32
        %dma_start3A_258 = tpu.memref_slice %arg2[%add3A, %scan3A_6, %dma_start3A_256, %dma_start3A_257] : memref<32x8x10x64xi32, #tpu.memory_space<hbm>> -> memref<1x1x10x64xi32, #tpu.memory_space<hbm>>
        %dma_start3A_259 = tpu.memref_squeeze %dma_start3A_258 : memref<1x1x10x64xi32, #tpu.memory_space<hbm>> -> memref<10x64xi32, #tpu.memory_space<hbm>>
        tpu.enqueue_dma source(%dma_start3A_259 : memref<10x64xi32, #tpu.memory_space<hbm>>) target(%arg6 : memref<10x64xi32, #tpu.memory_space<vmem>>) target_semaphore(%run_scoped3A : memref<!tpu.dma_semaphore, #tpu.memory_space<semaphore_mem>>)
        %dma_wait3A_260 = arith.constant 0 : i32
        %dma_wait3A_261 = arith.constant 0 : i32
        %dma_wait3A_262 = tpu.memref_slice %arg2[%add3A, %scan3A_6, %dma_wait3A_260, %dma_wait3A_261] : memref<32x8x10x64xi32, #tpu.memory_space<hbm>> -> memref<1x1x10x64xi32, #tpu.memory_space<hbm>>
        %dma_wait3A_263 = tpu.memref_squeeze %dma_wait3A_262 : memref<1x1x10x64xi32, #tpu.memory_space<hbm>> -> memref<10x64xi32, #tpu.memory_space<hbm>>
        %dma_wait3A_264 = arith.constant 0 : i32
        %dma_wait3A_265 = arith.constant 0 : i32
        %dma_wait3A_266 = tpu.memref_slice %arg2[%add3A, %scan3A_6, %dma_wait3A_264, %dma_wait3A_265] : memref<32x8x10x64xi32, #tpu.memory_space<hbm>> -> memref<1x1x10x64xi32, #tpu.memory_space<hbm>>
        %dma_wait3A_267 = tpu.memref_squeeze %dma_wait3A_266 : memref<1x1x10x64xi32, #tpu.memory_space<hbm>> -> memref<10x64xi32, #tpu.memory_space<hbm>>
        tpu.wait_dma2 semaphore(%run_scoped3A : memref<!tpu.dma_semaphore, #tpu.memory_space<semaphore_mem>>) src(%dma_wait3A_267 : memref<10x64xi32, #tpu.memory_space<hbm>>) dst(%arg6 : memref<10x64xi32, #tpu.memory_space<vmem>>)
        tpu.yield
      }) : () -> ()
      "tpu.region"() ({
        %run_scoped3A = tpu.sem_alloc : memref<!tpu.dma_semaphore, #tpu.memory_space<semaphore_mem>>
        %dma_start3A_252 = arith.constant 0 : i32
        %dma_start3A_253 = arith.constant 0 : i32
        %dma_start3A_254 = tpu.memref_slice %arg3[%add3A, %scan3A_6, %dma_start3A_252, %dma_start3A_253] : memref<32x8x10x64xi32, #tpu.memory_space<hbm>> -> memref<1x1x10x64xi32, #tpu.memory_space<hbm>>
        %dma_start3A_255 = tpu.memref_squeeze %dma_start3A_254 : memref<1x1x10x64xi32, #tpu.memory_space<hbm>> -> memref<10x64xi32, #tpu.memory_space<hbm>>
        %dma_start3A_256 = arith.constant 0 : i32
        %dma_start3A_257 = arith.constant 0 : i32
        %dma_start3A_258 = tpu.memref_slice %arg3[%add3A, %scan3A_6, %dma_start3A_256, %dma_start3A_257] : memref<32x8x10x64xi32, #tpu.memory_space<hbm>> -> memref<1x1x10x64xi32, #tpu.memory_space<hbm>>
        %dma_start3A_259 = tpu.memref_squeeze %dma_start3A_258 : memref<1x1x10x64xi32, #tpu.memory_space<hbm>> -> memref<10x64xi32, #tpu.memory_space<hbm>>
        tpu.enqueue_dma source(%dma_start3A_259 : memref<10x64xi32, #tpu.memory_space<hbm>>) target(%arg7 : memref<10x64xi32, #tpu.memory_space<vmem>>) target_semaphore(%run_scoped3A : memref<!tpu.dma_semaphore, #tpu.memory_space<semaphore_mem>>)
        %dma_wait3A_260 = arith.constant 0 : i32
        %dma_wait3A_261 = arith.constant 0 : i32
        %dma_wait3A_262 = tpu.memref_slice %arg3[%add3A, %scan3A_6, %dma_wait3A_260, %dma_wait3A_261] : memref<32x8x10x64xi32, #tpu.memory_space<hbm>> -> memref<1x1x10x64xi32, #tpu.memory_space<hbm>>
        %dma_wait3A_263 = tpu.memref_squeeze %dma_wait3A_262 : memref<1x1x10x64xi32, #tpu.memory_space<hbm>> -> memref<10x64xi32, #tpu.memory_space<hbm>>
        %dma_wait3A_264 = arith.constant 0 : i32
        %dma_wait3A_265 = arith.constant 0 : i32
        %dma_wait3A_266 = tpu.memref_slice %arg3[%add3A, %scan3A_6, %dma_wait3A_264, %dma_wait3A_265] : memref<32x8x10x64xi32, #tpu.memory_space<hbm>> -> memref<1x1x10x64xi32, #tpu.memory_space<hbm>>
        %dma_wait3A_267 = tpu.memref_squeeze %dma_wait3A_266 : memref<1x1x10x64xi32, #tpu.memory_space<hbm>> -> memref<10x64xi32, #tpu.memory_space<hbm>>
        tpu.wait_dma2 semaphore(%run_scoped3A : memref<!tpu.dma_semaphore, #tpu.memory_space<semaphore_mem>>) src(%dma_wait3A_267 : memref<10x64xi32, #tpu.memory_space<hbm>>) dst(%arg7 : memref<10x64xi32, #tpu.memory_space<vmem>>)
        tpu.yield
      }) : () -> ()
      %dma_start3A = arith.constant 0 : i32
      %dma_start3A_7 = arith.constant 0 : i32
      %dma_start3A_8 = arith.constant 0 : i32
      %dma_start3A_9 = arith.constant 0 : i32
      %dma_start3A_10 = tpu.memref_slice %arg8[%dma_start3A_7, %dma_start3A_8, %dma_start3A_9] : memref<10x64x128xf32, #tpu.memory_space<vmem>> -> memref<1x64x128xf32, #tpu.memory_space<vmem>>
      %dma_start3A_11 = tpu.memref_squeeze %dma_start3A_10 : memref<1x64x128xf32, #tpu.memory_space<vmem>> -> memref<64x128xf32, #tpu.memory_space<vmem>>
      %dma_start3A_12 = arith.constant 0 : i32
      %dma_start3A_13 = tpu.memref_slice %arg6[%dma_start3A, %dma_start3A_12] : memref<10x64xi32, #tpu.memory_space<vmem>> -> memref<1x64xi32, #tpu.memory_space<vmem>>
      %dma_start3A_14 = tpu.memref_squeeze %dma_start3A_13 : memref<1x64xi32, #tpu.memory_space<vmem>> -> memref<64xi32, #tpu.memory_space<vmem>>
      %dma_start3A_15 = arith.constant 0 : i32
      %dma_start3A_16 = arith.constant 0 : i32
      %dma_start3A_17 = tpu.memref_slice %arg4[%dma_start3A_15, %dma_start3A_16] : memref<507904x128xf32, #tpu.memory_space<hbm>> -> memref<507904x128xf32, #tpu.memory_space<hbm>>
      tpu.enqueue_indirect_dma source(%dma_start3A_17 : memref<507904x128xf32, #tpu.memory_space<hbm>>) target(%dma_start3A_11 : memref<64x128xf32, #tpu.memory_space<vmem>>) offsets(%dma_start3A_14 : memref<64xi32, #tpu.memory_space<vmem>>) semaphore(%arg10 : memref<!tpu.dma_semaphore, #tpu.memory_space<semaphore_mem>>)
      %dma_start3A_18 = arith.constant 1 : i32
      %dma_start3A_19 = arith.constant 1 : i32
      %dma_start3A_20 = arith.constant 0 : i32
      %dma_start3A_21 = arith.constant 0 : i32
      %dma_start3A_22 = tpu.memref_slice %arg8[%dma_start3A_19, %dma_start3A_20, %dma_start3A_21] : memref<10x64x128xf32, #tpu.memory_space<vmem>> -> memref<1x64x128xf32, #tpu.memory_space<vmem>>
      %dma_start3A_23 = tpu.memref_squeeze %dma_start3A_22 : memref<1x64x128xf32, #tpu.memory_space<vmem>> -> memref<64x128xf32, #tpu.memory_space<vmem>>
      %dma_start3A_24 = arith.constant 0 : i32
      %dma_start3A_25 = tpu.memref_slice %arg6[%dma_start3A_18, %dma_start3A_24] : memref<10x64xi32, #tpu.memory_space<vmem>> -> memref<1x64xi32, #tpu.memory_space<vmem>>
      %dma_start3A_26 = tpu.memref_squeeze %dma_start3A_25 : memref<1x64xi32, #tpu.memory_space<vmem>> -> memref<64xi32, #tpu.memory_space<vmem>>
      %dma_start3A_27 = arith.constant 0 : i32
      %dma_start3A_28 = arith.constant 0 : i32
      %dma_start3A_29 = tpu.memref_slice %arg4[%dma_start3A_27, %dma_start3A_28] : memref<507904x128xf32, #tpu.memory_space<hbm>> -> memref<507904x128xf32, #tpu.memory_space<hbm>>
      tpu.enqueue_indirect_dma source(%dma_start3A_29 : memref<507904x128xf32, #tpu.memory_space<hbm>>) target(%dma_start3A_23 : memref<64x128xf32, #tpu.memory_space<vmem>>) offsets(%dma_start3A_26 : memref<64xi32, #tpu.memory_space<vmem>>) semaphore(%arg10 : memref<!tpu.dma_semaphore, #tpu.memory_space<semaphore_mem>>)
      %dma_start3A_30 = arith.constant 2 : i32
      %dma_start3A_31 = arith.constant 2 : i32
      %dma_start3A_32 = arith.constant 0 : i32
      %dma_start3A_33 = arith.constant 0 : i32
      %dma_start3A_34 = tpu.memref_slice %arg8[%dma_start3A_31, %dma_start3A_32, %dma_start3A_33] : memref<10x64x128xf32, #tpu.memory_space<vmem>> -> memref<1x64x128xf32, #tpu.memory_space<vmem>>
      %dma_start3A_35 = tpu.memref_squeeze %dma_start3A_34 : memref<1x64x128xf32, #tpu.memory_space<vmem>> -> memref<64x128xf32, #tpu.memory_space<vmem>>
      %dma_start3A_36 = arith.constant 0 : i32
      %dma_start3A_37 = tpu.memref_slice %arg6[%dma_start3A_30, %dma_start3A_36] : memref<10x64xi32, #tpu.memory_space<vmem>> -> memref<1x64xi32, #tpu.memory_space<vmem>>
      %dma_start3A_38 = tpu.memref_squeeze %dma_start3A_37 : memref<1x64xi32, #tpu.memory_space<vmem>> -> memref<64xi32, #tpu.memory_space<vmem>>
      %dma_start3A_39 = arith.constant 0 : i32
      %dma_start3A_40 = arith.constant 0 : i32
      %dma_start3A_41 = tpu.memref_slice %arg4[%dma_start3A_39, %dma_start3A_40] : memref<507904x128xf32, #tpu.memory_space<hbm>> -> memref<507904x128xf32, #tpu.memory_space<hbm>>
      tpu.enqueue_indirect_dma source(%dma_start3A_41 : memref<507904x128xf32, #tpu.memory_space<hbm>>) target(%dma_start3A_35 : memref<64x128xf32, #tpu.memory_space<vmem>>) offsets(%dma_start3A_38 : memref<64xi32, #tpu.memory_space<vmem>>) semaphore(%arg10 : memref<!tpu.dma_semaphore, #tpu.memory_space<semaphore_mem>>)
      %dma_start3A_42 = arith.constant 3 : i32
      %dma_start3A_43 = arith.constant 3 : i32
      %dma_start3A_44 = arith.constant 0 : i32
      %dma_start3A_45 = arith.constant 0 : i32
      %dma_start3A_46 = tpu.memref_slice %arg8[%dma_start3A_43, %dma_start3A_44, %dma_start3A_45] : memref<10x64x128xf32, #tpu.memory_space<vmem>> -> memref<1x64x128xf32, #tpu.memory_space<vmem>>
      %dma_start3A_47 = tpu.memref_squeeze %dma_start3A_46 : memref<1x64x128xf32, #tpu.memory_space<vmem>> -> memref<64x128xf32, #tpu.memory_space<vmem>>
      %dma_start3A_48 = arith.constant 0 : i32
      %dma_start3A_49 = tpu.memref_slice %arg6[%dma_start3A_42, %dma_start3A_48] : memref<10x64xi32, #tpu.memory_space<vmem>> -> memref<1x64xi32, #tpu.memory_space<vmem>>
      %dma_start3A_50 = tpu.memref_squeeze %dma_start3A_49 : memref<1x64xi32, #tpu.memory_space<vmem>> -> memref<64xi32, #tpu.memory_space<vmem>>
      %dma_start3A_51 = arith.constant 0 : i32
      %dma_start3A_52 = arith.constant 0 : i32
      %dma_start3A_53 = tpu.memref_slice %arg4[%dma_start3A_51, %dma_start3A_52] : memref<507904x128xf32, #tpu.memory_space<hbm>> -> memref<507904x128xf32, #tpu.memory_space<hbm>>
      tpu.enqueue_indirect_dma source(%dma_start3A_53 : memref<507904x128xf32, #tpu.memory_space<hbm>>) target(%dma_start3A_47 : memref<64x128xf32, #tpu.memory_space<vmem>>) offsets(%dma_start3A_50 : memref<64xi32, #tpu.memory_space<vmem>>) semaphore(%arg10 : memref<!tpu.dma_semaphore, #tpu.memory_space<semaphore_mem>>)
      %dma_start3A_54 = arith.constant 4 : i32
      %dma_start3A_55 = arith.constant 4 : i32
      %dma_start3A_56 = arith.constant 0 : i32
      %dma_start3A_57 = arith.constant 0 : i32
      %dma_start3A_58 = tpu.memref_slice %arg8[%dma_start3A_55, %dma_start3A_56, %dma_start3A_57] : memref<10x64x128xf32, #tpu.memory_space<vmem>> -> memref<1x64x128xf32, #tpu.memory_space<vmem>>
      %dma_start3A_59 = tpu.memref_squeeze %dma_start3A_58 : memref<1x64x128xf32, #tpu.memory_space<vmem>> -> memref<64x128xf32, #tpu.memory_space<vmem>>
      %dma_start3A_60 = arith.constant 0 : i32
      %dma_start3A_61 = tpu.memref_slice %arg6[%dma_start3A_54, %dma_start3A_60] : memref<10x64xi32, #tpu.memory_space<vmem>> -> memref<1x64xi32, #tpu.memory_space<vmem>>
      %dma_start3A_62 = tpu.memref_squeeze %dma_start3A_61 : memref<1x64xi32, #tpu.memory_space<vmem>> -> memref<64xi32, #tpu.memory_space<vmem>>
      %dma_start3A_63 = arith.constant 0 : i32
      %dma_start3A_64 = arith.constant 0 : i32
      %dma_start3A_65 = tpu.memref_slice %arg4[%dma_start3A_63, %dma_start3A_64] : memref<507904x128xf32, #tpu.memory_space<hbm>> -> memref<507904x128xf32, #tpu.memory_space<hbm>>
      tpu.enqueue_indirect_dma source(%dma_start3A_65 : memref<507904x128xf32, #tpu.memory_space<hbm>>) target(%dma_start3A_59 : memref<64x128xf32, #tpu.memory_space<vmem>>) offsets(%dma_start3A_62 : memref<64xi32, #tpu.memory_space<vmem>>) semaphore(%arg10 : memref<!tpu.dma_semaphore, #tpu.memory_space<semaphore_mem>>)
      %dma_start3A_66 = arith.constant 5 : i32
      %dma_start3A_67 = arith.constant 5 : i32
      %dma_start3A_68 = arith.constant 0 : i32
      %dma_start3A_69 = arith.constant 0 : i32
      %dma_start3A_70 = tpu.memref_slice %arg8[%dma_start3A_67, %dma_start3A_68, %dma_start3A_69] : memref<10x64x128xf32, #tpu.memory_space<vmem>> -> memref<1x64x128xf32, #tpu.memory_space<vmem>>
      %dma_start3A_71 = tpu.memref_squeeze %dma_start3A_70 : memref<1x64x128xf32, #tpu.memory_space<vmem>> -> memref<64x128xf32, #tpu.memory_space<vmem>>
      %dma_start3A_72 = arith.constant 0 : i32
      %dma_start3A_73 = tpu.memref_slice %arg6[%dma_start3A_66, %dma_start3A_72] : memref<10x64xi32, #tpu.memory_space<vmem>> -> memref<1x64xi32, #tpu.memory_space<vmem>>
      %dma_start3A_74 = tpu.memref_squeeze %dma_start3A_73 : memref<1x64xi32, #tpu.memory_space<vmem>> -> memref<64xi32, #tpu.memory_space<vmem>>
      %dma_start3A_75 = arith.constant 0 : i32
      %dma_start3A_76 = arith.constant 0 : i32
      %dma_start3A_77 = tpu.memref_slice %arg4[%dma_start3A_75, %dma_start3A_76] : memref<507904x128xf32, #tpu.memory_space<hbm>> -> memref<507904x128xf32, #tpu.memory_space<hbm>>
      tpu.enqueue_indirect_dma source(%dma_start3A_77 : memref<507904x128xf32, #tpu.memory_space<hbm>>) target(%dma_start3A_71 : memref<64x128xf32, #tpu.memory_space<vmem>>) offsets(%dma_start3A_74 : memref<64xi32, #tpu.memory_space<vmem>>) semaphore(%arg10 : memref<!tpu.dma_semaphore, #tpu.memory_space<semaphore_mem>>)
      %dma_start3A_78 = arith.constant 6 : i32
      %dma_start3A_79 = arith.constant 6 : i32
      %dma_start3A_80 = arith.constant 0 : i32
      %dma_start3A_81 = arith.constant 0 : i32
      %dma_start3A_82 = tpu.memref_slice %arg8[%dma_start3A_79, %dma_start3A_80, %dma_start3A_81] : memref<10x64x128xf32, #tpu.memory_space<vmem>> -> memref<1x64x128xf32, #tpu.memory_space<vmem>>
      %dma_start3A_83 = tpu.memref_squeeze %dma_start3A_82 : memref<1x64x128xf32, #tpu.memory_space<vmem>> -> memref<64x128xf32, #tpu.memory_space<vmem>>
      %dma_start3A_84 = arith.constant 0 : i32
      %dma_start3A_85 = tpu.memref_slice %arg6[%dma_start3A_78, %dma_start3A_84] : memref<10x64xi32, #tpu.memory_space<vmem>> -> memref<1x64xi32, #tpu.memory_space<vmem>>
      %dma_start3A_86 = tpu.memref_squeeze %dma_start3A_85 : memref<1x64xi32, #tpu.memory_space<vmem>> -> memref<64xi32, #tpu.memory_space<vmem>>
      %dma_start3A_87 = arith.constant 0 : i32
      %dma_start3A_88 = arith.constant 0 : i32
      %dma_start3A_89 = tpu.memref_slice %arg4[%dma_start3A_87, %dma_start3A_88] : memref<507904x128xf32, #tpu.memory_space<hbm>> -> memref<507904x128xf32, #tpu.memory_space<hbm>>
      tpu.enqueue_indirect_dma source(%dma_start3A_89 : memref<507904x128xf32, #tpu.memory_space<hbm>>) target(%dma_start3A_83 : memref<64x128xf32, #tpu.memory_space<vmem>>) offsets(%dma_start3A_86 : memref<64xi32, #tpu.memory_space<vmem>>) semaphore(%arg10 : memref<!tpu.dma_semaphore, #tpu.memory_space<semaphore_mem>>)
      %dma_start3A_90 = arith.constant 7 : i32
      %dma_start3A_91 = arith.constant 7 : i32
      %dma_start3A_92 = arith.constant 0 : i32
      %dma_start3A_93 = arith.constant 0 : i32
      %dma_start3A_94 = tpu.memref_slice %arg8[%dma_start3A_91, %dma_start3A_92, %dma_start3A_93] : memref<10x64x128xf32, #tpu.memory_space<vmem>> -> memref<1x64x128xf32, #tpu.memory_space<vmem>>
      %dma_start3A_95 = tpu.memref_squeeze %dma_start3A_94 : memref<1x64x128xf32, #tpu.memory_space<vmem>> -> memref<64x128xf32, #tpu.memory_space<vmem>>
      %dma_start3A_96 = arith.constant 0 : i32
      %dma_start3A_97 = tpu.memref_slice %arg6[%dma_start3A_90, %dma_start3A_96] : memref<10x64xi32, #tpu.memory_space<vmem>> -> memref<1x64xi32, #tpu.memory_space<vmem>>
      %dma_start3A_98 = tpu.memref_squeeze %dma_start3A_97 : memref<1x64xi32, #tpu.memory_space<vmem>> -> memref<64xi32, #tpu.memory_space<vmem>>
      %dma_start3A_99 = arith.constant 0 : i32
      %dma_start3A_100 = arith.constant 0 : i32
      %dma_start3A_101 = tpu.memref_slice %arg4[%dma_start3A_99, %dma_start3A_100] : memref<507904x128xf32, #tpu.memory_space<hbm>> -> memref<507904x128xf32, #tpu.memory_space<hbm>>
      tpu.enqueue_indirect_dma source(%dma_start3A_101 : memref<507904x128xf32, #tpu.memory_space<hbm>>) target(%dma_start3A_95 : memref<64x128xf32, #tpu.memory_space<vmem>>) offsets(%dma_start3A_98 : memref<64xi32, #tpu.memory_space<vmem>>) semaphore(%arg10 : memref<!tpu.dma_semaphore, #tpu.memory_space<semaphore_mem>>)
      %dma_start3A_102 = arith.constant 8 : i32
      %dma_start3A_103 = arith.constant 8 : i32
      %dma_start3A_104 = arith.constant 0 : i32
      %dma_start3A_105 = arith.constant 0 : i32
      %dma_start3A_106 = tpu.memref_slice %arg8[%dma_start3A_103, %dma_start3A_104, %dma_start3A_105] : memref<10x64x128xf32, #tpu.memory_space<vmem>> -> memref<1x64x128xf32, #tpu.memory_space<vmem>>
      %dma_start3A_107 = tpu.memref_squeeze %dma_start3A_106 : memref<1x64x128xf32, #tpu.memory_space<vmem>> -> memref<64x128xf32, #tpu.memory_space<vmem>>
      %dma_start3A_108 = arith.constant 0 : i32
      %dma_start3A_109 = tpu.memref_slice %arg6[%dma_start3A_102, %dma_start3A_108] : memref<10x64xi32, #tpu.memory_space<vmem>> -> memref<1x64xi32, #tpu.memory_space<vmem>>
      %dma_start3A_110 = tpu.memref_squeeze %dma_start3A_109 : memref<1x64xi32, #tpu.memory_space<vmem>> -> memref<64xi32, #tpu.memory_space<vmem>>
      %dma_start3A_111 = arith.constant 0 : i32
      %dma_start3A_112 = arith.constant 0 : i32
      %dma_start3A_113 = tpu.memref_slice %arg4[%dma_start3A_111, %dma_start3A_112] : memref<507904x128xf32, #tpu.memory_space<hbm>> -> memref<507904x128xf32, #tpu.memory_space<hbm>>
      tpu.enqueue_indirect_dma source(%dma_start3A_113 : memref<507904x128xf32, #tpu.memory_space<hbm>>) target(%dma_start3A_107 : memref<64x128xf32, #tpu.memory_space<vmem>>) offsets(%dma_start3A_110 : memref<64xi32, #tpu.memory_space<vmem>>) semaphore(%arg10 : memref<!tpu.dma_semaphore, #tpu.memory_space<semaphore_mem>>)
      %dma_start3A_114 = arith.constant 9 : i32
      %dma_start3A_115 = arith.constant 9 : i32
      %dma_start3A_116 = arith.constant 0 : i32
      %dma_start3A_117 = arith.constant 0 : i32
      %dma_start3A_118 = tpu.memref_slice %arg8[%dma_start3A_115, %dma_start3A_116, %dma_start3A_117] : memref<10x64x128xf32, #tpu.memory_space<vmem>> -> memref<1x64x128xf32, #tpu.memory_space<vmem>>
      %dma_start3A_119 = tpu.memref_squeeze %dma_start3A_118 : memref<1x64x128xf32, #tpu.memory_space<vmem>> -> memref<64x128xf32, #tpu.memory_space<vmem>>
      %dma_start3A_120 = arith.constant 0 : i32
      %dma_start3A_121 = tpu.memref_slice %arg6[%dma_start3A_114, %dma_start3A_120] : memref<10x64xi32, #tpu.memory_space<vmem>> -> memref<1x64xi32, #tpu.memory_space<vmem>>
      %dma_start3A_122 = tpu.memref_squeeze %dma_start3A_121 : memref<1x64xi32, #tpu.memory_space<vmem>> -> memref<64xi32, #tpu.memory_space<vmem>>
      %dma_start3A_123 = arith.constant 0 : i32
      %dma_start3A_124 = arith.constant 0 : i32
      %dma_start3A_125 = tpu.memref_slice %arg4[%dma_start3A_123, %dma_start3A_124] : memref<507904x128xf32, #tpu.memory_space<hbm>> -> memref<507904x128xf32, #tpu.memory_space<hbm>>
      tpu.enqueue_indirect_dma source(%dma_start3A_125 : memref<507904x128xf32, #tpu.memory_space<hbm>>) target(%dma_start3A_119 : memref<64x128xf32, #tpu.memory_space<vmem>>) offsets(%dma_start3A_122 : memref<64xi32, #tpu.memory_space<vmem>>) semaphore(%arg10 : memref<!tpu.dma_semaphore, #tpu.memory_space<semaphore_mem>>)
      %dma_wait3A = arith.constant 0 : i32
      %dma_wait3A_126 = arith.constant 0 : i32
      %dma_wait3A_127 = arith.constant 0 : i32
      %dma_wait3A_128 = arith.constant 0 : i32
      %dma_wait3A_129 = tpu.memref_slice %arg8[%dma_wait3A_126, %dma_wait3A_127, %dma_wait3A_128] : memref<10x64x128xf32, #tpu.memory_space<vmem>> -> memref<1x64x128xf32, #tpu.memory_space<vmem>>
      %dma_wait3A_130 = tpu.memref_squeeze %dma_wait3A_129 : memref<1x64x128xf32, #tpu.memory_space<vmem>> -> memref<64x128xf32, #tpu.memory_space<vmem>>
      %dma_wait3A_131 = arith.constant 0 : i32
      %dma_wait3A_132 = tpu.memref_slice %arg6[%dma_wait3A, %dma_wait3A_131] : memref<10x64xi32, #tpu.memory_space<vmem>> -> memref<1x64xi32, #tpu.memory_space<vmem>>
      %dma_wait3A_133 = tpu.memref_squeeze %dma_wait3A_132 : memref<1x64xi32, #tpu.memory_space<vmem>> -> memref<64xi32, #tpu.memory_space<vmem>>
      %dma_wait3A_134 = arith.constant 0 : i32
      %dma_wait3A_135 = arith.constant 0 : i32
      %dma_wait3A_136 = tpu.memref_slice %arg4[%dma_wait3A_134, %dma_wait3A_135] : memref<507904x128xf32, #tpu.memory_space<hbm>> -> memref<507904x128xf32, #tpu.memory_space<hbm>>
      tpu.wait_indirect_dma semaphore(%arg10 : memref<!tpu.dma_semaphore, #tpu.memory_space<semaphore_mem>>) src(%dma_wait3A_136 : memref<507904x128xf32, #tpu.memory_space<hbm>>) dst(%dma_wait3A_130 : memref<64x128xf32, #tpu.memory_space<vmem>>)
      %dma_wait3A_137 = arith.constant 1 : i32
      %dma_wait3A_138 = arith.constant 1 : i32
      %dma_wait3A_139 = arith.constant 0 : i32
      %dma_wait3A_140 = arith.constant 0 : i32
      %dma_wait3A_141 = tpu.memref_slice %arg8[%dma_wait3A_138, %dma_wait3A_139, %dma_wait3A_140] : memref<10x64x128xf32, #tpu.memory_space<vmem>> -> memref<1x64x128xf32, #tpu.memory_space<vmem>>
      %dma_wait3A_142 = tpu.memref_squeeze %dma_wait3A_141 : memref<1x64x128xf32, #tpu.memory_space<vmem>> -> memref<64x128xf32, #tpu.memory_space<vmem>>
      %dma_wait3A_143 = arith.constant 0 : i32
      %dma_wait3A_144 = tpu.memref_slice %arg6[%dma_wait3A_137, %dma_wait3A_143] : memref<10x64xi32, #tpu.memory_space<vmem>> -> memref<1x64xi32, #tpu.memory_space<vmem>>
      %dma_wait3A_145 = tpu.memref_squeeze %dma_wait3A_144 : memref<1x64xi32, #tpu.memory_space<vmem>> -> memref<64xi32, #tpu.memory_space<vmem>>
      %dma_wait3A_146 = arith.constant 0 : i32
      %dma_wait3A_147 = arith.constant 0 : i32
      %dma_wait3A_148 = tpu.memref_slice %arg4[%dma_wait3A_146, %dma_wait3A_147] : memref<507904x128xf32, #tpu.memory_space<hbm>> -> memref<507904x128xf32, #tpu.memory_space<hbm>>
      tpu.wait_indirect_dma semaphore(%arg10 : memref<!tpu.dma_semaphore, #tpu.memory_space<semaphore_mem>>) src(%dma_wait3A_148 : memref<507904x128xf32, #tpu.memory_space<hbm>>) dst(%dma_wait3A_142 : memref<64x128xf32, #tpu.memory_space<vmem>>)
      %dma_wait3A_149 = arith.constant 2 : i32
      %dma_wait3A_150 = arith.constant 2 : i32
      %dma_wait3A_151 = arith.constant 0 : i32
      %dma_wait3A_152 = arith.constant 0 : i32
      %dma_wait3A_153 = tpu.memref_slice %arg8[%dma_wait3A_150, %dma_wait3A_151, %dma_wait3A_152] : memref<10x64x128xf32, #tpu.memory_space<vmem>> -> memref<1x64x128xf32, #tpu.memory_space<vmem>>
      %dma_wait3A_154 = tpu.memref_squeeze %dma_wait3A_153 : memref<1x64x128xf32, #tpu.memory_space<vmem>> -> memref<64x128xf32, #tpu.memory_space<vmem>>
      %dma_wait3A_155 = arith.constant 0 : i32
      %dma_wait3A_156 = tpu.memref_slice %arg6[%dma_wait3A_149, %dma_wait3A_155] : memref<10x64xi32, #tpu.memory_space<vmem>> -> memref<1x64xi32, #tpu.memory_space<vmem>>
      %dma_wait3A_157 = tpu.memref_squeeze %dma_wait3A_156 : memref<1x64xi32, #tpu.memory_space<vmem>> -> memref<64xi32, #tpu.memory_space<vmem>>
      %dma_wait3A_158 = arith.constant 0 : i32
      %dma_wait3A_159 = arith.constant 0 : i32
      %dma_wait3A_160 = tpu.memref_slice %arg4[%dma_wait3A_158, %dma_wait3A_159] : memref<507904x128xf32, #tpu.memory_space<hbm>> -> memref<507904x128xf32, #tpu.memory_space<hbm>>
      tpu.wait_indirect_dma semaphore(%arg10 : memref<!tpu.dma_semaphore, #tpu.memory_space<semaphore_mem>>) src(%dma_wait3A_160 : memref<507904x128xf32, #tpu.memory_space<hbm>>) dst(%dma_wait3A_154 : memref<64x128xf32, #tpu.memory_space<vmem>>)
      %dma_wait3A_161 = arith.constant 3 : i32
      %dma_wait3A_162 = arith.constant 3 : i32
      %dma_wait3A_163 = arith.constant 0 : i32
      %dma_wait3A_164 = arith.constant 0 : i32
      %dma_wait3A_165 = tpu.memref_slice %arg8[%dma_wait3A_162, %dma_wait3A_163, %dma_wait3A_164] : memref<10x64x128xf32, #tpu.memory_space<vmem>> -> memref<1x64x128xf32, #tpu.memory_space<vmem>>
      %dma_wait3A_166 = tpu.memref_squeeze %dma_wait3A_165 : memref<1x64x128xf32, #tpu.memory_space<vmem>> -> memref<64x128xf32, #tpu.memory_space<vmem>>
      %dma_wait3A_167 = arith.constant 0 : i32
      %dma_wait3A_168 = tpu.memref_slice %arg6[%dma_wait3A_161, %dma_wait3A_167] : memref<10x64xi32, #tpu.memory_space<vmem>> -> memref<1x64xi32, #tpu.memory_space<vmem>>
      %dma_wait3A_169 = tpu.memref_squeeze %dma_wait3A_168 : memref<1x64xi32, #tpu.memory_space<vmem>> -> memref<64xi32, #tpu.memory_space<vmem>>
      %dma_wait3A_170 = arith.constant 0 : i32
      %dma_wait3A_171 = arith.constant 0 : i32
      %dma_wait3A_172 = tpu.memref_slice %arg4[%dma_wait3A_170, %dma_wait3A_171] : memref<507904x128xf32, #tpu.memory_space<hbm>> -> memref<507904x128xf32, #tpu.memory_space<hbm>>
      tpu.wait_indirect_dma semaphore(%arg10 : memref<!tpu.dma_semaphore, #tpu.memory_space<semaphore_mem>>) src(%dma_wait3A_172 : memref<507904x128xf32, #tpu.memory_space<hbm>>) dst(%dma_wait3A_166 : memref<64x128xf32, #tpu.memory_space<vmem>>)
      %dma_wait3A_173 = arith.constant 4 : i32
      %dma_wait3A_174 = arith.constant 4 : i32
      %dma_wait3A_175 = arith.constant 0 : i32
      %dma_wait3A_176 = arith.constant 0 : i32
      %dma_wait3A_177 = tpu.memref_slice %arg8[%dma_wait3A_174, %dma_wait3A_175, %dma_wait3A_176] : memref<10x64x128xf32, #tpu.memory_space<vmem>> -> memref<1x64x128xf32, #tpu.memory_space<vmem>>
      %dma_wait3A_178 = tpu.memref_squeeze %dma_wait3A_177 : memref<1x64x128xf32, #tpu.memory_space<vmem>> -> memref<64x128xf32, #tpu.memory_space<vmem>>
      %dma_wait3A_179 = arith.constant 0 : i32
      %dma_wait3A_180 = tpu.memref_slice %arg6[%dma_wait3A_173, %dma_wait3A_179] : memref<10x64xi32, #tpu.memory_space<vmem>> -> memref<1x64xi32, #tpu.memory_space<vmem>>
      %dma_wait3A_181 = tpu.memref_squeeze %dma_wait3A_180 : memref<1x64xi32, #tpu.memory_space<vmem>> -> memref<64xi32, #tpu.memory_space<vmem>>
      %dma_wait3A_182 = arith.constant 0 : i32
      %dma_wait3A_183 = arith.constant 0 : i32
      %dma_wait3A_184 = tpu.memref_slice %arg4[%dma_wait3A_182, %dma_wait3A_183] : memref<507904x128xf32, #tpu.memory_space<hbm>> -> memref<507904x128xf32, #tpu.memory_space<hbm>>
      tpu.wait_indirect_dma semaphore(%arg10 : memref<!tpu.dma_semaphore, #tpu.memory_space<semaphore_mem>>) src(%dma_wait3A_184 : memref<507904x128xf32, #tpu.memory_space<hbm>>) dst(%dma_wait3A_178 : memref<64x128xf32, #tpu.memory_space<vmem>>)
      %dma_wait3A_185 = arith.constant 5 : i32
      %dma_wait3A_186 = arith.constant 5 : i32
      %dma_wait3A_187 = arith.constant 0 : i32
      %dma_wait3A_188 = arith.constant 0 : i32
      %dma_wait3A_189 = tpu.memref_slice %arg8[%dma_wait3A_186, %dma_wait3A_187, %dma_wait3A_188] : memref<10x64x128xf32, #tpu.memory_space<vmem>> -> memref<1x64x128xf32, #tpu.memory_space<vmem>>
      %dma_wait3A_190 = tpu.memref_squeeze %dma_wait3A_189 : memref<1x64x128xf32, #tpu.memory_space<vmem>> -> memref<64x128xf32, #tpu.memory_space<vmem>>
      %dma_wait3A_191 = arith.constant 0 : i32
      %dma_wait3A_192 = tpu.memref_slice %arg6[%dma_wait3A_185, %dma_wait3A_191] : memref<10x64xi32, #tpu.memory_space<vmem>> -> memref<1x64xi32, #tpu.memory_space<vmem>>
      %dma_wait3A_193 = tpu.memref_squeeze %dma_wait3A_192 : memref<1x64xi32, #tpu.memory_space<vmem>> -> memref<64xi32, #tpu.memory_space<vmem>>
      %dma_wait3A_194 = arith.constant 0 : i32
      %dma_wait3A_195 = arith.constant 0 : i32
      %dma_wait3A_196 = tpu.memref_slice %arg4[%dma_wait3A_194, %dma_wait3A_195] : memref<507904x128xf32, #tpu.memory_space<hbm>> -> memref<507904x128xf32, #tpu.memory_space<hbm>>
      tpu.wait_indirect_dma semaphore(%arg10 : memref<!tpu.dma_semaphore, #tpu.memory_space<semaphore_mem>>) src(%dma_wait3A_196 : memref<507904x128xf32, #tpu.memory_space<hbm>>) dst(%dma_wait3A_190 : memref<64x128xf32, #tpu.memory_space<vmem>>)
      %dma_wait3A_197 = arith.constant 6 : i32
      %dma_wait3A_198 = arith.constant 6 : i32
      %dma_wait3A_199 = arith.constant 0 : i32
      %dma_wait3A_200 = arith.constant 0 : i32
      %dma_wait3A_201 = tpu.memref_slice %arg8[%dma_wait3A_198, %dma_wait3A_199, %dma_wait3A_200] : memref<10x64x128xf32, #tpu.memory_space<vmem>> -> memref<1x64x128xf32, #tpu.memory_space<vmem>>
      %dma_wait3A_202 = tpu.memref_squeeze %dma_wait3A_201 : memref<1x64x128xf32, #tpu.memory_space<vmem>> -> memref<64x128xf32, #tpu.memory_space<vmem>>
      %dma_wait3A_203 = arith.constant 0 : i32
      %dma_wait3A_204 = tpu.memref_slice %arg6[%dma_wait3A_197, %dma_wait3A_203] : memref<10x64xi32, #tpu.memory_space<vmem>> -> memref<1x64xi32, #tpu.memory_space<vmem>>
      %dma_wait3A_205 = tpu.memref_squeeze %dma_wait3A_204 : memref<1x64xi32, #tpu.memory_space<vmem>> -> memref<64xi32, #tpu.memory_space<vmem>>
      %dma_wait3A_206 = arith.constant 0 : i32
      %dma_wait3A_207 = arith.constant 0 : i32
      %dma_wait3A_208 = tpu.memref_slice %arg4[%dma_wait3A_206, %dma_wait3A_207] : memref<507904x128xf32, #tpu.memory_space<hbm>> -> memref<507904x128xf32, #tpu.memory_space<hbm>>
      tpu.wait_indirect_dma semaphore(%arg10 : memref<!tpu.dma_semaphore, #tpu.memory_space<semaphore_mem>>) src(%dma_wait3A_208 : memref<507904x128xf32, #tpu.memory_space<hbm>>) dst(%dma_wait3A_202 : memref<64x128xf32, #tpu.memory_space<vmem>>)
      %dma_wait3A_209 = arith.constant 7 : i32
      %dma_wait3A_210 = arith.constant 7 : i32
      %dma_wait3A_211 = arith.constant 0 : i32
      %dma_wait3A_212 = arith.constant 0 : i32
      %dma_wait3A_213 = tpu.memref_slice %arg8[%dma_wait3A_210, %dma_wait3A_211, %dma_wait3A_212] : memref<10x64x128xf32, #tpu.memory_space<vmem>> -> memref<1x64x128xf32, #tpu.memory_space<vmem>>
      %dma_wait3A_214 = tpu.memref_squeeze %dma_wait3A_213 : memref<1x64x128xf32, #tpu.memory_space<vmem>> -> memref<64x128xf32, #tpu.memory_space<vmem>>
      %dma_wait3A_215 = arith.constant 0 : i32
      %dma_wait3A_216 = tpu.memref_slice %arg6[%dma_wait3A_209, %dma_wait3A_215] : memref<10x64xi32, #tpu.memory_space<vmem>> -> memref<1x64xi32, #tpu.memory_space<vmem>>
      %dma_wait3A_217 = tpu.memref_squeeze %dma_wait3A_216 : memref<1x64xi32, #tpu.memory_space<vmem>> -> memref<64xi32, #tpu.memory_space<vmem>>
      %dma_wait3A_218 = arith.constant 0 : i32
      %dma_wait3A_219 = arith.constant 0 : i32
      %dma_wait3A_220 = tpu.memref_slice %arg4[%dma_wait3A_218, %dma_wait3A_219] : memref<507904x128xf32, #tpu.memory_space<hbm>> -> memref<507904x128xf32, #tpu.memory_space<hbm>>
      tpu.wait_indirect_dma semaphore(%arg10 : memref<!tpu.dma_semaphore, #tpu.memory_space<semaphore_mem>>) src(%dma_wait3A_220 : memref<507904x128xf32, #tpu.memory_space<hbm>>) dst(%dma_wait3A_214 : memref<64x128xf32, #tpu.memory_space<vmem>>)
      %dma_wait3A_221 = arith.constant 8 : i32
      %dma_wait3A_222 = arith.constant 8 : i32
      %dma_wait3A_223 = arith.constant 0 : i32
      %dma_wait3A_224 = arith.constant 0 : i32
      %dma_wait3A_225 = tpu.memref_slice %arg8[%dma_wait3A_222, %dma_wait3A_223, %dma_wait3A_224] : memref<10x64x128xf32, #tpu.memory_space<vmem>> -> memref<1x64x128xf32, #tpu.memory_space<vmem>>
      %dma_wait3A_226 = tpu.memref_squeeze %dma_wait3A_225 : memref<1x64x128xf32, #tpu.memory_space<vmem>> -> memref<64x128xf32, #tpu.memory_space<vmem>>
      %dma_wait3A_227 = arith.constant 0 : i32
      %dma_wait3A_228 = tpu.memref_slice %arg6[%dma_wait3A_221, %dma_wait3A_227] : memref<10x64xi32, #tpu.memory_space<vmem>> -> memref<1x64xi32, #tpu.memory_space<vmem>>
      %dma_wait3A_229 = tpu.memref_squeeze %dma_wait3A_228 : memref<1x64xi32, #tpu.memory_space<vmem>> -> memref<64xi32, #tpu.memory_space<vmem>>
      %dma_wait3A_230 = arith.constant 0 : i32
      %dma_wait3A_231 = arith.constant 0 : i32
      %dma_wait3A_232 = tpu.memref_slice %arg4[%dma_wait3A_230, %dma_wait3A_231] : memref<507904x128xf32, #tpu.memory_space<hbm>> -> memref<507904x128xf32, #tpu.memory_space<hbm>>
      tpu.wait_indirect_dma semaphore(%arg10 : memref<!tpu.dma_semaphore, #tpu.memory_space<semaphore_mem>>) src(%dma_wait3A_232 : memref<507904x128xf32, #tpu.memory_space<hbm>>) dst(%dma_wait3A_226 : memref<64x128xf32, #tpu.memory_space<vmem>>)
      %dma_wait3A_233 = arith.constant 9 : i32
      %dma_wait3A_234 = arith.constant 9 : i32
      %dma_wait3A_235 = arith.constant 0 : i32
      %dma_wait3A_236 = arith.constant 0 : i32
      %dma_wait3A_237 = tpu.memref_slice %arg8[%dma_wait3A_234, %dma_wait3A_235, %dma_wait3A_236] : memref<10x64x128xf32, #tpu.memory_space<vmem>> -> memref<1x64x128xf32, #tpu.memory_space<vmem>>
      %dma_wait3A_238 = tpu.memref_squeeze %dma_wait3A_237 : memref<1x64x128xf32, #tpu.memory_space<vmem>> -> memref<64x128xf32, #tpu.memory_space<vmem>>
      %dma_wait3A_239 = arith.constant 0 : i32
      %dma_wait3A_240 = tpu.memref_slice %arg6[%dma_wait3A_233, %dma_wait3A_239] : memref<10x64xi32, #tpu.memory_space<vmem>> -> memref<1x64xi32, #tpu.memory_space<vmem>>
      %dma_wait3A_241 = tpu.memref_squeeze %dma_wait3A_240 : memref<1x64xi32, #tpu.memory_space<vmem>> -> memref<64xi32, #tpu.memory_space<vmem>>
      %dma_wait3A_242 = arith.constant 0 : i32
      %dma_wait3A_243 = arith.constant 0 : i32
      %dma_wait3A_244 = tpu.memref_slice %arg4[%dma_wait3A_242, %dma_wait3A_243] : memref<507904x128xf32, #tpu.memory_space<hbm>> -> memref<507904x128xf32, #tpu.memory_space<hbm>>
      tpu.wait_indirect_dma semaphore(%arg10 : memref<!tpu.dma_semaphore, #tpu.memory_space<semaphore_mem>>) src(%dma_wait3A_244 : memref<507904x128xf32, #tpu.memory_space<hbm>>) dst(%dma_wait3A_238 : memref<64x128xf32, #tpu.memory_space<vmem>>)
      %parallel_loop3A = arith.constant 0 : i32
      %parallel_loop3A_245 = arith.constant 64 : i32
      %parallel_loop3A_246 = arith.constant 1 : i32
      scf.for %parallel_loop3A_252 = %parallel_loop3A to %parallel_loop3A_245 step %parallel_loop3A_246  : i32 {
        %parallel_loop3A_253 = arith.constant 0 : i32
        %parallel_loop3A_254 = arith.index_cast %parallel_loop3A_253 : i32 to index
        %parallel_loop3A_255 = arith.index_cast %parallel_loop3A_252 : i32 to index
        %parallel_loop3A_256 = tpu.vector_load %arg7[%parallel_loop3A_254, %parallel_loop3A_255] {strides = array<i32>} : memref<10x64xi32, #tpu.memory_space<vmem>>, vector<1x1xi32>,
        %parallel_loop3A_257 = vector.shape_cast %parallel_loop3A_256 : vector<1x1xi32> to vector<1xi32>
        %parallel_loop3A_258 = vector.extract %parallel_loop3A_257[0] : i32 from vector<1xi32>
        %parallel_loop3A_259 = arith.constant 1 : i32
        %parallel_loop3A_260 = arith.index_cast %parallel_loop3A_259 : i32 to index
        %parallel_loop3A_261 = arith.index_cast %parallel_loop3A_252 : i32 to index
        %parallel_loop3A_262 = tpu.vector_load %arg7[%parallel_loop3A_260, %parallel_loop3A_261] {strides = array<i32>} : memref<10x64xi32, #tpu.memory_space<vmem>>, vector<1x1xi32>,
        %parallel_loop3A_263 = vector.shape_cast %parallel_loop3A_262 : vector<1x1xi32> to vector<1xi32>
        %parallel_loop3A_264 = vector.extract %parallel_loop3A_263[0] : i32 from vector<1xi32>
        %parallel_loop3A_265 = arith.constant 2 : i32
        %parallel_loop3A_266 = arith.index_cast %parallel_loop3A_265 : i32 to index
        %parallel_loop3A_267 = arith.index_cast %parallel_loop3A_252 : i32 to index
        %parallel_loop3A_268 = tpu.vector_load %arg7[%parallel_loop3A_266, %parallel_loop3A_267] {strides = array<i32>} : memref<10x64xi32, #tpu.memory_space<vmem>>, vector<1x1xi32>,
        %parallel_loop3A_269 = vector.shape_cast %parallel_loop3A_268 : vector<1x1xi32> to vector<1xi32>
        %parallel_loop3A_270 = vector.extract %parallel_loop3A_269[0] : i32 from vector<1xi32>
        %parallel_loop3A_271 = arith.constant 3 : i32
        %parallel_loop3A_272 = arith.index_cast %parallel_loop3A_271 : i32 to index
        %parallel_loop3A_273 = arith.index_cast %parallel_loop3A_252 : i32 to index
        %parallel_loop3A_274 = tpu.vector_load %arg7[%parallel_loop3A_272, %parallel_loop3A_273] {strides = array<i32>} : memref<10x64xi32, #tpu.memory_space<vmem>>, vector<1x1xi32>,
        %parallel_loop3A_275 = vector.shape_cast %parallel_loop3A_274 : vector<1x1xi32> to vector<1xi32>
        %parallel_loop3A_276 = vector.extract %parallel_loop3A_275[0] : i32 from vector<1xi32>
        %parallel_loop3A_277 = arith.constant 4 : i32
        %parallel_loop3A_278 = arith.index_cast %parallel_loop3A_277 : i32 to index
        %parallel_loop3A_279 = arith.index_cast %parallel_loop3A_252 : i32 to index
        %parallel_loop3A_280 = tpu.vector_load %arg7[%parallel_loop3A_278, %parallel_loop3A_279] {strides = array<i32>} : memref<10x64xi32, #tpu.memory_space<vmem>>, vector<1x1xi32>,
        %parallel_loop3A_281 = vector.shape_cast %parallel_loop3A_280 : vector<1x1xi32> to vector<1xi32>
        %parallel_loop3A_282 = vector.extract %parallel_loop3A_281[0] : i32 from vector<1xi32>
        %parallel_loop3A_283 = arith.constant 5 : i32
        %parallel_loop3A_284 = arith.index_cast %parallel_loop3A_283 : i32 to index
        %parallel_loop3A_285 = arith.index_cast %parallel_loop3A_252 : i32 to index
        %parallel_loop3A_286 = tpu.vector_load %arg7[%parallel_loop3A_284, %parallel_loop3A_285] {strides = array<i32>} : memref<10x64xi32, #tpu.memory_space<vmem>>, vector<1x1xi32>,
        %parallel_loop3A_287 = vector.shape_cast %parallel_loop3A_286 : vector<1x1xi32> to vector<1xi32>
        %parallel_loop3A_288 = vector.extract %parallel_loop3A_287[0] : i32 from vector<1xi32>
        %parallel_loop3A_289 = arith.constant 6 : i32
        %parallel_loop3A_290 = arith.index_cast %parallel_loop3A_289 : i32 to index
        %parallel_loop3A_291 = arith.index_cast %parallel_loop3A_252 : i32 to index
        %parallel_loop3A_292 = tpu.vector_load %arg7[%parallel_loop3A_290, %parallel_loop3A_291] {strides = array<i32>} : memref<10x64xi32, #tpu.memory_space<vmem>>, vector<1x1xi32>,
        %parallel_loop3A_293 = vector.shape_cast %parallel_loop3A_292 : vector<1x1xi32> to vector<1xi32>
        %parallel_loop3A_294 = vector.extract %parallel_loop3A_293[0] : i32 from vector<1xi32>
        %parallel_loop3A_295 = arith.constant 7 : i32
        %parallel_loop3A_296 = arith.index_cast %parallel_loop3A_295 : i32 to index
        %parallel_loop3A_297 = arith.index_cast %parallel_loop3A_252 : i32 to index
        %parallel_loop3A_298 = tpu.vector_load %arg7[%parallel_loop3A_296, %parallel_loop3A_297] {strides = array<i32>} : memref<10x64xi32, #tpu.memory_space<vmem>>, vector<1x1xi32>,
        %parallel_loop3A_299 = vector.shape_cast %parallel_loop3A_298 : vector<1x1xi32> to vector<1xi32>
        %parallel_loop3A_300 = vector.extract %parallel_loop3A_299[0] : i32 from vector<1xi32>
        %parallel_loop3A_301 = arith.constant 8 : i32
        %parallel_loop3A_302 = arith.index_cast %parallel_loop3A_301 : i32 to index
        %parallel_loop3A_303 = arith.index_cast %parallel_loop3A_252 : i32 to index
        %parallel_loop3A_304 = tpu.vector_load %arg7[%parallel_loop3A_302, %parallel_loop3A_303] {strides = array<i32>} : memref<10x64xi32, #tpu.memory_space<vmem>>, vector<1x1xi32>,
        %parallel_loop3A_305 = vector.shape_cast %parallel_loop3A_304 : vector<1x1xi32> to vector<1xi32>
        %parallel_loop3A_306 = vector.extract %parallel_loop3A_305[0] : i32 from vector<1xi32>
        %parallel_loop3A_307 = arith.constant 9 : i32
        %parallel_loop3A_308 = arith.index_cast %parallel_loop3A_307 : i32 to index
        %parallel_loop3A_309 = arith.index_cast %parallel_loop3A_252 : i32 to index
        %parallel_loop3A_310 = tpu.vector_load %arg7[%parallel_loop3A_308, %parallel_loop3A_309] {strides = array<i32>} : memref<10x64xi32, #tpu.memory_space<vmem>>, vector<1x1xi32>,
        %parallel_loop3A_311 = vector.shape_cast %parallel_loop3A_310 : vector<1x1xi32> to vector<1xi32>
        %parallel_loop3A_312 = vector.extract %parallel_loop3A_311[0] : i32 from vector<1xi32>
        %parallel_loop3A_313 = arith.constant 0 : i32
        %parallel_loop3A_314 = arith.addi %parallel_loop3A_258, %parallel_loop3A_313 : i32
        %parallel_loop3A_315 = arith.constant 0 : i32
        %parallel_loop3A_316 = arith.index_cast %parallel_loop3A_315 : i32 to index
        %parallel_loop3A_317 = arith.index_cast %parallel_loop3A_252 : i32 to index
        %parallel_loop3A_318 = arith.index_cast %parallel_loop3A_314 : i32 to index
        %parallel_loop3A_319 = tpu.vector_load %arg8[%parallel_loop3A_316, %parallel_loop3A_317, %parallel_loop3A_318] {strides = array<i32>} : memref<10x64x128xf32, #tpu.memory_space<vmem>>, vector<1x1x16xf32>,
        %parallel_loop3A_320 = vector.shape_cast %parallel_loop3A_319 : vector<1x1x16xf32> to vector<16xf32>
        %parallel_loop3A_321 = arith.constant 0 : i32
        %parallel_loop3A_322 = arith.addi %parallel_loop3A_264, %parallel_loop3A_321 : i32
        %parallel_loop3A_323 = arith.constant 1 : i32
        %parallel_loop3A_324 = arith.index_cast %parallel_loop3A_323 : i32 to index
        %parallel_loop3A_325 = arith.index_cast %parallel_loop3A_252 : i32 to index
        %parallel_loop3A_326 = arith.index_cast %parallel_loop3A_322 : i32 to index
        %parallel_loop3A_327 = tpu.vector_load %arg8[%parallel_loop3A_324, %parallel_loop3A_325, %parallel_loop3A_326] {strides = array<i32>} : memref<10x64x128xf32, #tpu.memory_space<vmem>>, vector<1x1x16xf32>,
        %parallel_loop3A_328 = vector.shape_cast %parallel_loop3A_327 : vector<1x1x16xf32> to vector<16xf32>
        %parallel_loop3A_329 = arith.addf %parallel_loop3A_320, %parallel_loop3A_328 : vector<16xf32>
        %parallel_loop3A_330 = arith.constant 0 : i32
        %parallel_loop3A_331 = arith.addi %parallel_loop3A_270, %parallel_loop3A_330 : i32
        %parallel_loop3A_332 = arith.constant 2 : i32
        %parallel_loop3A_333 = arith.index_cast %parallel_loop3A_332 : i32 to index
        %parallel_loop3A_334 = arith.index_cast %parallel_loop3A_252 : i32 to index
        %parallel_loop3A_335 = arith.index_cast %parallel_loop3A_331 : i32 to index
        %parallel_loop3A_336 = tpu.vector_load %arg8[%parallel_loop3A_333, %parallel_loop3A_334, %parallel_loop3A_335] {strides = array<i32>} : memref<10x64x128xf32, #tpu.memory_space<vmem>>, vector<1x1x16xf32>,
        %parallel_loop3A_337 = vector.shape_cast %parallel_loop3A_336 : vector<1x1x16xf32> to vector<16xf32>
        %parallel_loop3A_338 = arith.addf %parallel_loop3A_329, %parallel_loop3A_337 : vector<16xf32>
        %parallel_loop3A_339 = arith.constant 0 : i32
        %parallel_loop3A_340 = arith.addi %parallel_loop3A_276, %parallel_loop3A_339 : i32
        %parallel_loop3A_341 = arith.constant 3 : i32
        %parallel_loop3A_342 = arith.index_cast %parallel_loop3A_341 : i32 to index
        %parallel_loop3A_343 = arith.index_cast %parallel_loop3A_252 : i32 to index
        %parallel_loop3A_344 = arith.index_cast %parallel_loop3A_340 : i32 to index
        %parallel_loop3A_345 = tpu.vector_load %arg8[%parallel_loop3A_342, %parallel_loop3A_343, %parallel_loop3A_344] {strides = array<i32>} : memref<10x64x128xf32, #tpu.memory_space<vmem>>, vector<1x1x16xf32>,
        %parallel_loop3A_346 = vector.shape_cast %parallel_loop3A_345 : vector<1x1x16xf32> to vector<16xf32>
        %parallel_loop3A_347 = arith.addf %parallel_loop3A_338, %parallel_loop3A_346 : vector<16xf32>
        %parallel_loop3A_348 = arith.constant 0 : i32
        %parallel_loop3A_349 = arith.addi %parallel_loop3A_282, %parallel_loop3A_348 : i32
        %parallel_loop3A_350 = arith.constant 4 : i32
        %parallel_loop3A_351 = arith.index_cast %parallel_loop3A_350 : i32 to index
        %parallel_loop3A_352 = arith.index_cast %parallel_loop3A_252 : i32 to index
        %parallel_loop3A_353 = arith.index_cast %parallel_loop3A_349 : i32 to index
        %parallel_loop3A_354 = tpu.vector_load %arg8[%parallel_loop3A_351, %parallel_loop3A_352, %parallel_loop3A_353] {strides = array<i32>} : memref<10x64x128xf32, #tpu.memory_space<vmem>>, vector<1x1x16xf32>,
        %parallel_loop3A_355 = vector.shape_cast %parallel_loop3A_354 : vector<1x1x16xf32> to vector<16xf32>
        %parallel_loop3A_356 = arith.addf %parallel_loop3A_347, %parallel_loop3A_355 : vector<16xf32>
        %parallel_loop3A_357 = arith.constant 0 : i32
        %parallel_loop3A_358 = arith.addi %parallel_loop3A_288, %parallel_loop3A_357 : i32
        %parallel_loop3A_359 = arith.constant 5 : i32
        %parallel_loop3A_360 = arith.index_cast %parallel_loop3A_359 : i32 to index
        %parallel_loop3A_361 = arith.index_cast %parallel_loop3A_252 : i32 to index
        %parallel_loop3A_362 = arith.index_cast %parallel_loop3A_358 : i32 to index
        %parallel_loop3A_363 = tpu.vector_load %arg8[%parallel_loop3A_360, %parallel_loop3A_361, %parallel_loop3A_362] {strides = array<i32>} : memref<10x64x128xf32, #tpu.memory_space<vmem>>, vector<1x1x16xf32>,
        %parallel_loop3A_364 = vector.shape_cast %parallel_loop3A_363 : vector<1x1x16xf32> to vector<16xf32>
        %parallel_loop3A_365 = arith.addf %parallel_loop3A_356, %parallel_loop3A_364 : vector<16xf32>
        %parallel_loop3A_366 = arith.constant 0 : i32
        %parallel_loop3A_367 = arith.addi %parallel_loop3A_294, %parallel_loop3A_366 : i32
        %parallel_loop3A_368 = arith.constant 6 : i32
        %parallel_loop3A_369 = arith.index_cast %parallel_loop3A_368 : i32 to index
        %parallel_loop3A_370 = arith.index_cast %parallel_loop3A_252 : i32 to index
        %parallel_loop3A_371 = arith.index_cast %parallel_loop3A_367 : i32 to index
        %parallel_loop3A_372 = tpu.vector_load %arg8[%parallel_loop3A_369, %parallel_loop3A_370, %parallel_loop3A_371] {strides = array<i32>} : memref<10x64x128xf32, #tpu.memory_space<vmem>>, vector<1x1x16xf32>,
        %parallel_loop3A_373 = vector.shape_cast %parallel_loop3A_372 : vector<1x1x16xf32> to vector<16xf32>
        %parallel_loop3A_374 = arith.addf %parallel_loop3A_365, %parallel_loop3A_373 : vector<16xf32>
        %parallel_loop3A_375 = arith.constant 0 : i32
        %parallel_loop3A_376 = arith.addi %parallel_loop3A_300, %parallel_loop3A_375 : i32
        %parallel_loop3A_377 = arith.constant 7 : i32
        %parallel_loop3A_378 = arith.index_cast %parallel_loop3A_377 : i32 to index
        %parallel_loop3A_379 = arith.index_cast %parallel_loop3A_252 : i32 to index
        %parallel_loop3A_380 = arith.index_cast %parallel_loop3A_376 : i32 to index
        %parallel_loop3A_381 = tpu.vector_load %arg8[%parallel_loop3A_378, %parallel_loop3A_379, %parallel_loop3A_380] {strides = array<i32>} : memref<10x64x128xf32, #tpu.memory_space<vmem>>, vector<1x1x16xf32>,
        %parallel_loop3A_382 = vector.shape_cast %parallel_loop3A_381 : vector<1x1x16xf32> to vector<16xf32>
        %parallel_loop3A_383 = arith.addf %parallel_loop3A_374, %parallel_loop3A_382 : vector<16xf32>
        %parallel_loop3A_384 = arith.constant 0 : i32
        %parallel_loop3A_385 = arith.addi %parallel_loop3A_306, %parallel_loop3A_384 : i32
        %parallel_loop3A_386 = arith.constant 8 : i32
        %parallel_loop3A_387 = arith.index_cast %parallel_loop3A_386 : i32 to index
        %parallel_loop3A_388 = arith.index_cast %parallel_loop3A_252 : i32 to index
        %parallel_loop3A_389 = arith.index_cast %parallel_loop3A_385 : i32 to index
        %parallel_loop3A_390 = tpu.vector_load %arg8[%parallel_loop3A_387, %parallel_loop3A_388, %parallel_loop3A_389] {strides = array<i32>} : memref<10x64x128xf32, #tpu.memory_space<vmem>>, vector<1x1x16xf32>,
        %parallel_loop3A_391 = vector.shape_cast %parallel_loop3A_390 : vector<1x1x16xf32> to vector<16xf32>
        %parallel_loop3A_392 = arith.addf %parallel_loop3A_383, %parallel_loop3A_391 : vector<16xf32>
        %parallel_loop3A_393 = arith.constant 0 : i32
        %parallel_loop3A_394 = arith.addi %parallel_loop3A_312, %parallel_loop3A_393 : i32
        %parallel_loop3A_395 = arith.constant 9 : i32
        %parallel_loop3A_396 = arith.index_cast %parallel_loop3A_395 : i32 to index
        %parallel_loop3A_397 = arith.index_cast %parallel_loop3A_252 : i32 to index
        %parallel_loop3A_398 = arith.index_cast %parallel_loop3A_394 : i32 to index
        %parallel_loop3A_399 = tpu.vector_load %arg8[%parallel_loop3A_396, %parallel_loop3A_397, %parallel_loop3A_398] {strides = array<i32>} : memref<10x64x128xf32, #tpu.memory_space<vmem>>, vector<1x1x16xf32>,
        %parallel_loop3A_400 = vector.shape_cast %parallel_loop3A_399 : vector<1x1x16xf32> to vector<16xf32>
        %parallel_loop3A_401 = arith.addf %parallel_loop3A_392, %parallel_loop3A_400 : vector<16xf32>
        %parallel_loop3A_402 = arith.constant 1.000000e-01 : f32
        %parallel_loop3A_403 = vector.broadcast %parallel_loop3A_402 : f32 to vector<16xf32>
        %parallel_loop3A_404 = arith.mulf %parallel_loop3A_401, %parallel_loop3A_403 : vector<16xf32>
        %parallel_loop3A_405 = arith.index_cast %parallel_loop3A_252 : i32 to index
        %parallel_loop3A_406 = arith.constant 0 : index
        %parallel_loop3A_407 = tpu.vector_load %arg9[%parallel_loop3A_405, %parallel_loop3A_406] {strides = array<i32>} : memref<64x64xf32, #tpu.memory_space<vmem>>, vector<1x16xf32>,
        %parallel_loop3A_408 = vector.shape_cast %parallel_loop3A_407 : vector<1x16xf32> to vector<16xf32>
        %parallel_loop3A_409 = vector.shape_cast %parallel_loop3A_404 : vector<16xf32> to vector<1x16xf32>
        tpu.vector_store %arg9[%parallel_loop3A_405, %parallel_loop3A_406], %parallel_loop3A_409 {strides = array<i32>} : memref<64x64xf32, #tpu.memory_space<vmem>>, vector<1x16xf32>,
        %parallel_loop3A_410 = arith.constant 16 : i32
        %parallel_loop3A_411 = arith.addi %parallel_loop3A_258, %parallel_loop3A_410 : i32
        %parallel_loop3A_412 = arith.constant 0 : i32
        %parallel_loop3A_413 = arith.index_cast %parallel_loop3A_412 : i32 to index
        %parallel_loop3A_414 = arith.index_cast %parallel_loop3A_252 : i32 to index
        %parallel_loop3A_415 = arith.index_cast %parallel_loop3A_411 : i32 to index
        %parallel_loop3A_416 = tpu.vector_load %arg8[%parallel_loop3A_413, %parallel_loop3A_414, %parallel_loop3A_415] {strides = array<i32>} : memref<10x64x128xf32, #tpu.memory_space<vmem>>, vector<1x1x16xf32>,
        %parallel_loop3A_417 = vector.shape_cast %parallel_loop3A_416 : vector<1x1x16xf32> to vector<16xf32>
        %parallel_loop3A_418 = arith.constant 16 : i32
        %parallel_loop3A_419 = arith.addi %parallel_loop3A_264, %parallel_loop3A_418 : i32
        %parallel_loop3A_420 = arith.constant 1 : i32
        %parallel_loop3A_421 = arith.index_cast %parallel_loop3A_420 : i32 to index
        %parallel_loop3A_422 = arith.index_cast %parallel_loop3A_252 : i32 to index
        %parallel_loop3A_423 = arith.index_cast %parallel_loop3A_419 : i32 to index
        %parallel_loop3A_424 = tpu.vector_load %arg8[%parallel_loop3A_421, %parallel_loop3A_422, %parallel_loop3A_423] {strides = array<i32>} : memref<10x64x128xf32, #tpu.memory_space<vmem>>, vector<1x1x16xf32>,
        %parallel_loop3A_425 = vector.shape_cast %parallel_loop3A_424 : vector<1x1x16xf32> to vector<16xf32>
        %parallel_loop3A_426 = arith.addf %parallel_loop3A_417, %parallel_loop3A_425 : vector<16xf32>
        %parallel_loop3A_427 = arith.constant 16 : i32
        %parallel_loop3A_428 = arith.addi %parallel_loop3A_270, %parallel_loop3A_427 : i32
        %parallel_loop3A_429 = arith.constant 2 : i32
        %parallel_loop3A_430 = arith.index_cast %parallel_loop3A_429 : i32 to index
        %parallel_loop3A_431 = arith.index_cast %parallel_loop3A_252 : i32 to index
        %parallel_loop3A_432 = arith.index_cast %parallel_loop3A_428 : i32 to index
        %parallel_loop3A_433 = tpu.vector_load %arg8[%parallel_loop3A_430, %parallel_loop3A_431, %parallel_loop3A_432] {strides = array<i32>} : memref<10x64x128xf32, #tpu.memory_space<vmem>>, vector<1x1x16xf32>,
        %parallel_loop3A_434 = vector.shape_cast %parallel_loop3A_433 : vector<1x1x16xf32> to vector<16xf32>
        %parallel_loop3A_435 = arith.addf %parallel_loop3A_426, %parallel_loop3A_434 : vector<16xf32>
        %parallel_loop3A_436 = arith.constant 16 : i32
        %parallel_loop3A_437 = arith.addi %parallel_loop3A_276, %parallel_loop3A_436 : i32
        %parallel_loop3A_438 = arith.constant 3 : i32
        %parallel_loop3A_439 = arith.index_cast %parallel_loop3A_438 : i32 to index
        %parallel_loop3A_440 = arith.index_cast %parallel_loop3A_252 : i32 to index
        %parallel_loop3A_441 = arith.index_cast %parallel_loop3A_437 : i32 to index
        %parallel_loop3A_442 = tpu.vector_load %arg8[%parallel_loop3A_439, %parallel_loop3A_440, %parallel_loop3A_441] {strides = array<i32>} : memref<10x64x128xf32, #tpu.memory_space<vmem>>, vector<1x1x16xf32>,
        %parallel_loop3A_443 = vector.shape_cast %parallel_loop3A_442 : vector<1x1x16xf32> to vector<16xf32>
        %parallel_loop3A_444 = arith.addf %parallel_loop3A_435, %parallel_loop3A_443 : vector<16xf32>
        %parallel_loop3A_445 = arith.constant 16 : i32
        %parallel_loop3A_446 = arith.addi %parallel_loop3A_282, %parallel_loop3A_445 : i32
        %parallel_loop3A_447 = arith.constant 4 : i32
        %parallel_loop3A_448 = arith.index_cast %parallel_loop3A_447 : i32 to index
        %parallel_loop3A_449 = arith.index_cast %parallel_loop3A_252 : i32 to index
        %parallel_loop3A_450 = arith.index_cast %parallel_loop3A_446 : i32 to index
        %parallel_loop3A_451 = tpu.vector_load %arg8[%parallel_loop3A_448, %parallel_loop3A_449, %parallel_loop3A_450] {strides = array<i32>} : memref<10x64x128xf32, #tpu.memory_space<vmem>>, vector<1x1x16xf32>,
        %parallel_loop3A_452 = vector.shape_cast %parallel_loop3A_451 : vector<1x1x16xf32> to vector<16xf32>
        %parallel_loop3A_453 = arith.addf %parallel_loop3A_444, %parallel_loop3A_452 : vector<16xf32>
        %parallel_loop3A_454 = arith.constant 16 : i32
        %parallel_loop3A_455 = arith.addi %parallel_loop3A_288, %parallel_loop3A_454 : i32
        %parallel_loop3A_456 = arith.constant 5 : i32
        %parallel_loop3A_457 = arith.index_cast %parallel_loop3A_456 : i32 to index
        %parallel_loop3A_458 = arith.index_cast %parallel_loop3A_252 : i32 to index
        %parallel_loop3A_459 = arith.index_cast %parallel_loop3A_455 : i32 to index
        %parallel_loop3A_460 = tpu.vector_load %arg8[%parallel_loop3A_457, %parallel_loop3A_458, %parallel_loop3A_459] {strides = array<i32>} : memref<10x64x128xf32, #tpu.memory_space<vmem>>, vector<1x1x16xf32>,
        %parallel_loop3A_461 = vector.shape_cast %parallel_loop3A_460 : vector<1x1x16xf32> to vector<16xf32>
        %parallel_loop3A_462 = arith.addf %parallel_loop3A_453, %parallel_loop3A_461 : vector<16xf32>
        %parallel_loop3A_463 = arith.constant 16 : i32
        %parallel_loop3A_464 = arith.addi %parallel_loop3A_294, %parallel_loop3A_463 : i32
        %parallel_loop3A_465 = arith.constant 6 : i32
        %parallel_loop3A_466 = arith.index_cast %parallel_loop3A_465 : i32 to index
        %parallel_loop3A_467 = arith.index_cast %parallel_loop3A_252 : i32 to index
        %parallel_loop3A_468 = arith.index_cast %parallel_loop3A_464 : i32 to index
        %parallel_loop3A_469 = tpu.vector_load %arg8[%parallel_loop3A_466, %parallel_loop3A_467, %parallel_loop3A_468] {strides = array<i32>} : memref<10x64x128xf32, #tpu.memory_space<vmem>>, vector<1x1x16xf32>,
        %parallel_loop3A_470 = vector.shape_cast %parallel_loop3A_469 : vector<1x1x16xf32> to vector<16xf32>
        %parallel_loop3A_471 = arith.addf %parallel_loop3A_462, %parallel_loop3A_470 : vector<16xf32>
        %parallel_loop3A_472 = arith.constant 16 : i32
        %parallel_loop3A_473 = arith.addi %parallel_loop3A_300, %parallel_loop3A_472 : i32
        %parallel_loop3A_474 = arith.constant 7 : i32
        %parallel_loop3A_475 = arith.index_cast %parallel_loop3A_474 : i32 to index
        %parallel_loop3A_476 = arith.index_cast %parallel_loop3A_252 : i32 to index
        %parallel_loop3A_477 = arith.index_cast %parallel_loop3A_473 : i32 to index
        %parallel_loop3A_478 = tpu.vector_load %arg8[%parallel_loop3A_475, %parallel_loop3A_476, %parallel_loop3A_477] {strides = array<i32>} : memref<10x64x128xf32, #tpu.memory_space<vmem>>, vector<1x1x16xf32>,
        %parallel_loop3A_479 = vector.shape_cast %parallel_loop3A_478 : vector<1x1x16xf32> to vector<16xf32>
        %parallel_loop3A_480 = arith.addf %parallel_loop3A_471, %parallel_loop3A_479 : vector<16xf32>
        %parallel_loop3A_481 = arith.constant 16 : i32
        %parallel_loop3A_482 = arith.addi %parallel_loop3A_306, %parallel_loop3A_481 : i32
        %parallel_loop3A_483 = arith.constant 8 : i32
        %parallel_loop3A_484 = arith.index_cast %parallel_loop3A_483 : i32 to index
        %parallel_loop3A_485 = arith.index_cast %parallel_loop3A_252 : i32 to index
        %parallel_loop3A_486 = arith.index_cast %parallel_loop3A_482 : i32 to index
        %parallel_loop3A_487 = tpu.vector_load %arg8[%parallel_loop3A_484, %parallel_loop3A_485, %parallel_loop3A_486] {strides = array<i32>} : memref<10x64x128xf32, #tpu.memory_space<vmem>>, vector<1x1x16xf32>,
        %parallel_loop3A_488 = vector.shape_cast %parallel_loop3A_487 : vector<1x1x16xf32> to vector<16xf32>
        %parallel_loop3A_489 = arith.addf %parallel_loop3A_480, %parallel_loop3A_488 : vector<16xf32>
        %parallel_loop3A_490 = arith.constant 16 : i32
        %parallel_loop3A_491 = arith.addi %parallel_loop3A_312, %parallel_loop3A_490 : i32
        %parallel_loop3A_492 = arith.constant 9 : i32
        %parallel_loop3A_493 = arith.index_cast %parallel_loop3A_492 : i32 to index
        %parallel_loop3A_494 = arith.index_cast %parallel_loop3A_252 : i32 to index
        %parallel_loop3A_495 = arith.index_cast %parallel_loop3A_491 : i32 to index
        %parallel_loop3A_496 = tpu.vector_load %arg8[%parallel_loop3A_493, %parallel_loop3A_494, %parallel_loop3A_495] {strides = array<i32>} : memref<10x64x128xf32, #tpu.memory_space<vmem>>, vector<1x1x16xf32>,
        %parallel_loop3A_497 = vector.shape_cast %parallel_loop3A_496 : vector<1x1x16xf32> to vector<16xf32>
        %parallel_loop3A_498 = arith.addf %parallel_loop3A_489, %parallel_loop3A_497 : vector<16xf32>
        %parallel_loop3A_499 = arith.constant 1.000000e-01 : f32
        %parallel_loop3A_500 = vector.broadcast %parallel_loop3A_499 : f32 to vector<16xf32>
        %parallel_loop3A_501 = arith.mulf %parallel_loop3A_498, %parallel_loop3A_500 : vector<16xf32>
        %parallel_loop3A_502 = arith.index_cast %parallel_loop3A_252 : i32 to index
        %parallel_loop3A_503 = arith.constant 16 : index
        %parallel_loop3A_504 = tpu.vector_load %arg9[%parallel_loop3A_502, %parallel_loop3A_503] {strides = array<i32>} : memref<64x64xf32, #tpu.memory_space<vmem>>, vector<1x16xf32>,
        %parallel_loop3A_505 = vector.shape_cast %parallel_loop3A_504 : vector<1x16xf32> to vector<16xf32>
        %parallel_loop3A_506 = vector.shape_cast %parallel_loop3A_501 : vector<16xf32> to vector<1x16xf32>
        tpu.vector_store %arg9[%parallel_loop3A_502, %parallel_loop3A_503], %parallel_loop3A_506 {strides = array<i32>} : memref<64x64xf32, #tpu.memory_space<vmem>>, vector<1x16xf32>,
        %parallel_loop3A_507 = arith.constant 32 : i32
        %parallel_loop3A_508 = arith.addi %parallel_loop3A_258, %parallel_loop3A_507 : i32
        %parallel_loop3A_509 = arith.constant 0 : i32
        %parallel_loop3A_510 = arith.index_cast %parallel_loop3A_509 : i32 to index
        %parallel_loop3A_511 = arith.index_cast %parallel_loop3A_252 : i32 to index
        %parallel_loop3A_512 = arith.index_cast %parallel_loop3A_508 : i32 to index
        %parallel_loop3A_513 = tpu.vector_load %arg8[%parallel_loop3A_510, %parallel_loop3A_511, %parallel_loop3A_512] {strides = array<i32>} : memref<10x64x128xf32, #tpu.memory_space<vmem>>, vector<1x1x16xf32>,
        %parallel_loop3A_514 = vector.shape_cast %parallel_loop3A_513 : vector<1x1x16xf32> to vector<16xf32>
        %parallel_loop3A_515 = arith.constant 32 : i32
        %parallel_loop3A_516 = arith.addi %parallel_loop3A_264, %parallel_loop3A_515 : i32
        %parallel_loop3A_517 = arith.constant 1 : i32
        %parallel_loop3A_518 = arith.index_cast %parallel_loop3A_517 : i32 to index
        %parallel_loop3A_519 = arith.index_cast %parallel_loop3A_252 : i32 to index
        %parallel_loop3A_520 = arith.index_cast %parallel_loop3A_516 : i32 to index
        %parallel_loop3A_521 = tpu.vector_load %arg8[%parallel_loop3A_518, %parallel_loop3A_519, %parallel_loop3A_520] {strides = array<i32>} : memref<10x64x128xf32, #tpu.memory_space<vmem>>, vector<1x1x16xf32>,
        %parallel_loop3A_522 = vector.shape_cast %parallel_loop3A_521 : vector<1x1x16xf32> to vector<16xf32>
        %parallel_loop3A_523 = arith.addf %parallel_loop3A_514, %parallel_loop3A_522 : vector<16xf32>
        %parallel_loop3A_524 = arith.constant 32 : i32
        %parallel_loop3A_525 = arith.addi %parallel_loop3A_270, %parallel_loop3A_524 : i32
        %parallel_loop3A_526 = arith.constant 2 : i32
        %parallel_loop3A_527 = arith.index_cast %parallel_loop3A_526 : i32 to index
        %parallel_loop3A_528 = arith.index_cast %parallel_loop3A_252 : i32 to index
        %parallel_loop3A_529 = arith.index_cast %parallel_loop3A_525 : i32 to index
        %parallel_loop3A_530 = tpu.vector_load %arg8[%parallel_loop3A_527, %parallel_loop3A_528, %parallel_loop3A_529] {strides = array<i32>} : memref<10x64x128xf32, #tpu.memory_space<vmem>>, vector<1x1x16xf32>,
        %parallel_loop3A_531 = vector.shape_cast %parallel_loop3A_530 : vector<1x1x16xf32> to vector<16xf32>
        %parallel_loop3A_532 = arith.addf %parallel_loop3A_523, %parallel_loop3A_531 : vector<16xf32>
        %parallel_loop3A_533 = arith.constant 32 : i32
        %parallel_loop3A_534 = arith.addi %parallel_loop3A_276, %parallel_loop3A_533 : i32
        %parallel_loop3A_535 = arith.constant 3 : i32
        %parallel_loop3A_536 = arith.index_cast %parallel_loop3A_535 : i32 to index
        %parallel_loop3A_537 = arith.index_cast %parallel_loop3A_252 : i32 to index
        %parallel_loop3A_538 = arith.index_cast %parallel_loop3A_534 : i32 to index
        %parallel_loop3A_539 = tpu.vector_load %arg8[%parallel_loop3A_536, %parallel_loop3A_537, %parallel_loop3A_538] {strides = array<i32>} : memref<10x64x128xf32, #tpu.memory_space<vmem>>, vector<1x1x16xf32>,
        %parallel_loop3A_540 = vector.shape_cast %parallel_loop3A_539 : vector<1x1x16xf32> to vector<16xf32>
        %parallel_loop3A_541 = arith.addf %parallel_loop3A_532, %parallel_loop3A_540 : vector<16xf32>
        %parallel_loop3A_542 = arith.constant 32 : i32
        %parallel_loop3A_543 = arith.addi %parallel_loop3A_282, %parallel_loop3A_542 : i32
        %parallel_loop3A_544 = arith.constant 4 : i32
        %parallel_loop3A_545 = arith.index_cast %parallel_loop3A_544 : i32 to index
        %parallel_loop3A_546 = arith.index_cast %parallel_loop3A_252 : i32 to index
        %parallel_loop3A_547 = arith.index_cast %parallel_loop3A_543 : i32 to index
        %parallel_loop3A_548 = tpu.vector_load %arg8[%parallel_loop3A_545, %parallel_loop3A_546, %parallel_loop3A_547] {strides = array<i32>} : memref<10x64x128xf32, #tpu.memory_space<vmem>>, vector<1x1x16xf32>,
        %parallel_loop3A_549 = vector.shape_cast %parallel_loop3A_548 : vector<1x1x16xf32> to vector<16xf32>
        %parallel_loop3A_550 = arith.addf %parallel_loop3A_541, %parallel_loop3A_549 : vector<16xf32>
        %parallel_loop3A_551 = arith.constant 32 : i32
        %parallel_loop3A_552 = arith.addi %parallel_loop3A_288, %parallel_loop3A_551 : i32
        %parallel_loop3A_553 = arith.constant 5 : i32
        %parallel_loop3A_554 = arith.index_cast %parallel_loop3A_553 : i32 to index
        %parallel_loop3A_555 = arith.index_cast %parallel_loop3A_252 : i32 to index
        %parallel_loop3A_556 = arith.index_cast %parallel_loop3A_552 : i32 to index
        %parallel_loop3A_557 = tpu.vector_load %arg8[%parallel_loop3A_554, %parallel_loop3A_555, %parallel_loop3A_556] {strides = array<i32>} : memref<10x64x128xf32, #tpu.memory_space<vmem>>, vector<1x1x16xf32>,
        %parallel_loop3A_558 = vector.shape_cast %parallel_loop3A_557 : vector<1x1x16xf32> to vector<16xf32>
        %parallel_loop3A_559 = arith.addf %parallel_loop3A_550, %parallel_loop3A_558 : vector<16xf32>
        %parallel_loop3A_560 = arith.constant 32 : i32
        %parallel_loop3A_561 = arith.addi %parallel_loop3A_294, %parallel_loop3A_560 : i32
        %parallel_loop3A_562 = arith.constant 6 : i32
        %parallel_loop3A_563 = arith.index_cast %parallel_loop3A_562 : i32 to index
        %parallel_loop3A_564 = arith.index_cast %parallel_loop3A_252 : i32 to index
        %parallel_loop3A_565 = arith.index_cast %parallel_loop3A_561 : i32 to index
        %parallel_loop3A_566 = tpu.vector_load %arg8[%parallel_loop3A_563, %parallel_loop3A_564, %parallel_loop3A_565] {strides = array<i32>} : memref<10x64x128xf32, #tpu.memory_space<vmem>>, vector<1x1x16xf32>,
        %parallel_loop3A_567 = vector.shape_cast %parallel_loop3A_566 : vector<1x1x16xf32> to vector<16xf32>
        %parallel_loop3A_568 = arith.addf %parallel_loop3A_559, %parallel_loop3A_567 : vector<16xf32>
        %parallel_loop3A_569 = arith.constant 32 : i32
        %parallel_loop3A_570 = arith.addi %parallel_loop3A_300, %parallel_loop3A_569 : i32
        %parallel_loop3A_571 = arith.constant 7 : i32
        %parallel_loop3A_572 = arith.index_cast %parallel_loop3A_571 : i32 to index
        %parallel_loop3A_573 = arith.index_cast %parallel_loop3A_252 : i32 to index
        %parallel_loop3A_574 = arith.index_cast %parallel_loop3A_570 : i32 to index
        %parallel_loop3A_575 = tpu.vector_load %arg8[%parallel_loop3A_572, %parallel_loop3A_573, %parallel_loop3A_574] {strides = array<i32>} : memref<10x64x128xf32, #tpu.memory_space<vmem>>, vector<1x1x16xf32>,
        %parallel_loop3A_576 = vector.shape_cast %parallel_loop3A_575 : vector<1x1x16xf32> to vector<16xf32>
        %parallel_loop3A_577 = arith.addf %parallel_loop3A_568, %parallel_loop3A_576 : vector<16xf32>
        %parallel_loop3A_578 = arith.constant 32 : i32
        %parallel_loop3A_579 = arith.addi %parallel_loop3A_306, %parallel_loop3A_578 : i32
        %parallel_loop3A_580 = arith.constant 8 : i32
        %parallel_loop3A_581 = arith.index_cast %parallel_loop3A_580 : i32 to index
        %parallel_loop3A_582 = arith.index_cast %parallel_loop3A_252 : i32 to index
        %parallel_loop3A_583 = arith.index_cast %parallel_loop3A_579 : i32 to index
        %parallel_loop3A_584 = tpu.vector_load %arg8[%parallel_loop3A_581, %parallel_loop3A_582, %parallel_loop3A_583] {strides = array<i32>} : memref<10x64x128xf32, #tpu.memory_space<vmem>>, vector<1x1x16xf32>,
        %parallel_loop3A_585 = vector.shape_cast %parallel_loop3A_584 : vector<1x1x16xf32> to vector<16xf32>
        %parallel_loop3A_586 = arith.addf %parallel_loop3A_577, %parallel_loop3A_585 : vector<16xf32>
        %parallel_loop3A_587 = arith.constant 32 : i32
        %parallel_loop3A_588 = arith.addi %parallel_loop3A_312, %parallel_loop3A_587 : i32
        %parallel_loop3A_589 = arith.constant 9 : i32
        %parallel_loop3A_590 = arith.index_cast %parallel_loop3A_589 : i32 to index
        %parallel_loop3A_591 = arith.index_cast %parallel_loop3A_252 : i32 to index
        %parallel_loop3A_592 = arith.index_cast %parallel_loop3A_588 : i32 to index
        %parallel_loop3A_593 = tpu.vector_load %arg8[%parallel_loop3A_590, %parallel_loop3A_591, %parallel_loop3A_592] {strides = array<i32>} : memref<10x64x128xf32, #tpu.memory_space<vmem>>, vector<1x1x16xf32>,
        %parallel_loop3A_594 = vector.shape_cast %parallel_loop3A_593 : vector<1x1x16xf32> to vector<16xf32>
        %parallel_loop3A_595 = arith.addf %parallel_loop3A_586, %parallel_loop3A_594 : vector<16xf32>
        %parallel_loop3A_596 = arith.constant 1.000000e-01 : f32
        %parallel_loop3A_597 = vector.broadcast %parallel_loop3A_596 : f32 to vector<16xf32>
        %parallel_loop3A_598 = arith.mulf %parallel_loop3A_595, %parallel_loop3A_597 : vector<16xf32>
        %parallel_loop3A_599 = arith.index_cast %parallel_loop3A_252 : i32 to index
        %parallel_loop3A_600 = arith.constant 32 : index
        %parallel_loop3A_601 = tpu.vector_load %arg9[%parallel_loop3A_599, %parallel_loop3A_600] {strides = array<i32>} : memref<64x64xf32, #tpu.memory_space<vmem>>, vector<1x16xf32>,
        %parallel_loop3A_602 = vector.shape_cast %parallel_loop3A_601 : vector<1x16xf32> to vector<16xf32>
        %parallel_loop3A_603 = vector.shape_cast %parallel_loop3A_598 : vector<16xf32> to vector<1x16xf32>
        tpu.vector_store %arg9[%parallel_loop3A_599, %parallel_loop3A_600], %parallel_loop3A_603 {strides = array<i32>} : memref<64x64xf32, #tpu.memory_space<vmem>>, vector<1x16xf32>,
        %parallel_loop3A_604 = arith.constant 48 : i32
        %parallel_loop3A_605 = arith.addi %parallel_loop3A_258, %parallel_loop3A_604 : i32
        %parallel_loop3A_606 = arith.constant 0 : i32
        %parallel_loop3A_607 = arith.index_cast %parallel_loop3A_606 : i32 to index
        %parallel_loop3A_608 = arith.index_cast %parallel_loop3A_252 : i32 to index
        %parallel_loop3A_609 = arith.index_cast %parallel_loop3A_605 : i32 to index
        %parallel_loop3A_610 = tpu.vector_load %arg8[%parallel_loop3A_607, %parallel_loop3A_608, %parallel_loop3A_609] {strides = array<i32>} : memref<10x64x128xf32, #tpu.memory_space<vmem>>, vector<1x1x16xf32>,
        %parallel_loop3A_611 = vector.shape_cast %parallel_loop3A_610 : vector<1x1x16xf32> to vector<16xf32>
        %parallel_loop3A_612 = arith.constant 48 : i32
        %parallel_loop3A_613 = arith.addi %parallel_loop3A_264, %parallel_loop3A_612 : i32
        %parallel_loop3A_614 = arith.constant 1 : i32
        %parallel_loop3A_615 = arith.index_cast %parallel_loop3A_614 : i32 to index
        %parallel_loop3A_616 = arith.index_cast %parallel_loop3A_252 : i32 to index
        %parallel_loop3A_617 = arith.index_cast %parallel_loop3A_613 : i32 to index
        %parallel_loop3A_618 = tpu.vector_load %arg8[%parallel_loop3A_615, %parallel_loop3A_616, %parallel_loop3A_617] {strides = array<i32>} : memref<10x64x128xf32, #tpu.memory_space<vmem>>, vector<1x1x16xf32>,
        %parallel_loop3A_619 = vector.shape_cast %parallel_loop3A_618 : vector<1x1x16xf32> to vector<16xf32>
        %parallel_loop3A_620 = arith.addf %parallel_loop3A_611, %parallel_loop3A_619 : vector<16xf32>
        %parallel_loop3A_621 = arith.constant 48 : i32
        %parallel_loop3A_622 = arith.addi %parallel_loop3A_270, %parallel_loop3A_621 : i32
        %parallel_loop3A_623 = arith.constant 2 : i32
        %parallel_loop3A_624 = arith.index_cast %parallel_loop3A_623 : i32 to index
        %parallel_loop3A_625 = arith.index_cast %parallel_loop3A_252 : i32 to index
        %parallel_loop3A_626 = arith.index_cast %parallel_loop3A_622 : i32 to index
        %parallel_loop3A_627 = tpu.vector_load %arg8[%parallel_loop3A_624, %parallel_loop3A_625, %parallel_loop3A_626] {strides = array<i32>} : memref<10x64x128xf32, #tpu.memory_space<vmem>>, vector<1x1x16xf32>,
        %parallel_loop3A_628 = vector.shape_cast %parallel_loop3A_627 : vector<1x1x16xf32> to vector<16xf32>
        %parallel_loop3A_629 = arith.addf %parallel_loop3A_620, %parallel_loop3A_628 : vector<16xf32>
        %parallel_loop3A_630 = arith.constant 48 : i32
        %parallel_loop3A_631 = arith.addi %parallel_loop3A_276, %parallel_loop3A_630 : i32
        %parallel_loop3A_632 = arith.constant 3 : i32
        %parallel_loop3A_633 = arith.index_cast %parallel_loop3A_632 : i32 to index
        %parallel_loop3A_634 = arith.index_cast %parallel_loop3A_252 : i32 to index
        %parallel_loop3A_635 = arith.index_cast %parallel_loop3A_631 : i32 to index
        %parallel_loop3A_636 = tpu.vector_load %arg8[%parallel_loop3A_633, %parallel_loop3A_634, %parallel_loop3A_635] {strides = array<i32>} : memref<10x64x128xf32, #tpu.memory_space<vmem>>, vector<1x1x16xf32>,
        %parallel_loop3A_637 = vector.shape_cast %parallel_loop3A_636 : vector<1x1x16xf32> to vector<16xf32>
        %parallel_loop3A_638 = arith.addf %parallel_loop3A_629, %parallel_loop3A_637 : vector<16xf32>
        %parallel_loop3A_639 = arith.constant 48 : i32
        %parallel_loop3A_640 = arith.addi %parallel_loop3A_282, %parallel_loop3A_639 : i32
        %parallel_loop3A_641 = arith.constant 4 : i32
        %parallel_loop3A_642 = arith.index_cast %parallel_loop3A_641 : i32 to index
        %parallel_loop3A_643 = arith.index_cast %parallel_loop3A_252 : i32 to index
        %parallel_loop3A_644 = arith.index_cast %parallel_loop3A_640 : i32 to index
        %parallel_loop3A_645 = tpu.vector_load %arg8[%parallel_loop3A_642, %parallel_loop3A_643, %parallel_loop3A_644] {strides = array<i32>} : memref<10x64x128xf32, #tpu.memory_space<vmem>>, vector<1x1x16xf32>,
        %parallel_loop3A_646 = vector.shape_cast %parallel_loop3A_645 : vector<1x1x16xf32> to vector<16xf32>
        %parallel_loop3A_647 = arith.addf %parallel_loop3A_638, %parallel_loop3A_646 : vector<16xf32>
        %parallel_loop3A_648 = arith.constant 48 : i32
        %parallel_loop3A_649 = arith.addi %parallel_loop3A_288, %parallel_loop3A_648 : i32
        %parallel_loop3A_650 = arith.constant 5 : i32
        %parallel_loop3A_651 = arith.index_cast %parallel_loop3A_650 : i32 to index
        %parallel_loop3A_652 = arith.index_cast %parallel_loop3A_252 : i32 to index
        %parallel_loop3A_653 = arith.index_cast %parallel_loop3A_649 : i32 to index
        %parallel_loop3A_654 = tpu.vector_load %arg8[%parallel_loop3A_651, %parallel_loop3A_652, %parallel_loop3A_653] {strides = array<i32>} : memref<10x64x128xf32, #tpu.memory_space<vmem>>, vector<1x1x16xf32>,
        %parallel_loop3A_655 = vector.shape_cast %parallel_loop3A_654 : vector<1x1x16xf32> to vector<16xf32>
        %parallel_loop3A_656 = arith.addf %parallel_loop3A_647, %parallel_loop3A_655 : vector<16xf32>
        %parallel_loop3A_657 = arith.constant 48 : i32
        %parallel_loop3A_658 = arith.addi %parallel_loop3A_294, %parallel_loop3A_657 : i32
        %parallel_loop3A_659 = arith.constant 6 : i32
        %parallel_loop3A_660 = arith.index_cast %parallel_loop3A_659 : i32 to index
        %parallel_loop3A_661 = arith.index_cast %parallel_loop3A_252 : i32 to index
        %parallel_loop3A_662 = arith.index_cast %parallel_loop3A_658 : i32 to index
        %parallel_loop3A_663 = tpu.vector_load %arg8[%parallel_loop3A_660, %parallel_loop3A_661, %parallel_loop3A_662] {strides = array<i32>} : memref<10x64x128xf32, #tpu.memory_space<vmem>>, vector<1x1x16xf32>,
        %parallel_loop3A_664 = vector.shape_cast %parallel_loop3A_663 : vector<1x1x16xf32> to vector<16xf32>
        %parallel_loop3A_665 = arith.addf %parallel_loop3A_656, %parallel_loop3A_664 : vector<16xf32>
        %parallel_loop3A_666 = arith.constant 48 : i32
        %parallel_loop3A_667 = arith.addi %parallel_loop3A_300, %parallel_loop3A_666 : i32
        %parallel_loop3A_668 = arith.constant 7 : i32
        %parallel_loop3A_669 = arith.index_cast %parallel_loop3A_668 : i32 to index
        %parallel_loop3A_670 = arith.index_cast %parallel_loop3A_252 : i32 to index
        %parallel_loop3A_671 = arith.index_cast %parallel_loop3A_667 : i32 to index
        %parallel_loop3A_672 = tpu.vector_load %arg8[%parallel_loop3A_669, %parallel_loop3A_670, %parallel_loop3A_671] {strides = array<i32>} : memref<10x64x128xf32, #tpu.memory_space<vmem>>, vector<1x1x16xf32>,
        %parallel_loop3A_673 = vector.shape_cast %parallel_loop3A_672 : vector<1x1x16xf32> to vector<16xf32>
        %parallel_loop3A_674 = arith.addf %parallel_loop3A_665, %parallel_loop3A_673 : vector<16xf32>
        %parallel_loop3A_675 = arith.constant 48 : i32
        %parallel_loop3A_676 = arith.addi %parallel_loop3A_306, %parallel_loop3A_675 : i32
        %parallel_loop3A_677 = arith.constant 8 : i32
        %parallel_loop3A_678 = arith.index_cast %parallel_loop3A_677 : i32 to index
        %parallel_loop3A_679 = arith.index_cast %parallel_loop3A_252 : i32 to index
        %parallel_loop3A_680 = arith.index_cast %parallel_loop3A_676 : i32 to index
        %parallel_loop3A_681 = tpu.vector_load %arg8[%parallel_loop3A_678, %parallel_loop3A_679, %parallel_loop3A_680] {strides = array<i32>} : memref<10x64x128xf32, #tpu.memory_space<vmem>>, vector<1x1x16xf32>,
        %parallel_loop3A_682 = vector.shape_cast %parallel_loop3A_681 : vector<1x1x16xf32> to vector<16xf32>
        %parallel_loop3A_683 = arith.addf %parallel_loop3A_674, %parallel_loop3A_682 : vector<16xf32>
        %parallel_loop3A_684 = arith.constant 48 : i32
        %parallel_loop3A_685 = arith.addi %parallel_loop3A_312, %parallel_loop3A_684 : i32
        %parallel_loop3A_686 = arith.constant 9 : i32
        %parallel_loop3A_687 = arith.index_cast %parallel_loop3A_686 : i32 to index
        %parallel_loop3A_688 = arith.index_cast %parallel_loop3A_252 : i32 to index
        %parallel_loop3A_689 = arith.index_cast %parallel_loop3A_685 : i32 to index
        %parallel_loop3A_690 = tpu.vector_load %arg8[%parallel_loop3A_687, %parallel_loop3A_688, %parallel_loop3A_689] {strides = array<i32>} : memref<10x64x128xf32, #tpu.memory_space<vmem>>, vector<1x1x16xf32>,
        %parallel_loop3A_691 = vector.shape_cast %parallel_loop3A_690 : vector<1x1x16xf32> to vector<16xf32>
        %parallel_loop3A_692 = arith.addf %parallel_loop3A_683, %parallel_loop3A_691 : vector<16xf32>
        %parallel_loop3A_693 = arith.constant 1.000000e-01 : f32
        %parallel_loop3A_694 = vector.broadcast %parallel_loop3A_693 : f32 to vector<16xf32>
        %parallel_loop3A_695 = arith.mulf %parallel_loop3A_692, %parallel_loop3A_694 : vector<16xf32>
        %parallel_loop3A_696 = arith.index_cast %parallel_loop3A_252 : i32 to index
        %parallel_loop3A_697 = arith.constant 48 : index
        %parallel_loop3A_698 = tpu.vector_load %arg9[%parallel_loop3A_696, %parallel_loop3A_697] {strides = array<i32>} : memref<64x64xf32, #tpu.memory_space<vmem>>, vector<1x16xf32>,
        %parallel_loop3A_699 = vector.shape_cast %parallel_loop3A_698 : vector<1x16xf32> to vector<16xf32>
        %parallel_loop3A_700 = vector.shape_cast %parallel_loop3A_695 : vector<16xf32> to vector<1x16xf32>
        tpu.vector_store %arg9[%parallel_loop3A_696, %parallel_loop3A_697], %parallel_loop3A_700 {strides = array<i32>} : memref<64x64xf32, #tpu.memory_space<vmem>>, vector<1x16xf32>,
      } {sc.loop_unroll_factor = 2 : i64, sc.parallel_access}
      %mul3A_247 = arith.constant 8 : i32
      %mul3A_248 = arith.muli %add3A, %mul3A_247 : i32
      %add3A_249 = arith.addi %mul3A_248, %scan3A_6 : i32
      %mul3A_250 = arith.constant 64 : i32
      %mul3A_251 = arith.muli %add3A_249, %mul3A_250 : i32
      "tpu.region"() ({
        %run_scoped3A = tpu.sem_alloc : memref<!tpu.dma_semaphore, #tpu.memory_space<semaphore_mem>>
        %dma_start3A_252 = arith.constant 0 : i32
        %dma_start3A_253 = tpu.memref_slice %arg5[%mul3A_251, %dma_start3A_252] : memref<16384x64xf32, #tpu.memory_space<hbm>> -> memref<64x64xf32, #tpu.memory_space<hbm>>
        %dma_start3A_254 = arith.constant 0 : i32
        %dma_start3A_255 = tpu.memref_slice %arg5[%mul3A_251, %dma_start3A_254] : memref<16384x64xf32, #tpu.memory_space<hbm>> -> memref<64x64xf32, #tpu.memory_space<hbm>>
        tpu.enqueue_dma source(%arg9 : memref<64x64xf32, #tpu.memory_space<vmem>>) target(%dma_start3A_255 : memref<64x64xf32, #tpu.memory_space<hbm>>) target_semaphore(%run_scoped3A : memref<!tpu.dma_semaphore, #tpu.memory_space<semaphore_mem>>)
        %dma_wait3A_256 = arith.constant 0 : i32
        %dma_wait3A_257 = tpu.memref_slice %arg5[%mul3A_251, %dma_wait3A_256] : memref<16384x64xf32, #tpu.memory_space<hbm>> -> memref<64x64xf32, #tpu.memory_space<hbm>>
        %dma_wait3A_258 = arith.constant 0 : i32
        %dma_wait3A_259 = tpu.memref_slice %arg5[%mul3A_251, %dma_wait3A_258] : memref<16384x64xf32, #tpu.memory_space<hbm>> -> memref<64x64xf32, #tpu.memory_space<hbm>>
        tpu.wait_dma2 semaphore(%run_scoped3A : memref<!tpu.dma_semaphore, #tpu.memory_space<semaphore_mem>>) src(%arg9 : memref<64x64xf32, #tpu.memory_space<vmem>>) dst(%dma_wait3A_259 : memref<64x64xf32, #tpu.memory_space<hbm>>)
        tpu.yield
      }) : () -> ()
    }
    %scan3A_5 = arith.constant 8 : i32
    return
  }
}

module attributes {stable_mosaic.version = 14 : i64} {
  func.func @_relayout_body(%arg0: i32, %arg1: memref<64x8192xf32, #tpu.memory_space<vmem>>, %arg2: memref<64x8192xf32, #tpu.memory_space<vmem>>, %arg3: memref<8192x128xf32, #tpu.memory_space<vmem>>) attributes {dimension_semantics = [#tpu.dimension_semantics<arbitrary>], iteration_bounds = array<i64: 62>, scalar_prefetch = 0 : i64, scratch_operands = 0 : i64, tpu.core_type = #tpu.core_type<tc>, window_params = [{transform_indices = @transform_0, window_bounds = array<i64: 64, 8192>}, {transform_indices = @transform_1, window_bounds = array<i64: 64, 8192>}, {transform_indices = @transform_2, window_bounds = array<i64: 8192, 128>}]} {
    %get3A = arith.constant 0 : index
    %get3A_0 = arith.constant 0 : index
    %get3A_1 = vector.load %arg1[%get3A, %get3A_0] : memref<64x8192xf32, #tpu.memory_space<vmem>>, vector<64x8192xf32>
    %transpose3A = tpu.transpose %get3A_1, [1, 0] : vector<64x8192xf32> -> vector<8192x64xf32>
    %swap3A = arith.constant 0 : index
    %swap3A_2 = arith.constant 0 : index
    %swap3A_3 = vector.load %arg3[%swap3A, %swap3A_2] : memref<8192x128xf32, #tpu.memory_space<vmem>>, vector<8192x64xf32>
    tpu.vector_store %arg3[%swap3A, %swap3A_2], %transpose3A {strides = array<i32>} : memref<8192x128xf32, #tpu.memory_space<vmem>>, vector<8192x64xf32>,
    %get3A_4 = arith.constant 0 : index
    %get3A_5 = arith.constant 0 : index
    %get3A_6 = vector.load %arg2[%get3A_4, %get3A_5] : memref<64x8192xf32, #tpu.memory_space<vmem>>, vector<64x8192xf32>
    %transpose3A_7 = tpu.transpose %get3A_6, [1, 0] : vector<64x8192xf32> -> vector<8192x64xf32>
    %swap3A_8 = arith.constant 0 : index
    %swap3A_9 = arith.constant 64 : index
    %swap3A_10 = vector.load %arg3[%swap3A_8, %swap3A_9] : memref<8192x128xf32, #tpu.memory_space<vmem>>, vector<8192x64xf32>
    tpu.vector_store %arg3[%swap3A_8, %swap3A_9], %transpose3A_7 {strides = array<i32>} : memref<8192x128xf32, #tpu.memory_space<vmem>>, vector<8192x64xf32>,
    return
  }
  func.func @transform_0(%arg0: i32) -> (i32, i32) {
    %eq3A = arith.constant 61 : i32
    %eq3A_0 = arith.cmpi eq, %arg0, %eq3A : i32
    %jit3A = arith.constant 122 : i32
    %select_n3A = arith.select %eq3A_0, %jit3A, %arg0 : i32
    %c0_i32 = arith.constant 0 : i32
    %c0_i32_1 = arith.constant 0 : i32
    return %c0_i32, %select_n3A : i32, i32
  }
  func.func @transform_1(%arg0: i32) -> (i32, i32) {
    %eq3A = arith.constant 61 : i32
    %eq3A_0 = arith.cmpi eq, %arg0, %eq3A : i32
    %add3A = arith.constant 61 : i32
    %add3A_1 = arith.addi %add3A, %arg0 : i32
    %jit3A = arith.constant 0 : i32
    %select_n3A = arith.select %eq3A_0, %jit3A, %add3A_1 : i32
    %c0_i32 = arith.constant 0 : i32
    %c0_i32_2 = arith.constant 0 : i32
    return %c0_i32, %select_n3A : i32, i32
  }
  func.func @transform_2(%arg0: i32) -> (i32, i32) {
    %c0_i32 = arith.constant 0 : i32
    %c0_i32_0 = arith.constant 0 : i32
    return %arg0, %c0_i32 : i32, i32
  }
}

</mosaic_0001>

<sc_bundles>
// kernel: kernel.4.cloned.1.call-start
scs
__scs_entry_jumppad:
0x0: {  	(pc) =	sbr.rel $0x88, $3  }
0x1: {  	(tag) =	ssettag $0x0;
	lr =	simm.s32 $0x1  }
0x2: {  	[smem:$0x3F9F] =	sst lr;
	_ =	strace $0xD0000000  }
0x3: {  	_ = 	snop  }
0x4: {  	_ = 	snop  }
0x5: {  	_ = 	snop  }
0x6: {  	_ = 	snop  }
0x7: {  	_ = 	snop  }
__scs_overlays_trampoline_lowered:
0x8: {  	[smem:$0x3FAE] =	sst s0  }
0x9: {  	[smem:$0x3FAF] =	sst s1  }
0xa: {  	[smem:$0x3FB0] =	sst s2  }
0xb: {  	[smem:$0x3FB1] =	sst s3  }
0xc: {  	[smem:$0x3FB2] =	sst s4  }
0xd: {  	[smem:$0x3FB3] =	sst s5  }
0xe: {  	[smem:$0x3FB4] =	sst s6  }
0xf: {  	[smem:$0x3FB5] =	sst s7  }
0x10: {  	[smem:$0x3FB6] =	sst s8  }
0x11: {  	[smem:$0x3FB7] =	sst s9;
	s0 =	simm.s32 @!p0 $0x0  }
0x12: {  	s1 =	sld [smem:$0x3F9D];
	s0 =	simm.s32 @p0 $0x1  }
0x13: {  	[smem:$0x3FB8] =	sst s0;
	s0 =	simm.s32 @!p1 $0x0  }
0x14: {  	s2 =	sld [smem:$0x3F9C];
	s0 =	simm.s32 @p1 $0x1  }
0x15: {  	[smem:$0x3FB9] =	sst s0;
	s0 =	simm.s32 @!p2 $0x0  }
0x16: {  	s3 =	sld [smem:$0x3FDB];
	s0 =	simm.s32 @p2 $0x1  }
0x17: {  	s4 =	simm.s32 $0x1BF5;
	[smem:$0x3FBB] =	sst s0  }
0x18: {  	s0 =	sld [smem:$0x3F9E];
	_ =	swait.ge [sflag:s4], $0x0  }
0x19: {  	s7 =	sld [smem:$0x3F9F]  }
0x1a: {  	s8 =	sadd.s32 $0xFFFFE003, lr  }
0x1b: {  	s9 =	sadd.s32 $0xFFFFFEF7, lr;
	s5 =	simm.s32 $0xFFFFFFFF;
	p2 =	slt.u32 s8, $0xFFFFF086  }
0x1c: {  	p1 =	slt.u32 s9, $0xF7A;
	s5 =	simm.s32 @!p2 $0x0  }
0x1d: {  	s5 =	simm.s32 @p1 $0x1;
	p0 =	seq.s32 s7, s2  }
0x1e: {  	s7 =	smul.u32 @!p0 $0xF7A, s2;
	p2 =	seq.s32 @!p0 s5, $0x0  }
0x1f: {  	s9 =	smul.u32 $0xF7A, s1;
	s8 =	simm.s32 @!p0 $0x1BF5;
	p2 =	por !p2, p0  }
0x20: {  	[sflag:s8] =	ssyncset.s32 @!p0 $0xFFFFF086;
	s6 =	sadd.s32 @!p0 s3, s7;
	s7 =	simm.s32 @!p0 $0x108  }
0x21: {  	s3 =	sadd.s32 s3, s9;
	s6 =	sadd.s32 @!p0 $0x88, s6;
	s7 =	simm.s32 @p2 $0x1082  }
0x22: {  	[simem:s7], [sflag:s8] =	dma.local @!p0 [hbm:s6], $0xF7A  }
0x23: {  	s9 =	sor.u32 $0xD0000000, s2;
	s6 =	simm.s32 $0x108;
	_ =	swait.ge @!p0 [sflag:s8], $0x0  }
0x24: {  	s3 =	sadd.s32 $0x88, s3;
	s6 =	simm.s32 @!p1 $0x1082;
	[sflag:s4] =	ssyncset.s32 $0xFFFFF086  }
0x25: {  	[simem:s6], [sflag:s4] =	dma.local [hbm:s3], $0xF7A  }
0x26: {  	[smem:$0x3F9F] =	sst s1;
	(tag) =	ssettag s2;
	_ =	strace s9  }
0x27: {  	s1 =	sld [smem:$0x3FAF]  }
0x28: {  	s2 =	sld [smem:$0x3FB0]  }
0x29: {  	s4 =	sld [smem:$0x3FB2]  }
0x2a: {  	p0 =	seq.s32 s5, $0x0;
	s5 =	sld [smem:$0x3FB3]  }
0x2b: {  	s6 =	sld [smem:$0x3FB4]  }
0x2c: {  	s7 =	sld [smem:$0x3FB5]  }
0x2d: {  	s3 =	simm.s32 $0x108;
	s8 =	sld [smem:$0x3FB6]  }
0x2e: {  	s3 =	simm.s32 @!p0 $0x1082;
	s9 =	sld [smem:$0x3FB7]  }
0x2f: {  	lr =	sadd.s32 s0, s3;
	s0 =	sld [smem:$0x3FAE]  }
0x30: {  	s3 =	sld [smem:$0x3FB1]  }
0x31: {  	[smem:$0x3FBA] =	sst s10  }
0x32: {  	s10 =	sld [smem:$0x3FB8];
	_ =	sdelay $0x3  }
0x33: {  	p0 =	seq.s32 s10, $0x1;
	s10 =	sld [smem:$0x3FBA];
	_ =	sdelay $0x3  }
0x34: {  	[smem:$0x3FBA] =	sst s10  }
0x35: {  	s10 =	sld [smem:$0x3FB9];
	_ =	sdelay $0x3  }
0x36: {  	p1 =	seq.s32 s10, $0x1;
	s10 =	sld [smem:$0x3FBA];
	_ =	sdelay $0x3  }
0x37: {  	[smem:$0x3FBA] =	sst s10  }
0x38: {  	s10 =	sld [smem:$0x3FBB]  }
0x39: {  	_ = 	snop;
	(pc) =	sbr.ind lr, $3  }
0x3a: {  	_ = 	snop  }
0x3b: {  	_ = 	snop  }
0x3c: {  	p2 =	seq.s32 s10, $0x1;
	s10 =	sld [smem:$0x3FBA]  }
0x3d: {  	_ =	shalt  }
0x3e: {  	_ =	shalt  }
0x3f: {  	_ =	shalt  }
0x40: {  	_ =	shalt  }
0x41: {  	_ =	shalt  }
0x42: {  	_ =	shalt  }
0x43: {  	_ =	shalt  }
0x44: {  	_ =	shalt  }
0x45: {  	_ =	shalt  }
0x46: {  	_ =	shalt  }
0x47: {  	_ =	shalt  }
0x48: {  	_ =	shalt  }
0x49: {  	_ =	shalt  }
0x4a: {  	_ =	shalt  }
0x4b: {  	_ =	shalt  }
0x4c: {  	_ =	shalt  }
0x4d: {  	_ =	shalt  }
0x4e: {  	_ =	shalt  }
0x4f: {  	_ =	shalt  }
0x50: {  	_ =	shalt  }
0x51: {  	_ =	shalt  }
0x52: {  	_ =	shalt  }
0x53: {  	_ =	shalt  }
0x54: {  	_ =	shalt  }
0x55: {  	_ =	shalt  }
0x56: {  	_ =	shalt  }
0x57: {  	_ =	shalt  }
0x58: {  	_ =	shalt  }
0x59: {  	_ =	shalt  }
0x5a: {  	_ =	shalt  }
0x5b: {  	_ =	shalt  }
0x5c: {  	_ =	shalt  }
0x5d: {  	_ =	shalt  }
0x5e: {  	_ =	shalt  }
0x5f: {  	_ =	shalt  }
0x60: {  	_ =	shalt  }
0x61: {  	_ =	shalt  }
0x62: {  	_ =	shalt  }
0x63: {  	_ =	shalt  }
0x64: {  	_ =	shalt  }
0x65: {  	_ =	shalt  }
0x66: {  	_ =	shalt  }
0x67: {  	_ =	shalt  }
0x68: {  	_ =	shalt  }
0x69: {  	_ =	shalt  }
0x6a: {  	_ =	shalt  }
0x6b: {  	_ =	shalt  }
0x6c: {  	_ =	shalt  }
0x6d: {  	_ =	shalt  }
0x6e: {  	_ =	shalt  }
0x6f: {  	_ =	shalt  }
0x70: {  	_ =	shalt  }
0x71: {  	_ =	shalt  }
0x72: {  	_ =	shalt  }
0x73: {  	_ =	shalt  }
0x74: {  	_ =	shalt  }
0x75: {  	_ =	shalt  }
0x76: {  	_ =	shalt  }
0x77: {  	_ =	shalt  }
0x78: {  	_ =	shalt  }
0x79: {  	_ =	shalt  }
0x7a: {  	_ =	shalt  }
0x7b: {  	_ =	shalt  }
0x7c: {  	_ =	shalt  }
0x7d: {  	_ =	shalt  }
0x7e: {  	_ =	shalt  }
0x7f: {  	_ =	shalt  }
0x80: {  	_ =	shalt  }
0x81: {  	_ =	shalt  }
0x82: {  	_ =	shalt  }
0x83: {  	_ =	shalt  }
0x84: {  	_ =	shalt  }
0x85: {  	_ =	shalt  }
0x86: {  	_ =	shalt  }
0x87: {  	_ =	shalt  }
.Lfunc_end0:
.L_simem_size_0:
called_computation_lowered:
.L_overlay_start_0:
0x88: {  	s2 =	sld [smem:$0x3FD9]  }
0x89: {  	s3 =	sld [smem:$0x3FFE];
	_ =	sdelay $0x1  }
0x8a: {  	s1 =	srdreg.scid  }
0x8b: {  	s0 =	sand.u32 $0x1, s1  }
0x8c: {  	s17 =	sshll.u32 s0, $0xA;
	s2 =	sadd.s32 s3, s2  }
0x8d: {  	s2 =	sadd.s32 s2, s17  }
0x8e: {  	[smem:$0x3FC6] =	sst s2  }
0x8f: {  	_ = 	snop  }
0x90: {  	s2 =	sld [smem:$0x3FD0];
	(tm) =	ssettm $0x1  }
0x91: {  	s18 =	sld [smem:$0x3FFB];
	_ =	sdelay $0x3  }
0x92: {  	_ =	strace s18  }
0x93: {  	s3 =	sld [smem:$0x3FFC];
	_ =	sdelay $0x3  }
0x94: {  	_ =	strace s3  }
0x95: {  	s3 =	sld [smem:$0x3FFD];
	_ =	sdelay $0x3  }
0x96: {  	_ =	strace s3  }
0x97: {  	_ =	strace $0x8FFFFFFF  }
0x98: {  	s19 =	sld [smem:$0x3FDB];
	_ =	sdelay $0x1  }
0x99: {  	s4 =	simm.s32 $_scs_section_size  }
0x9a: {  	s5 =	simm.s32 $_size__tile_overlayer_lowered;
	s6 =	simm.s32 $_tile_overlayer_lowered  }
0x9b: {  	s22 =	simm.s32 $0x1BFF;
	s21 =	sshll.u32 s6, $0x1;
	s3 =	sadd.s32 s4, s19  }
0x9c: {  	s7 =	simm.s32 $0x0;
	s20 =	sshll.u32 s5, $0x1;
	s5 =	sadd.s32 s21, s3  }
0x9d: {  	[timem:s7], [sflag:s22] =	dma.local [hbm:s5], s20  }
0x9e: {  	_ =	swait.ge [sflag:s22], s20  }
0x9f: {  	s4 =	ssub.s32 $0x0, s20;
	[sflag:s22] =	ssyncset.done $0x0  }
0xa0: {  	[sflag:s22] =	ssyncadd.s32 s4;
	_ =	sdelay $0x1  }
0xa1: {  	s23 =	simm.s32 $0x1B8B  }
0xa2: {  	_ =	swait.ge [sflag:s23], $0x1  }
0xa3: {  	[sflag:s23] =	ssyncset.done $0x0  }
0xa4: {  	s25 =	simm.s32 $0x1B8E;
	s24 =	sld [smem:$0x3FFE];
	[sflag:s23] =	ssyncadd.s32 $0xFFFFFFFF  }
0xa5: {  	s26 =	simm.s32 $execute0_lowered;
	[smem:$0x3FD2] =	sst s25  }
0xa6: {  	s5 =	sshll.u32 s26, $0x1;
	_ =	strace $0x80000046;
	[dreg:$0x1] =	wrdreg $0xFFFFFFFF  }
0xa7: {  	s28 =	simm.s32 $_size_execute0_lowered;
	s3 =	sadd.s32 s3, s5;
	[dreg:$0x0] =	wrdreg $0x0  }
0xa8: {  	s5 =	sshll.u32 s28, $0x1;
	[dreg:$0x2] =	wrdreg s3  }
0xa9: {  	[dreg:$0x3] =	wrdreg s5  }
0xaa: {  	[dreg:$0x4] =	wrdreg $0xC0  }
0xab: {  	_ =	task [dreg:s7], $0x5FFFF  }
0xac: {  	[dreg:$0x1] =	wrdreg $0xFFFFFFFF  }
0xad: {  	[dreg:$0x0] =	wrdreg $0x60  }
0xae: {  	[dreg:$0x2] =	wrdreg s24  }
0xaf: {  	[dreg:$0x3] =	wrdreg s2  }
0xb0: {  	[dreg:$0x4] =	wrdreg $0x9  }
0xb1: {  	_ =	task.clear_ibuf [dreg:s7], $0x5FFFF;
	_ =	strace $0x90000046  }
0xb2: {  	s29 =	simm.s32 $0x9;
	_ =	strace $0x80000048  }
0xb3: {  	_ =	swait.ge [sflag:s29], $0x1  }
0xb4: {  	[sflag:s29] =	ssyncadd.s32 $0xFFFFFFFF  }
0xb5: {  	_ =	strace $0x90000048  }
0xb6: {  	_ =	sfence  }
0xb7: {  	s30 =	sld [smem:$0x0];
	_ =	sdelay $0x2  }
0xb8: {  	s31 =	sshll.u32 s1, $0xD;
	s1 =	sshrl.u32 s1, $0x2  }
0xb9: {  	s3 =	sand.u32 $0x4000, s31;
	s1 =	sadd.s32 s1, s30  }
0xba: {  	s0 =	sor.u32 s3, s0;
	s1 =	sshll.u32 s1, $0x11  }
0xbb: {  	s0 =	sor.u32 s1, s0  }
0xbc: {  	s0 =	sadd.s32 $0x8F2B, s0  }
0xbd: {  	[sflag:s0] =	ssyncadd.remote.s32 $0x1  }
0xbe: {  	_ =	sfence.sel $0xFFFF  }
0xbf: {  	[dreg:$0x0] =	wrdreg $0xFFFFFFFF;
	(pc) =	sbr.abs _section_cstart, $3  }
0xc0: {  	[dreg:$0x1] =	wrdreg $0xFFFFFFFF  }
0xc1: {  	_ =	task.clear_ibuf [dreg:s7], $0x2FFFF;
	_ =	strace $0x9FFFFFFF  }
0xc2: {  	(tm) =	ssettm $0x7FFFFFFF  }
0xc3: {  	_ =	shalt  }
tec
execute0_lowered:
.L_overlay_start_1:
0x0: {  	(tag) =	ssettag $0x1  }
0x1: {  	s0 =	rddreg [dreg:$0x0];
	s1 =	simm.s32 $0x0;
	s28 =	srdreg.scid  }
0x2: {  	s2 =	stileid.u32;
	[smem:$0x7FF] =	sst s1;
	s1 =	sand.u32 $0x1, s28  }
0x3: {  	s2 =	sshll.u32 s2, $0x1;
	s3 =	sadd.s32 $0x600, s0;
	s29 =	sadd.s32 $0x10600, s0  }
0x4: {  	_ =	strace $0x80000047;
	[smem:$0x7F9] =	sst s3;
	s2 =	sor.u32 s1, s2  }
0x5: {  	s1 =	ssub.s32 $0x2, s1;
	[smem:$0x7FA] =	sst s29;
	s30 =	sshll.u32 s2, $0xD  }
0x6: {  	s4 =	sshrl.u32 s1, $0x1;
	s2 =	sshll.u32 s2, $0xB;
	s0 =	sadd.s32 s30, s0  }
0x7: {  	s1 =	ssub.s32 s1, s4;
	[smem:$0x7FB] =	sst s2;
	s0 =	sadd.s32 $0x7D0600, s0  }
0x8: {  	s31 =	smax.u32 s1, $0x1;
	[smem:$0x7FC] =	sst s0  }
0x9: {  	s3 =	simm.s32 $0x2;
	s1 =	simm.s32 $0x0;
	[smem:$0x7FD] =	sst s31  }
.LBB2_1:
0xa: {  	[smem:$0x7F8] =	sst s1;
	s4 =	simm.s32 $0x0  }
.LBB2_2:
0xb: {  	s1 =	sld [smem:$0x7FB]  }
0xc: {  	s23 =	sld [smem:$0x7F9]  }
0xd: {  	s0 =	sshll.u32 s4, $0x8  }
0xe: {  	s0 =	sadd.s32 s1, s0  }
0xf: {  	[smem:$0x7EB] =	sst s4;
	s2 =	simm.s32 $0x0;
	s1 =	sadd.s32 s23, s0  }
0x10: {  	[tilespmem:s2], [sflag:$0x2] =	stream.linear.gather [hbm4b:s1+s2], $0x500, $0x38;
	[tilespmem:$0x17000] =	vst v63  }
0x11: {  	_ =	swait.ge [sflag:s3], $0x500  }
0x12: {  	[sflag:s3] =	ssyncset.done $0x0  }
0x13: {  	[sflag:s3] =	ssyncadd.s32 $0xFFFFFB00  }
0x14: {  	s24 =	rddreg [dreg:$0x1]  }
0x15: {  	s25 =	simm.s32 $0x800;
	s0 =	sadd.s32 s24, s0  }
0x16: {  	[tilespmem:s25], [sflag:$0x2] =	stream.linear.gather [hbm4b:s0+s2], $0x500, $0x38;
	[tilespmem:$0x17000] =	vst v63  }
0x17: {  	_ =	swait.ge [sflag:s3], $0x500  }
0x18: {  	s26 =	sld [smem:$0x7FA]  }
0x19: {  	[sflag:s3] =	ssyncset.done $0x0  }
0x1a: {  	s29 =	simm.s32 $0x40;
	s30 =	simm.s32 $0x1000;
	[sflag:s3] =	ssyncadd.s32 $0xFFFFFB00  }
0x1b: {  	[tilespmem:s30], [sflag:$0x1] =	stream.indirect.gather [hbm4b:s26+s29], $0x80, s2, s29, $0xb8;
	[tilespmem:$0x17000] =	vst v63  }
0x1c: {  	s4 =	simm.s32 $0x3000;
	s3 =	simm.s32 $0x80  }
0x1d: {  	[tilespmem:s4], [sflag:$0x1] =	stream.indirect.gather [hbm4b:s26+s29], $0x80, s3, s29, $0xb8;
	[tilespmem:$0x17000] =	vst v63  }
0x1e: {  	s5 =	simm.s32 $0x100;
	s6 =	simm.s32 $0x5000  }
0x1f: {  	[tilespmem:s6], [sflag:$0x1] =	stream.indirect.gather [hbm4b:s26+s29], $0x80, s5, s29, $0xb8;
	[tilespmem:$0x17000] =	vst v63  }
0x20: {  	s7 =	simm.s32 $0x180;
	s8 =	simm.s32 $0x7000  }
0x21: {  	[tilespmem:s8], [sflag:$0x1] =	stream.indirect.gather [hbm4b:s26+s29], $0x80, s7, s29, $0xb8;
	[tilespmem:$0x17000] =	vst v63  }
0x22: {  	s9 =	simm.s32 $0x200;
	s10 =	simm.s32 $0x9000  }
0x23: {  	[tilespmem:s10], [sflag:$0x1] =	stream.indirect.gather [hbm4b:s26+s29], $0x80, s9, s29, $0xb8;
	[tilespmem:$0x17000] =	vst v63  }
0x24: {  	s11 =	simm.s32 $0x280;
	s12 =	simm.s32 $0xB000  }
0x25: {  	[tilespmem:s12], [sflag:$0x1] =	stream.indirect.gather [hbm4b:s26+s29], $0x80, s11, s29, $0xb8;
	[tilespmem:$0x17000] =	vst v63  }
0x26: {  	s13 =	simm.s32 $0x300;
	s14 =	simm.s32 $0xD000  }
0x27: {  	[tilespmem:s14], [sflag:$0x1] =	stream.indirect.gather [hbm4b:s26+s29], $0x80, s13, s29, $0xb8;
	[tilespmem:$0x17000] =	vst v63  }
0x28: {  	s15 =	simm.s32 $0x380;
	s16 =	simm.s32 $0xF000  }
0x29: {  	[tilespmem:s16], [sflag:$0x1] =	stream.indirect.gather [hbm4b:s26+s29], $0x80, s15, s29, $0xb8;
	[tilespmem:$0x17000] =	vst v63  }
0x2a: {  	s17 =	simm.s32 $0x400;
	s18 =	simm.s32 $0x11000  }
0x2b: {  	[tilespmem:s18], [sflag:$0x1] =	stream.indirect.gather [hbm4b:s26+s29], $0x80, s17, s29, $0xb8;
	[tilespmem:$0x17000] =	vst v63  }
0x2c: {  	s19 =	simm.s32 $0x480;
	s20 =	simm.s32 $0x13000;
	s21 =	simm.s32 $0x1  }
0x2d: {  	[tilespmem:s20], [sflag:$0x1] =	stream.indirect.gather [hbm4b:s26+s29], $0x80, s19, s29, $0xb8;
	[tilespmem:$0x17000] =	vst v63  }
0x2e: {  	_ =	swait.ge [sflag:s21], $0x2000  }
0x2f: {  	[sflag:s21] =	ssyncset.done $0x0  }
0x30: {  	[sflag:s21] =	ssyncadd.s32 $0xFFFFE000  }
0x31: {  	_ =	swait.ge [sflag:s21], $0x2000  }
0x32: {  	[sflag:s21] =	ssyncset.done $0x0  }
0x33: {  	[sflag:s21] =	ssyncadd.s32 $0xFFFFE000  }
0x34: {  	_ =	swait.ge [sflag:s21], $0x2000  }
0x35: {  	[sflag:s21] =	ssyncset.done $0x0  }
0x36: {  	[sflag:s21] =	ssyncadd.s32 $0xFFFFE000  }
0x37: {  	_ =	swait.ge [sflag:s21], $0x2000  }
0x38: {  	[sflag:s21] =	ssyncset.done $0x0  }
0x39: {  	[sflag:s21] =	ssyncadd.s32 $0xFFFFE000  }
0x3a: {  	_ =	swait.ge [sflag:s21], $0x2000  }
0x3b: {  	[sflag:s21] =	ssyncset.done $0x0  }
0x3c: {  	[sflag:s21] =	ssyncadd.s32 $0xFFFFE000  }
0x3d: {  	_ =	swait.ge [sflag:s21], $0x2000  }
0x3e: {  	[sflag:s21] =	ssyncset.done $0x0  }
0x3f: {  	[sflag:s21] =	ssyncadd.s32 $0xFFFFE000  }
0x40: {  	_ =	swait.ge [sflag:s21], $0x2000  }
0x41: {  	[sflag:s21] =	ssyncset.done $0x0  }
0x42: {  	[sflag:s21] =	ssyncadd.s32 $0xFFFFE000  }
0x43: {  	_ =	swait.ge [sflag:s21], $0x2000  }
0x44: {  	[sflag:s21] =	ssyncset.done $0x0  }
0x45: {  	[sflag:s21] =	ssyncadd.s32 $0xFFFFE000  }
0x46: {  	_ =	swait.ge [sflag:s21], $0x2000  }
0x47: {  	[sflag:s21] =	ssyncset.done $0x0  }
0x48: {  	[sflag:s21] =	ssyncadd.s32 $0xFFFFE000  }
0x49: {  	_ =	swait.ge [sflag:s21], $0x2000  }
0x4a: {  	[sflag:s21] =	ssyncset.done $0x0  }
0x4b: {  	s0 =	simm.s32 $0xA80;
	[sflag:s21] =	ssyncadd.s32 $0xFFFFE000  }
0x4c: {  	v0 =	vld.msk [tilespmem:s0+$0x200], $0x1  }
0x4d: {  	v1 =	vld.msk [tilespmem:s0+$0x180], $0x1  }
0x4e: {  	v2 =	vld.msk [tilespmem:s0+$0x100], $0x1  }
0x4f: {  	v3 =	vld.msk [tilespmem:s0+$0x80], $0x1  }
0x50: {  	v4 =	vld.msk [tilespmem:s0+$0x0], $0x1  }
0x51: {  	(v2sf) =	vpush v0, $0x0;
	v0 =	vld.msk [tilespmem:s0+$0xFFFFFF80], $0x1  }
0x52: {  	(v2sf) =	vpush v1, $0x0;
	v1 =	vld.msk [tilespmem:s0+$0xFFFFFF00], $0x1  }
0x53: {  	v5 =	vld.msk [tilespmem:s0+$0xFFFFFE80], $0x1;
	(v2sf) =	vpush v2, $0x0  }
0x54: {  	v2 =	vld.msk [tilespmem:s0+$0xFFFFFD80], $0x1;
	(v2sf) =	vpush v3, $0x0  }
0x55: {  	v3 =	vld.msk [tilespmem:s0+$0xFFFFFE00], $0x1;
	(v2sf) =	vpush v4, $0x0  }
0x56: {  	(v2sf) =	vpush v0, $0x0  }
0x57: {  	(v2sf) =	vpush v1, $0x0  }
0x58: {  	(v2sf) =	vpush v5, $0x0  }
0x59: {  	(v2sf) =	vpush v2, $0x0  }
0x5a: {  	(v2sf) =	vpush v3, $0x0;
	_ =	sdelay $0x5  }
0x5b: {  	s8 =	spop (v2sf)  }
0x5c: {  	s11 =	spop (v2sf)  }
0x5d: {  	s4 =	spop (v2sf)  }
0x5e: {  	s9 =	spop (v2sf)  }
0x5f: {  	s3 =	spop (v2sf)  }
0x60: {  	s1 =	sand.u32 $0x7F, s8;
	s12 =	sand.u32 $0x7F, s11;
	s5 =	spop (v2sf)  }
0x61: {  	s13 =	sand.u32 $0x7F, s4;
	s12 =	sshll.u32 s12, $0x2;
	s10 =	spop (v2sf)  }
0x62: {  	s14 =	sand.u32 $0x7F, s9;
	s16 =	sand.u32 $0x7F, s3;
	s2 =	spop (v2sf)  }
0x63: {  	s15 =	sand.u32 $0x7F, s5;
	s17 =	sand.u32 $0x7F, s10;
	s6 =	spop (v2sf)  }
0x64: {  	s19 =	sand.u32 $0x7F, s2;
	s20 =	sshll.u32 s2, $0x2;
	s7 =	spop (v2sf)  }
0x65: {  	s18 =	sand.u32 $0x7F, s6;
	s21 =	sshll.u32 s6, $0x2;
	s22 =	sand.u32 $0x7F, s7  }
0x66: {  	s23 =	sshll.u32 s7, $0x2;
	s21 =	sand.u32 $0xFFFFFE00, s21;
	s18 =	sshll.u32 s18, $0x2  }
0x67: {  	s23 =	sand.u32 $0xFFFFFE00, s23;
	s22 =	sshll.u32 s22, $0x2;
	s18 =	sor.u32 s18, s21  }
0x68: {  	s20 =	sand.u32 $0xFFFFFE00, s20;
	s22 =	sor.u32 s22, s23;
	s18 =	sshra.s32 s18, $0x2  }
0x69: {  	s19 =	sshll.u32 s19, $0x2;
	s21 =	sshra.s32 s22, $0x2;
	s18 =	sadd.s32 $0x0, s18  }
0x6a: {  	s19 =	sor.u32 s19, s20;
	s23 =	sshll.u32 s10, $0x2;
	s24 =	sadd.s32 $0x0, s21;
	v0 =	vld [tilespmem:s18+$0x1000]  }
0x6b: {  	s17 =	sshll.u32 s17, $0x2;
	s19 =	sshra.s32 s19, $0x2;
	s25 =	sand.u32 $0xFFFFFE00, s23;
	v1 =	vld [tilespmem:s24+$0x3000]  }
0x6c: {  	s26 =	sshll.u32 s5, $0x2;
	s29 =	sadd.s32 $0x0, s19;
	s17 =	sor.u32 s17, s25  }
0x6d: {  	s30 =	sand.u32 $0xFFFFFE00, s26;
	s15 =	sshll.u32 s15, $0x2;
	v2 =	vld [tilespmem:s29+$0x5000];
	s17 =	sshra.s32 s17, $0x2  }
0x6e: {  	s15 =	sor.u32 s15, s30;
	s20 =	sshll.u32 s3, $0x2;
	s17 =	sadd.s32 $0x0, s17  }
0x6f: {  	s16 =	sshll.u32 s16, $0x2;
	s15 =	sshra.s32 s15, $0x2;
	s18 =	sand.u32 $0xFFFFFE00, s20;
	v3 =	vld [tilespmem:s17+$0x7000]  }
0x70: {  	s15 =	sadd.s32 $0x0, s15;
	s21 =	sshll.u32 s9, $0x2;
	s16 =	sor.u32 s16, s18;
	v0 =	vadd.f32 v1, v0  }
0x71: {  	s14 =	sshll.u32 s14, $0x2;
	s16 =	sshra.s32 s16, $0x2;
	s17 =	sand.u32 $0xFFFFFE00, s21;
	v1 =	vld [tilespmem:s15+$0x9000]  }
0x72: {  	s22 =	sshll.u32 s4, $0x2;
	s16 =	sadd.s32 $0x0, s16;
	s14 =	sor.u32 s14, s17;
	v0 =	vadd.f32 v2, v0  }
0x73: {  	s13 =	sshll.u32 s13, $0x2;
	s14 =	sshra.s32 s14, $0x2;
	s15 =	sand.u32 $0xFFFFFE00, s22;
	v2 =	vld [tilespmem:s16+$0xB000]  }
0x74: {  	s23 =	sshll.u32 s11, $0x2;
	s14 =	sadd.s32 $0x0, s14;
	s13 =	sor.u32 s13, s15;
	v0 =	vadd.f32 v3, v0  }
0x75: {  	s26 =	sshll.u32 s1, $0x2;
	s24 =	sand.u32 $0xFFFFFE00, s23;
	s13 =	sshra.s32 s13, $0x2;
	v3 =	vld [tilespmem:s14+$0xD000]  }
0x76: {  	s25 =	sshll.u32 s8, $0x2;
	s12 =	sor.u32 s12, s24;
	s13 =	sadd.s32 $0x0, s13;
	v0 =	vadd.f32 v1, v0  }
0x77: {  	s1 =	simm.s32 $0x0;
	s12 =	sshra.s32 s12, $0x2;
	s14 =	sand.u32 $0xFFFFFE00, s25;
	v1 =	vld [tilespmem:s13+$0xF000]  }
0x78: {  	s30 =	sadd.s32 $0x10, s7;
	s12 =	sadd.s32 $0x0, s12;
	s15 =	sor.u32 s26, s14;
	v0 =	vadd.f32 v2, v0  }
0x79: {  	s19 =	sadd.s32 $0x10, s3;
	s29 =	sadd.s32 $0x10, s6;
	s15 =	sshra.s32 s15, $0x2;
	v2 =	vld [tilespmem:s12+$0x11000]  }
0x7a: {  	s20 =	sadd.s32 $0x10, s9;
	s24 =	sshll.u32 s29, $0x2;
	s15 =	sadd.s32 $0x0, s15;
	v0 =	vadd.f32 v3, v0  }
0x7b: {  	s18 =	sadd.s32 $0x10, s5;
	s21 =	sadd.s32 $0x10, s2;
	s24 =	sand.u32 $0xFFFFFE00, s24;
	v3 =	vld [tilespmem:s15+$0x13000]  }
0x7c: {  	s22 =	sadd.s32 $0x10, s10;
	s25 =	sand.u32 $0x7F, s29;
	s29 =	sand.u32 $0x7F, s21;
	v0 =	vadd.f32 v1, v0  }
0x7d: {  	s21 =	sshll.u32 s21, $0x2;
	s14 =	sadd.s32 $0x10, s4;
	s23 =	sshll.u32 s25, $0x2  }
0x7e: {  	s25 =	sand.u32 $0x7F, s30;
	s26 =	sshll.u32 s30, $0x2;
	s21 =	sand.u32 $0xFFFFFE00, s21;
	v0 =	vadd.f32 v2, v0  }
0x7f: {  	s30 =	sand.u32 $0x7F, s22;
	s22 =	sshll.u32 s22, $0x2;
	s13 =	sadd.s32 $0x10, s11  }
0x80: {  	s17 =	sand.u32 $0x7F, s14;
	s23 =	sor.u32 s23, s24;
	s26 =	sand.u32 $0xFFFFFE00, s26;
	v0 =	vadd.f32 v3, v0  }
0x81: {  	s25 =	sshll.u32 s25, $0x2;
	s22 =	sand.u32 $0xFFFFFE00, s22;
	s14 =	sshll.u32 s14, $0x2  }
0x82: {  	s16 =	sand.u32 $0x7F, s13;
	s24 =	sor.u32 s25, s26;
	s23 =	sshra.s32 s23, $0x2;
	v0 =	vmul.f32 $1.000000010e-01, v0  }
0x83: {  	s25 =	sshll.u32 s29, $0x2;
	s26 =	sand.u32 $0x7F, s18;
	s29 =	sshll.u32 s30, $0x2  }
0x84: {  	s30 =	sand.u32 $0x7F, s19;
	s23 =	sadd.s32 $0x0, s23;
	s24 =	sshra.s32 s24, $0x2;
	[tilespmem:s1+$0x15000] =	vst v0  }
0x85: {  	s18 =	sshll.u32 s18, $0x2;
	s21 =	sor.u32 s25, s21;
	s24 =	sadd.s32 $0x0, s24;
	v0 =	vld [tilespmem:s23+$0x1000]  }
0x86: {  	s19 =	sshll.u32 s19, $0x2;
	s14 =	sand.u32 $0xFFFFFE00, s14;
	s21 =	sshra.s32 s21, $0x2;
	v1 =	vld [tilespmem:s24+$0x3000]  }
0x87: {  	s22 =	sor.u32 s29, s22;
	s18 =	sand.u32 $0xFFFFFE00, s18;
	s21 =	sadd.s32 $0x0, s21  }
0x88: {  	s29 =	sshll.u32 s26, $0x2;
	s19 =	sand.u32 $0xFFFFFE00, s19;
	s25 =	sshra.s32 s22, $0x2;
	v2 =	vld [tilespmem:s21+$0x5000]  }
0x89: {  	s30 =	sshll.u32 s30, $0x2;
	s18 =	sor.u32 s29, s18;
	s21 =	sadd.s32 $0x0, s25  }
0x8a: {  	s17 =	sshll.u32 s17, $0x2;
	s19 =	sor.u32 s30, s19;
	s18 =	sshra.s32 s18, $0x2;
	v3 =	vld [tilespmem:s21+$0x7000]  }
0x8b: {  	s18 =	sadd.s32 $0x0, s18;
	s24 =	sand.u32 $0x7F, s20;
	s20 =	sshll.u32 s20, $0x2;
	v0 =	vadd.f32 v1, v0  }
0x8c: {  	s21 =	sshra.s32 s19, $0x2;
	s22 =	sand.u32 $0xFFFFFE00, s20;
	s23 =	sshll.u32 s24, $0x2;
	v1 =	vld [tilespmem:s18+$0x9000]  }
0x8d: {  	s13 =	sshll.u32 s13, $0x2;
	s19 =	sor.u32 s23, s22;
	s18 =	sadd.s32 $0x0, s21;
	v0 =	vadd.f32 v2, v0  }
0x8e: {  	s12 =	sadd.s32 $0x10, s8;
	s14 =	sor.u32 s17, s14;
	s24 =	sshra.s32 s19, $0x2;
	v2 =	vld [tilespmem:s18+$0xB000]  }
0x8f: {  	s13 =	sand.u32 $0xFFFFFE00, s13;
	s16 =	sshll.u32 s16, $0x2;
	s18 =	sadd.s32 $0x0, s24;
	v0 =	vadd.f32 v3, v0  }
0x90: {  	s26 =	sadd.s32 $0x20, s6;
	s14 =	sshra.s32 s14, $0x2;
	s13 =	sor.u32 s16, s13;
	v3 =	vld [tilespmem:s18+$0xD000]  }
0x91: {  	s15 =	sand.u32 $0x7F, s12;
	s14 =	sadd.s32 $0x0, s14;
	s12 =	sshll.u32 s12, $0x2;
	v0 =	vadd.f32 v1, v0  }
0x92: {  	s13 =	sshra.s32 s13, $0x2;
	s12 =	sand.u32 $0xFFFFFE00, s12;
	s25 =	sshll.u32 s15, $0x2;
	v1 =	vld [tilespmem:s14+$0xF000]  }
0x93: {  	s6 =	sadd.s32 $0x30, s6;
	s13 =	sadd.s32 $0x0, s13;
	s12 =	sor.u32 s25, s12;
	v0 =	vadd.f32 v2, v0  }
0x94: {  	s29 =	sadd.s32 $0x20, s7;
	s30 =	sadd.s32 $0x20, s2;
	s14 =	sshra.s32 s12, $0x2;
	v2 =	vld [tilespmem:s13+$0x11000]  }
0x95: {  	s1 =	simm.s32 $0x0;
	s15 =	sadd.s32 $0x20, s4;
	s14 =	sadd.s32 $0x0, s14;
	v0 =	vadd.f32 v3, v0  }
0x96: {  	s20 =	sadd.s32 $0x20, s5;
	s17 =	sand.u32 $0x7F, s15;
	s25 =	sand.u32 $0x7F, s26;
	v3 =	vld [tilespmem:s14+$0x13000]  }
0x97: {  	s15 =	sshll.u32 s15, $0x2;
	s22 =	sshll.u32 s29, $0x2;
	s23 =	sshll.u32 s30, $0x2;
	v0 =	vadd.f32 v1, v0  }
0x98: {  	s15 =	sand.u32 $0xFFFFFE00, s15;
	s17 =	sshll.u32 s17, $0x2;
	s19 =	sadd.s32 $0x20, s10  }
0x99: {  	s22 =	sand.u32 $0xFFFFFE00, s22;
	s23 =	sand.u32 $0xFFFFFE00, s23;
	s15 =	sor.u32 s17, s15;
	v0 =	vadd.f32 v2, v0  }
0x9a: {  	s21 =	sadd.s32 $0x20, s3;
	s24 =	sshll.u32 s25, $0x2;
	s18 =	sadd.s32 $0x20, s9  }
0x9b: {  	s14 =	sshll.u32 s26, $0x2;
	s26 =	sand.u32 $0x7F, s29;
	s29 =	sand.u32 $0x7F, s30;
	v0 =	vadd.f32 v3, v0  }
0x9c: {  	s30 =	sand.u32 $0x7F, s19;
	s19 =	sshll.u32 s19, $0x2;
	s14 =	sand.u32 $0xFFFFFE00, s14  }
0x9d: {  	s25 =	sshll.u32 s26, $0x2;
	s19 =	sand.u32 $0xFFFFFE00, s19;
	s24 =	sor.u32 s24, s14;
	v0 =	vmul.f32 $1.000000010e-01, v0  }
0x9e: {  	s22 =	sor.u32 s25, s22;
	s25 =	sshll.u32 s29, $0x2;
	s24 =	sshra.s32 s24, $0x2  }
0x9f: {  	s29 =	sshll.u32 s30, $0x2;
	s22 =	sshra.s32 s22, $0x2;
	s24 =	sadd.s32 $0x0, s24;
	[tilespmem:s1+$0x15010] =	vst v0  }
0xa0: {  	s30 =	sand.u32 $0x7F, s21;
	s23 =	sor.u32 s25, s23;
	s22 =	sadd.s32 $0x0, s22;
	v0 =	vld [tilespmem:s24+$0x1000]  }
0xa1: {  	s21 =	sshll.u32 s21, $0x2;
	s19 =	sor.u32 s29, s19;
	s23 =	sshra.s32 s23, $0x2;
	v1 =	vld [tilespmem:s22+$0x3000]  }
0xa2: {  	s23 =	sadd.s32 $0x0, s23;
	s1 =	sand.u32 $0x7F, s20;
	s20 =	sshll.u32 s20, $0x2  }
0xa3: {  	s19 =	sshra.s32 s19, $0x2;
	v2 =	vld [tilespmem:s23+$0x5000];
	s20 =	sand.u32 $0xFFFFFE00, s20;
	s1 =	sshll.u32 s1, $0x2  }
0xa4: {  	s26 =	sand.u32 $0xFFFFFE00, s21;
	s19 =	sadd.s32 $0x0, s19;
	s20 =	sor.u32 s1, s20  }
0xa5: {  	s29 =	sshll.u32 s30, $0x2;
	s24 =	sand.u32 $0x7F, s18;
	v3 =	vld [tilespmem:s19+$0x7000];
	s25 =	sshra.s32 s20, $0x2  }
0xa6: {  	s18 =	sshll.u32 s18, $0x2;
	s20 =	sor.u32 s29, s26;
	s19 =	sadd.s32 $0x0, s25;
	v0 =	vadd.f32 v1, v0  }
0xa7: {  	s18 =	sand.u32 $0xFFFFFE00, s18;
	s1 =	sshll.u32 s24, $0x2;
	s30 =	sshra.s32 s20, $0x2;
	v1 =	vld [tilespmem:s19+$0x9000]  }
0xa8: {  	s15 =	sshra.s32 s15, $0x2;
	s18 =	sor.u32 s1, s18;
	s19 =	sadd.s32 $0x0, s30;
	v0 =	vadd.f32 v2, v0  }
0xa9: {  	s15 =	sadd.s32 $0x0, s15;
	s13 =	sadd.s32 $0x20, s11;
	s18 =	sshra.s32 s18, $0x2;
	v2 =	vld [tilespmem:s19+$0xB000]  }
0xaa: {  	s16 =	sand.u32 $0x7F, s13;
	s13 =	sshll.u32 s13, $0x2;
	s18 =	sadd.s32 $0x0, s18;
	v0 =	vadd.f32 v3, v0  }
0xab: {  	s12 =	sadd.s32 $0x20, s8;
	s13 =	sand.u32 $0xFFFFFE00, s13;
	s16 =	sshll.u32 s16, $0x2;
	v3 =	vld [tilespmem:s18+$0xD000]  }
0xac: {  	s13 =	sor.u32 s16, s13;
	s14 =	sand.u32 $0x7F, s12;
	s12 =	sshll.u32 s12, $0x2;
	v0 =	vadd.f32 v1, v0  }
0xad: {  	s13 =	sshra.s32 s13, $0x2;
	s12 =	sand.u32 $0xFFFFFE00, s12;
	s14 =	sshll.u32 s14, $0x2;
	v1 =	vld [tilespmem:s15+$0xF000]  }
0xae: {  	s7 =	sadd.s32 $0x30, s7;
	s13 =	sadd.s32 $0x0, s13;
	s12 =	sor.u32 s14, s12;
	v0 =	vadd.f32 v2, v0  }
0xaf: {  	s4 =	sadd.s32 $0x30, s4;
	s9 =	sadd.s32 $0x30, s9;
	s12 =	sshra.s32 s12, $0x2;
	v2 =	vld [tilespmem:s13+$0x11000]  }
0xb0: {  	s10 =	sadd.s32 $0x30, s10;
	s17 =	sand.u32 $0x7F, s9;
	s12 =	sadd.s32 $0x0, s12;
	v0 =	vadd.f32 v3, v0  }
0xb1: {  	s9 =	sshll.u32 s9, $0x2;
	s8 =	sadd.s32 $0x30, s8;
	s11 =	sadd.s32 $0x30, s11;
	v3 =	vld [tilespmem:s12+$0x13000]  }
0xb2: {  	s22 =	simm.s32 $0xA82;
	s24 =	sand.u32 $0x7F, s6;
	s6 =	sshll.u32 s6, $0x2;
	v0 =	vadd.f32 v1, v0  }
0xb3: {  	s23 =	sand.u32 $0x7F, s10;
	s10 =	sshll.u32 s10, $0x2;
	s6 =	sand.u32 $0xFFFFFE00, s6  }
0xb4: {  	s25 =	sand.u32 $0x7F, s7;
	s20 =	sshll.u32 s24, $0x2;
	s7 =	sshll.u32 s7, $0x2;
	v0 =	vadd.f32 v2, v0  }
0xb5: {  	s6 =	sor.u32 s20, s6;
	s7 =	sand.u32 $0xFFFFFE00, s7;
	s26 =	sshll.u32 s25, $0x2  }
0xb6: {  	s1 =	simm.s32 $0x0;
	s6 =	sshra.s32 s6, $0x2;
	s7 =	sor.u32 s26, s7;
	v0 =	vadd.f32 v3, v0  }
0xb7: {  	s6 =	sadd.s32 $0x0, s6;
	s7 =	sshra.s32 s7, $0x2;
	s18 =	sadd.s32 $0x30, s2  }
0xb8: {  	s29 =	sadd.s32 $0x0, s7;
	s19 =	sand.u32 $0x7F, s18;
	s14 =	sshll.u32 s18, $0x2;
	v0 =	vmul.f32 $1.000000010e-01, v0  }
0xb9: {  	s2 =	sand.u32 $0x7F, s8;
	s14 =	sand.u32 $0xFFFFFE00, s14;
	s18 =	sshll.u32 s19, $0x2  }
0xba: {  	v4 =	vld.msk [tilespmem:s22+$0x100], $0x1;
	s19 =	sshll.u32 s23, $0x2;
	s30 =	sor.u32 s18, s14;
	s18 =	sand.u32 $0xFFFFFE00, s10;
	[tilespmem:s1+$0x15020] =	vst v0  }
0xbb: {  	s13 =	sadd.s32 $0x30, s3;
	s3 =	sand.u32 $0x7F, s11;
	s14 =	sshra.s32 s30, $0x2;
	v0 =	vld [tilespmem:s6+$0x1000]  }
0xbc: {  	s7 =	sor.u32 s19, s18;
	s16 =	sand.u32 $0x7F, s13;
	s12 =	sadd.s32 $0x30, s5;
	v3 =	vld [tilespmem:s29+$0x3000]  }
0xbd: {  	v6 =	vld.msk [tilespmem:s22+$0x80], $0x1;
	s15 =	sand.u32 $0x7F, s12;
	s20 =	sshll.u32 s12, $0x2;
	s6 =	sadd.s32 $0x0, s14  }
0xbe: {  	s21 =	sshra.s32 s7, $0x2;
	s23 =	sand.u32 $0xFFFFFE00, s20;
	s24 =	sshll.u32 s15, $0x2;
	v5 =	vld [tilespmem:s6+$0x5000]  }
0xbf: {  	s25 =	sshll.u32 s13, $0x2;
	v1 =	vld.msk [tilespmem:s22+$0x200], $0x1;
	s7 =	sor.u32 s24, s23;
	s6 =	sadd.s32 $0x0, s21  }
0xc0: {  	s30 =	sshll.u32 s16, $0x2;
	s26 =	sshra.s32 s7, $0x2;
	s29 =	sand.u32 $0xFFFFFE00, s25;
	v7 =	vld [tilespmem:s6+$0x7000]  }
0xc1: {  	s13 =	sand.u32 $0xFFFFFE00, s9;
	v2 =	vld.msk [tilespmem:s22+$0x180], $0x1;
	s7 =	sor.u32 s30, s29;
	s6 =	sadd.s32 $0x0, s26;
	v0 =	vadd.f32 v3, v0  }
0xc2: {  	s5 =	sand.u32 $0x7F, s4;
	s14 =	sshll.u32 s17, $0x2;
	s12 =	sshra.s32 s7, $0x2;
	v3 =	vld [tilespmem:s6+$0x9000]  }
0xc3: {  	v8 =	vld.msk [tilespmem:s22+$0x0], $0x1;
	s4 =	sshll.u32 s4, $0x2;
	s7 =	sor.u32 s14, s13;
	s6 =	sadd.s32 $0x0, s12;
	v0 =	vadd.f32 v5, v0  }
0xc4: {  	s4 =	sand.u32 $0xFFFFFE00, s4;
	s5 =	sshll.u32 s5, $0x2;
	s15 =	sshra.s32 s7, $0x2;
	v5 =	vld [tilespmem:s6+$0xB000]  }
0xc5: {  	v9 =	vld.msk [tilespmem:s22+$0xFFFFFF80], $0x1;
	s16 =	sshll.u32 s11, $0x2;
	s4 =	sor.u32 s5, s4;
	s6 =	sadd.s32 $0x0, s15;
	v0 =	vadd.f32 v7, v0  }
0xc6: {  	s3 =	sshll.u32 s3, $0x2;
	s5 =	sand.u32 $0xFFFFFE00, s16;
	s4 =	sshra.s32 s4, $0x2;
	(v2sf) =	vpush v1, $0x0;
	v7 =	vld [tilespmem:s6+$0xD000]  }
0xc7: {  	v10 =	vld.msk [tilespmem:s22+$0xFFFFFF00], $0x1;
	s3 =	sor.u32 s3, s5;
	s4 =	sadd.s32 $0x0, s4;
	(v2sf) =	vpush v2, $0x0;
	s17 =	sshll.u32 s8, $0x2;
	v0 =	vadd.f32 v3, v0  }
0xc8: {  	s2 =	sshll.u32 s2, $0x2;
	s3 =	sshra.s32 s3, $0x2;
	(v2sf) =	vpush v4, $0x0;
	v2 =	vld [tilespmem:s4+$0xF000];
	s18 =	sand.u32 $0xFFFFFE00, s17  }
0xc9: {  	s3 =	sadd.s32 $0x0, s3;
	v1 =	vld.msk [tilespmem:s22+$0xFFFFFE80], $0x1;
	s2 =	sor.u32 s2, s18;
	v0 =	vadd.f32 v5, v0  }
0xca: {  	s19 =	simm.s32 $0xA82;
	v4 =	vld [tilespmem:s3+$0x11000];
	s2 =	sshra.s32 s2, $0x2  }
0xcb: {  	s2 =	sadd.s32 $0x0, s2;
	v3 =	vld.msk [tilespmem:s22+$0xFFFFFD80], $0x1;
	[dreg:$0x3] =	wrdreg s19;
	v0 =	vadd.f32 v7, v0  }
0xcc: {  	(v2sf) =	vpush v6, $0x0;
	v6 =	vld [tilespmem:s2+$0x13000]  }
0xcd: {  	v0 =	vadd.f32 v2, v0;
	_ =	sdelay $0x1  }
0xce: {  	(v2sf) =	vpush v8, $0x0;
	v0 =	vadd.f32 v4, v0  }
0xcf: {  	(v2sf) =	vpush v9, $0x0  }
0xd0: {  	(v2sf) =	vpush v10, $0x0;
	v5 =	vld.msk [tilespmem:s22+$0xFFFFFE00], $0x1;
	v0 =	vadd.f32 v6, v0  }
0xd1: {  	(v2sf) =	vpush v1, $0x0  }
0xd2: {  	v0 =	vmul.f32 $1.000000010e-01, v0;
	_ =	sdelay $0x1  }
0xd3: {  	s20 =	spop (v2sf);
	(v2sf) =	vpush v3, $0x0;
	[tilespmem:s1+$0x15030] =	vst v0  }
0xd4: {  	s21 =	spop (v2sf);
	(v2sf) =	vpush v5, $0x0;
	[smem:$0x7EC] =	sst s20  }
0xd5: {  	s22 =	spop (v2sf);
	v0 =	vld.msk [tilespmem:s0+$0x201], $0x1  }
0xd6: {  	v1 =	vld.msk [tilespmem:s0+$0x181], $0x1;
	[smem:$0x7F6] =	sst s22  }
0xd7: {  	s3 =	sshll.u32 s20, $0x2;
	v2 =	vld.msk [tilespmem:s0+$0x101], $0x1  }
0xd8: {  	s30 =	sand.u32 $0x7F, s20;
	s3 =	sand.u32 $0xFFFFFE00, s3;
	v3 =	vld.msk [tilespmem:s0+$0x81], $0x1  }
0xd9: {  	s2 =	sshll.u32 s30, $0x2;
	s10 =	sand.u32 $0x7F, s21;
	s11 =	sshll.u32 s21, $0x2;
	v4 =	vld.msk [tilespmem:s0+$0x1], $0x1  }
0xda: {  	s2 =	sor.u32 s2, s3;
	s23 =	spop (v2sf);
	s7 =	sand.u32 $0x7F, s22;
	v5 =	vld.msk [tilespmem:s0+$0xFFFFFF81], $0x1  }
0xdb: {  	s8 =	sshll.u32 s22, $0x2;
	s5 =	sand.u32 $0xFFFFFE00, s11;
	s4 =	sshll.u32 s10, $0x2;
	(v2sf) =	vpush v0, $0x0;
	v0 =	vld.msk [tilespmem:s0+$0xFFFFFF01], $0x1  }
0xdc: {  	s24 =	spop (v2sf);
	s13 =	sand.u32 $0x7F, s23;
	s18 =	sshll.u32 s23, $0x2;
	(v2sf) =	vpush v1, $0x0;
	v1 =	vld.msk [tilespmem:s0+$0xFFFFFE81], $0x1  }
0xdd: {  	s8 =	sand.u32 $0xFFFFFE00, s8;
	s4 =	sor.u32 s4, s5;
	s25 =	spop (v2sf);
	(v2sf) =	vpush v2, $0x0;
	v2 =	vld.msk [tilespmem:s0+$0xFFFFFD81], $0x1  }
0xde: {  	s30 =	sshll.u32 s13, $0x2;
	s1 =	spop (v2sf);
	(v2sf) =	vpush v3, $0x0;
	v3 =	vld.msk [tilespmem:s0+$0xFFFFFE01], $0x1;
	[dreg:$0x7] =	wrdreg s21  }
0xdf: {  	s19 =	sand.u32 $0x7F, s25;
	s26 =	spop (v2sf);
	[smem:$0x7EE] =	sst s23  }
0xe0: {  	s20 =	sand.u32 $0x7F, s24;
	s12 =	sand.u32 $0x7F, s1;
	[smem:$0x7ED] =	sst s25;
	(v2sf) =	vpush v4, $0x0  }
0xe1: {  	s22 =	sshll.u32 s25, $0x2;
	s10 =	sshll.u32 s20, $0x2;
	[smem:$0x7F7] =	sst s24;
	(v2sf) =	vpush v5, $0x0  }
0xe2: {  	s15 =	sand.u32 $0xFFFFFE00, s22;
	s29 =	spop (v2sf);
	[dreg:$0x4] =	wrdreg s1;
	(v2sf) =	vpush v0, $0x0  }
0xe3: {  	s22 =	sshll.u32 s1, $0x2;
	s17 =	spop (v2sf);
	[dreg:$0x5] =	wrdreg s29;
	(v2sf) =	vpush v1, $0x0  }
0xe4: {  	s21 =	sshll.u32 s24, $0x2;
	s0 =	sshll.u32 s7, $0x2;
	[dreg:$0x1f] =	wrdreg s26;
	(v2sf) =	vpush v2, $0x0  }
0xe5: {  	s23 =	sand.u32 $0x7F, s29;
	s24 =	sand.u32 $0x7F, s26;
	[smem:$0x7F2] =	sst s4;
	(v2sf) =	vpush v3, $0x0  }
0xe6: {  	s25 =	sshll.u32 s26, $0x2;
	[smem:$0x7F0] =	sst s2;
	s26 =	sshll.u32 s29, $0x2  }
0xe7: {  	s29 =	sand.u32 $0xFFFFFE00, s18;
	s18 =	sshll.u32 s19, $0x2;
	s0 =	sor.u32 s0, s8  }
0xe8: {  	s16 =	sand.u32 $0xFFFFFE00, s21;
	s2 =	sand.u32 $0xFFFFFE00, s26;
	s5 =	sor.u32 s18, s15  }
0xe9: {  	s19 =	sand.u32 $0xFFFFFE00, s25;
	s21 =	sshll.u32 s23, $0x2;
	s3 =	sor.u32 s30, s29  }
0xea: {  	s23 =	sshll.u32 s12, $0x2;
	s8 =	smov.u32 s17;
	[smem:$0x7F1] =	sst s0  }
0xeb: {  	s25 =	sshll.u32 s17, $0x2;
	[smem:$0x7F5] =	sst s5;
	s9 =	spop (v2sf)  }
0xec: {  	s20 =	sor.u32 s10, s16;
	[smem:$0x7F4] =	sst s3;
	s6 =	spop (v2sf)  }
0xed: {  	s0 =	sshll.u32 s24, $0x2;
	s11 =	sor.u32 s21, s2;
	s13 =	spop (v2sf)  }
0xee: {  	s24 =	sand.u32 $0x7F, s17;
	s26 =	sand.u32 $0xFFFFFE00, s25;
	s14 =	spop (v2sf)  }
0xef: {  	[smem:$0x7F3] =	sst s20;
	s0 =	sor.u32 s0, s19;
	s15 =	spop (v2sf)  }
0xf0: {  	s3 =	sshll.u32 s24, $0x2;
	[smem:$0x7EF] =	sst s0;
	s16 =	spop (v2sf)  }
0xf1: {  	s0 =	sand.u32 $0xFFFFFE00, s22;
	s12 =	sor.u32 s3, s26;
	s17 =	spop (v2sf)  }
0xf2: {  	s10 =	sor.u32 s23, s0;
	s18 =	spop (v2sf);
	s25 =	sand.u32 $0x7F, s17  }
0xf3: {  	s20 =	spop (v2sf);
	s5 =	sand.u32 $0x7F, s18;
	s7 =	sshll.u32 s18, $0x2  }
0xf4: {  	s19 =	spop (v2sf);
	s29 =	sand.u32 $0x7F, s20;
	s30 =	sshll.u32 s20, $0x2  }
0xf5: {  	s22 =	sand.u32 $0xFFFFFE00, s7;
	s24 =	sshll.u32 s5, $0x2;
	s5 =	sshll.u32 s15, $0x2  }
0xf6: {  	s2 =	sand.u32 $0xFFFFFE00, s30;
	s0 =	sshll.u32 s29, $0x2;
	s1 =	sshll.u32 s19, $0x2  }
0xf7: {  	s4 =	sand.u32 $0x7F, s19;
	s28 =	sor.u32 s24, s22;
	s29 =	sshll.u32 s17, $0x2  }
0xf8: {  	s30 =	sshll.u32 s16, $0x2;
	s7 =	sand.u32 $0xFFFFFE00, s5;
	s24 =	sand.u32 $0x7F, s14  }
0xf9: {  	s5 =	sand.u32 $0x7F, s13;
	s31 =	sadd.s32 $0x10, s19;
	s23 =	sor.u32 s0, s2  }
0xfa: {  	s3 =	sand.u32 $0xFFFFFE00, s1;
	s2 =	sshll.u32 s4, $0x2;
	s0 =	sshll.u32 s25, $0x2  }
0xfb: {  	s1 =	sand.u32 $0xFFFFFE00, s30;
	s4 =	sand.u32 $0x7F, s15;
	s30 =	sshll.u32 s14, $0x2  }
0xfc: {  	s26 =	sor.u32 s2, s3;
	s2 =	sand.u32 $0xFFFFFE00, s29;
	s3 =	sand.u32 $0x7F, s16  }
0xfd: {  	s22 =	sshll.u32 s4, $0x2;
	s29 =	sor.u32 s0, s2;
	s2 =	sshll.u32 s3, $0x2  }
0xfe: {  	s25 =	sor.u32 s22, s7;
	s0 =	sshll.u32 s24, $0x2;
	s7 =	sand.u32 $0x7F, s6  }
0xff: {  	s24 =	sshll.u32 s6, $0x2;
	s3 =	sor.u32 s2, s1;
	s2 =	sand.u32 $0xFFFFFE00, s30  }
0x100: {  	s1 =	sshll.u32 s13, $0x2;
	s21 =	sshll.u32 s7, $0x2;
	s7 =	sadd.s32 $0x10, s20  }
0x101: {  	s30 =	sor.u32 s0, s2;
	s4 =	sand.u32 $0xFFFFFE00, s1;
	s2 =	sshll.u32 s5, $0x2  }
0x102: {  	s0 =	sand.u32 $0xFFFFFE00, s24;
	s1 =	sand.u32 $0x7F, s9;
	s24 =	sshll.u32 s7, $0x2  }
0x103: {  	s4 =	sor.u32 s2, s4;
	s5 =	sor.u32 s21, s0;
	s2 =	sshll.u32 s9, $0x2  }
0x104: {  	s21 =	sshll.u32 s1, $0x2;
	s0 =	sand.u32 $0x7F, s7;
	s24 =	sand.u32 $0xFFFFFE00, s24  }
0x105: {  	s1 =	sand.u32 $0x7F, s31;
	s31 =	sshll.u32 s31, $0x2;
	s7 =	sshra.s32 s23, $0x2  }
0x106: {  	s22 =	sand.u32 $0xFFFFFE00, s2;
	s31 =	sand.u32 $0xFFFFFE00, s31;
	s2 =	sadd.s32 $0x10, s18  }
0x107: {  	s7 =	sadd.s32 $0x0, s7;
	s21 =	sor.u32 s21, s22;
	s22 =	sshll.u32 s0, $0x2  }
0x108: {  	s4 =	sshra.s32 s4, $0x2;
	s22 =	sor.u32 s22, s24;
	s24 =	sshll.u32 s1, $0x2  }
0x109: {  	s0 =	sshll.u32 s2, $0x2;
	s24 =	sor.u32 s24, s31;
	s31 =	sand.u32 $0x7F, s2  }
0x10a: {  	s0 =	sand.u32 $0xFFFFFE00, s0;
	s21 =	sshra.s32 s21, $0x2;
	s1 =	sshll.u32 s31, $0x2  }
0x10b: {  	s22 =	sshra.s32 s22, $0x2;
	s23 =	sor.u32 s1, s0;
	s1 =	sshra.s32 s26, $0x2  }
0x10c: {  	v0 =	vld [tilespmem:s7+$0x1080];
	s24 =	sshra.s32 s24, $0x2;
	s7 =	sadd.s32 $0x0, s1;
	s1 =	sshra.s32 s29, $0x2  }
0x10d: {  	s26 =	sshra.s32 s28, $0x2;
	s2 =	sadd.s32 $0x0, s1;
	s1 =	sadd.s32 $0x10, s17  }
0x10e: {  	s29 =	sadd.s32 $0x10, s16;
	v1 =	vld [tilespmem:s7+$0x3080];
	s7 =	sadd.s32 $0x0, s26;
	s28 =	sand.u32 $0x7F, s1  }
0x10f: {  	s26 =	sshll.u32 s1, $0x2;
	v2 =	vld [tilespmem:s7+$0x5080];
	s1 =	sand.u32 $0x7F, s29;
	s29 =	sshll.u32 s29, $0x2  }
0x110: {  	v3 =	vld [tilespmem:s2+$0x7080];
	s2 =	sshra.s32 s3, $0x2;
	s3 =	sshra.s32 s25, $0x2;
	s7 =	sand.u32 $0xFFFFFE00, s26  }
0x111: {  	s28 =	sshll.u32 s28, $0x2;
	s31 =	sand.u32 $0xFFFFFE00, s29;
	s26 =	sshll.u32 s1, $0x2  }
0x112: {  	s0 =	sadd.s32 $0x0, s2;
	s25 =	sadd.s32 $0x0, s3;
	s29 =	sor.u32 s28, s7  }
0x113: {  	s26 =	sor.u32 s26, s31;
	s7 =	sshra.s32 s30, $0x2;
	s30 =	sadd.s32 $0x10, s15  }
0x114: {  	s28 =	sadd.s32 $0x10, s14;
	s2 =	sadd.s32 $0x0, s7;
	s1 =	sand.u32 $0x7F, s30  }
0x115: {  	s3 =	sshll.u32 s30, $0x2;
	s30 =	sand.u32 $0x7F, s28;
	s28 =	sshll.u32 s28, $0x2;
	v0 =	vadd.f32 v1, v0  }
0x116: {  	s29 =	sshra.s32 s29, $0x2;
	v1 =	vld [tilespmem:s0+$0x9080];
	s7 =	sand.u32 $0xFFFFFE00, s3;
	s28 =	sand.u32 $0xFFFFFE00, s28  }
0x117: {  	s0 =	sadd.s32 $0x0, s4;
	v0 =	vadd.f32 v2, v0;
	v2 =	vld [tilespmem:s25+$0xB080];
	s25 =	sshll.u32 s1, $0x2;
	s1 =	sshll.u32 s30, $0x2  }
0x118: {  	s3 =	sor.u32 s25, s7;
	s30 =	sor.u32 s1, s28;
	s7 =	sshra.s32 s5, $0x2  }
0x119: {  	s1 =	sadd.s32 $0x10, s13;
	s28 =	sadd.s32 $0x20, s19;
	v0 =	vadd.f32 v3, v0;
	s25 =	sadd.s32 $0x0, s7  }
0x11a: {  	v3 =	vld [tilespmem:s2+$0xD080];
	s2 =	sadd.s32 $0x0, s21;
	s5 =	sand.u32 $0x7F, s1;
	s4 =	sshll.u32 s1, $0x2  }
0x11b: {  	s7 =	sadd.s32 $0x10, s6;
	s3 =	sshra.s32 s3, $0x2;
	s30 =	sshra.s32 s30, $0x2;
	v0 =	vadd.f32 v1, v0  }
0x11c: {  	s1 =	sand.u32 $0x7F, s7;
	s21 =	sshll.u32 s7, $0x2;
	s5 =	sshll.u32 s5, $0x2;
	v1 =	vld [tilespmem:s0+$0xF080]  }
0x11d: {  	s7 =	sadd.s32 $0x10, s9;
	s3 =	sadd.s32 $0x0, s3;
	v0 =	vadd.f32 v2, v0;
	v2 =	vld [tilespmem:s25+$0x11080];
	s25 =	sand.u32 $0xFFFFFE00, s4  }
0x11e: {  	s21 =	sand.u32 $0xFFFFFE00, s21;
	s4 =	sshll.u32 s1, $0x2;
	s0 =	sor.u32 s5, s25  }
0x11f: {  	s31 =	sor.u32 s4, s21;
	s21 =	sand.u32 $0x7F, s7;
	s25 =	sadd.s32 $0x20, s20  }
0x120: {  	s20 =	sadd.s32 $0x30, s20;
	v0 =	vadd.f32 v3, v0;
	v3 =	vld [tilespmem:s2+$0x13080];
	s2 =	sshll.u32 s7, $0x2;
	s4 =	sshll.u32 s21, $0x2  }
0x121: {  	s1 =	sshll.u32 s25, $0x2;
	s7 =	sand.u32 $0x7F, s25;
	s21 =	sadd.s32 $0x20, s18  }
0x122: {  	s0 =	sshra.s32 s0, $0x2;
	s2 =	sand.u32 $0xFFFFFE00, s2;
	s25 =	sand.u32 $0xFFFFFE00, s1;
	v0 =	vadd.f32 v1, v0  }
0x123: {  	s1 =	sand.u32 $0x7F, s21;
	s21 =	sshll.u32 s21, $0x2;
	s0 =	sadd.s32 $0x0, s0  }
0x124: {  	s2 =	sor.u32 s4, s2;
	s4 =	sshll.u32 s7, $0x2;
	s7 =	sshll.u32 s28, $0x2;
	v0 =	vadd.f32 v2, v0  }
0x125: {  	s28 =	sand.u32 $0x7F, s28;
	s21 =	sand.u32 $0xFFFFFE00, s21;
	s25 =	sor.u32 s4, s25  }
0x126: {  	s5 =	sand.u32 $0xFFFFFE00, s7;
	s28 =	sshll.u32 s28, $0x2;
	s4 =	sshll.u32 s1, $0x2;
	v0 =	vadd.f32 v3, v0  }
0x127: {  	s7 =	simm.s32 $0x0;
	s1 =	sadd.s32 $0x20, s17;
	s2 =	sshra.s32 s2, $0x2  }
0x128: {  	s17 =	sadd.s32 $0x30, s17;
	s28 =	sor.u32 s28, s5;
	s21 =	sor.u32 s4, s21;
	v0 =	vmul.f32 $1.000000010e-01, v0  }
0x129: {  	s4 =	sadd.s32 $0x0, s22;
	s5 =	sadd.s32 $0x0, s24;
	s24 =	sand.u32 $0x7F, s1  }
0x12a: {  	s22 =	sshll.u32 s1, $0x2;
	s1 =	sshra.s32 s23, $0x2;
	s23 =	sadd.s32 $0x20, s16;
	[tilespmem:s7+$0x15080] =	vst v0  }
0x12b: {  	s2 =	sadd.s32 $0x0, s2;
	s22 =	sand.u32 $0xFFFFFE00, s22;
	s21 =	sshra.s32 s21, $0x2;
	v0 =	vld [tilespmem:s4+$0x1080]  }
0x12c: {  	v1 =	vld [tilespmem:s5+$0x3080];
	s5 =	sshll.u32 s24, $0x2;
	s4 =	sadd.s32 $0x0, s1;
	s1 =	sand.u32 $0x7F, s23  }
0x12d: {  	s24 =	sor.u32 s5, s22;
	v2 =	vld [tilespmem:s4+$0x5080];
	s5 =	sshll.u32 s23, $0x2;
	s4 =	sadd.s32 $0x0, s29  }
0x12e: {  	s22 =	sshll.u32 s1, $0x2;
	s23 =	sshra.s32 s26, $0x2;
	s26 =	sadd.s32 $0x20, s15  }
0x12f: {  	s15 =	sadd.s32 $0x30, s15;
	s5 =	sand.u32 $0xFFFFFE00, s5;
	v3 =	vld [tilespmem:s4+$0x7080];
	s4 =	sadd.s32 $0x0, s23  }
0x130: {  	s1 =	sand.u32 $0x7F, s26;
	s23 =	sadd.s32 $0x20, s14;
	s14 =	sadd.s32 $0x30, s14  }
0x131: {  	s29 =	sor.u32 s22, s5;
	s5 =	sshll.u32 s26, $0x2;
	s22 =	sshll.u32 s1, $0x2  }
0x132: {  	s1 =	sand.u32 $0x7F, s23;
	s5 =	sand.u32 $0xFFFFFE00, s5;
	v0 =	vadd.f32 v1, v0;
	v1 =	vld [tilespmem:s4+$0x9080];
	s4 =	sshll.u32 s23, $0x2  }
0x133: {  	s26 =	sor.u32 s22, s5;
	s5 =	sshll.u32 s1, $0x2;
	s4 =	sand.u32 $0xFFFFFE00, s4  }
0x134: {  	v0 =	vadd.f32 v2, v0;
	v2 =	vld [tilespmem:s3+$0xB080];
	s3 =	sadd.s32 $0x0, s30;
	s30 =	sor.u32 s5, s4;
	s4 =	sadd.s32 $0x20, s13  }
0x135: {  	s29 =	sshra.s32 s29, $0x2;
	s22 =	sshra.s32 s31, $0x2;
	s5 =	sand.u32 $0x7F, s4  }
0x136: {  	v0 =	vadd.f32 v3, v0;
	v3 =	vld [tilespmem:s3+$0xD080];
	s3 =	sshll.u32 s4, $0x2;
	s1 =	sshll.u32 s5, $0x2;
	s4 =	sadd.s32 $0x0, s22  }
0x137: {  	s5 =	sadd.s32 $0x20, s9;
	s22 =	sadd.s32 $0x20, s6;
	s23 =	sand.u32 $0xFFFFFE00, s3  }
0x138: {  	s3 =	sshll.u32 s5, $0x2;
	v0 =	vadd.f32 v1, v0;
	v1 =	vld [tilespmem:s0+$0xF080];
	s0 =	sor.u32 s1, s23;
	s23 =	sand.u32 $0x7F, s5  }
0x139: {  	s1 =	sshll.u32 s22, $0x2;
	s3 =	sand.u32 $0xFFFFFE00, s3;
	s5 =	sshll.u32 s23, $0x2  }
0x13a: {  	s23 =	sshll.u32 s20, $0x2;
	v0 =	vadd.f32 v2, v0;
	v2 =	vld [tilespmem:s4+$0x11080];
	s4 =	sand.u32 $0x7F, s22;
	s22 =	sand.u32 $0xFFFFFE00, s1  }
0x13b: {  	s31 =	sor.u32 s5, s3;
	s1 =	sadd.s32 $0x30, s19;
	s3 =	sand.u32 $0xFFFFFE00, s23  }
0x13c: {  	s19 =	sand.u32 $0x7F, s1;
	v0 =	vadd.f32 v3, v0;
	v3 =	vld [tilespmem:s2+$0x13080];
	s2 =	sshll.u32 s4, $0x2;
	s4 =	sshll.u32 s1, $0x2  }
0x13d: {  	s1 =	sshll.u32 s19, $0x2;
	s2 =	sor.u32 s2, s22;
	s22 =	sand.u32 $0x7F, s20  }
0x13e: {  	s23 =	sand.u32 $0xFFFFFE00, s4;
	s4 =	sshra.s32 s25, $0x2;
	v0 =	vadd.f32 v1, v0;
	s5 =	sshll.u32 s22, $0x2  }
0x13f: {  	s19 =	sor.u32 s1, s23;
	s1 =	sld [smem:$0x7EC];
	s22 =	sadd.s32 $0x30, s18  }
0x140: {  	s23 =	sand.u32 $0x7F, s17;
	s17 =	sshll.u32 s17, $0x2;
	s2 =	sshra.s32 s2, $0x2;
	v0 =	vadd.f32 v2, v0  }
0x141: {  	s20 =	sor.u32 s5, s3;
	s5 =	sshra.s32 s28, $0x2;
	s28 =	sld [smem:$0x7ED]  }
0x142: {  	s3 =	sadd.s32 $0x0, s4;
	s18 =	sand.u32 $0x7F, s22;
	s17 =	sand.u32 $0xFFFFFE00, s17;
	v0 =	vadd.f32 v3, v0  }
0x143: {  	s4 =	sadd.s32 $0x0, s5;
	s5 =	sshll.u32 s22, $0x2;
	s25 =	sshll.u32 s18, $0x2  }
0x144: {  	s18 =	sadd.s32 $0x0, s29;
	s29 =	sand.u32 $0x7F, s15;
	s15 =	sshll.u32 s15, $0x2;
	v0 =	vmul.f32 $1.000000010e-01, v0  }
0x145: {  	s2 =	sadd.s32 $0x0, s2;
	s5 =	sand.u32 $0xFFFFFE00, s5;
	s15 =	sand.u32 $0xFFFFFE00, s15  }
0x146: {  	s22 =	sor.u32 s25, s5;
	s25 =	sshra.s32 s24, $0x2;
	[tilespmem:s7+$0x15090] =	vst v0;
	s7 =	sshll.u32 s23, $0x2  }
0x147: {  	v0 =	vld [tilespmem:s3+$0x1080];
	s23 =	sor.u32 s7, s17;
	s3 =	sadd.s32 $0x0, s21;
	s17 =	sld [smem:$0x7EE]  }
0x148: {  	v1 =	vld [tilespmem:s4+$0x3080];
	s24 =	rddreg [dreg:$0x1f];
	s7 =	sadd.s32 $0x0, s25;
	s21 =	sadd.s32 $0x30, s16  }
0x149: {  	s16 =	sand.u32 $0x7F, s21;
	s5 =	sshll.u32 s21, $0x2;
	v3 =	vld [tilespmem:s7+$0x7080];
	s7 =	sshra.s32 s30, $0x2  }
0x14a: {  	v2 =	vld [tilespmem:s3+$0x5080];
	s25 =	sand.u32 $0xFFFFFE00, s5;
	s16 =	sshll.u32 s16, $0x2;
	s5 =	sshll.u32 s29, $0x2  }
0x14b: {  	s21 =	sadd.s32 $0x0, s7;
	s29 =	sshra.s32 s0, $0x2;
	s7 =	sadd.s32 $0x30, s13  }
0x14c: {  	s16 =	sor.u32 s16, s25;
	s25 =	sand.u32 $0x7F, s14;
	s13 =	sand.u32 $0x7F, s7  }
0x14d: {  	s4 =	sshll.u32 s25, $0x2;
	v0 =	vadd.f32 v1, v0;
	v1 =	vld [tilespmem:s18+$0x9080];
	s18 =	sor.u32 s5, s15;
	s5 =	sshra.s32 s26, $0x2  }
0x14e: {  	s25 =	sshll.u32 s13, $0x2;
	s3 =	sadd.s32 $0x0, s5;
	s5 =	sshll.u32 s14, $0x2  }
0x14f: {  	s13 =	sshra.s32 s12, $0x2;
	s15 =	rddreg [dreg:$0x7];
	v0 =	vadd.f32 v2, v0;
	s30 =	sand.u32 $0xFFFFFE00, s5  }
0x150: {  	v2 =	vld [tilespmem:s3+$0xB080];
	s5 =	sadd.s32 $0x0, s29;
	s29 =	sadd.s32 $0x10, s24;
	s0 =	sor.u32 s4, s30  }
0x151: {  	s4 =	sshll.u32 s7, $0x2;
	s30 =	sand.u32 $0x7F, s29;
	s7 =	sshra.s32 s11, $0x2;
	v0 =	vadd.f32 v3, v0  }
0x152: {  	v3 =	vld [tilespmem:s21+$0xD080];
	s14 =	sand.u32 $0xFFFFFE00, s4;
	s4 =	sadd.s32 $0x100, s7;
	s7 =	sld [smem:$0x7EF]  }
0x153: {  	s11 =	sshra.s32 s31, $0x2;
	s3 =	sor.u32 s25, s14;
	s14 =	rddreg [dreg:$0x5];
	v0 =	vadd.f32 v1, v0  }
0x154: {  	v1 =	vld [tilespmem:s5+$0xF080];
	[dreg:$0xb] =	wrdreg s30;
	s5 =	sadd.s32 $0x0, s11;
	s12 =	sadd.s32 $0x10, s14  }
0x155: {  	s11 =	sadd.s32 $0x100, s13;
	s13 =	sld [smem:$0x7F1];
	s25 =	sand.u32 $0x7F, s12;
	v0 =	vadd.f32 v2, v0  }
0x156: {  	v2 =	vld [tilespmem:s2+$0x11080];
	s2 =	sshll.u32 s29, $0x2;
	s29 =	sshll.u32 s12, $0x2;
	s12 =	sld [smem:$0x7F0]  }
0x157: {  	s21 =	smov.u32 s24;
	s24 =	sadd.s32 $0x10, s8;
	v0 =	vadd.f32 v3, v0;
	v3 =	vld [tilespmem:s5+$0x13080];
	[dreg:$0x6] =	wrdreg s8  }
0x158: {  	s30 =	sand.u32 $0x7F, s24;
	s5 =	sshll.u32 s24, $0x2;
	s24 =	sld [smem:$0x7F3]  }
0x159: {  	s8 =	sshll.u32 s25, $0x2;
	s25 =	sld [smem:$0x7F4]  }
0x15a: {  	s6 =	sadd.s32 $0x30, s6;
	v4 =	vld [tilespmem:s4+$0x1000];
	[dreg:$0xc] =	wrdreg s30  }
0x15b: {  	s23 =	sshra.s32 s23, $0x2;
	s4 =	sand.u32 $0xFFFFFE00, s29;
	s29 =	sld [smem:$0x7F5]  }
0x15c: {  	s26 =	simm.s32 $0x0;
	s0 =	sshra.s32 s0, $0x2;
	v0 =	vadd.f32 v1, v0;
	v1 =	vld [tilespmem:s11+$0x3000];
	[dreg:$0xe] =	wrdreg s5  }
0x15d: {  	s31 =	simm.s32 $0x100;
	s0 =	sadd.s32 $0x0, s0;
	[dreg:$0x11] =	wrdreg s4  }
0x15e: {  	s14 =	sshra.s32 s10, $0x2;
	s2 =	sand.u32 $0xFFFFFE00, s2;
	[dreg:$0x12] =	wrdreg s8  }
0x15f: {  	s4 =	sshra.s32 s7, $0x2;
	[dreg:$0xf] =	wrdreg s2;
	s2 =	sshra.s32 s12, $0x2  }
0x160: {  	s7 =	sld [smem:$0x7F2];
	s5 =	sadd.s32 $0x100, s14;
	s11 =	sadd.s32 $0x100, s4;
	v0 =	vadd.f32 v2, v0  }
0x161: {  	s4 =	sshra.s32 s13, $0x2;
	s8 =	sshra.s32 s24, $0x2;
	s13 =	sshra.s32 s19, $0x2  }
0x162: {  	s19 =	sshra.s32 s22, $0x2;
	v2 =	vld [tilespmem:s11+$0x5000];
	s10 =	sshra.s32 s29, $0x2;
	s4 =	sadd.s32 $0x100, s4;
	v0 =	vadd.f32 v3, v0  }
0x163: {  	s11 =	sadd.s32 $0x100, s2;
	s14 =	sadd.s32 $0x0, s13;
	s29 =	sshra.s32 s18, $0x2;
	v7 =	vld [tilespmem:s4+$0xF000]  }
0x164: {  	s18 =	simm.s32 $0xA84;
	s7 =	sshra.s32 s7, $0x2;
	s30 =	sadd.s32 $0x100, s10;
	v3 =	vld [tilespmem:s5+$0x7000];
	v0 =	vmul.f32 $1.000000010e-01, v0  }
0x165: {  	s12 =	sadd.s32 $0x100, s7;
	s7 =	sadd.s32 $0x100, s8;
	s8 =	sshra.s32 s20, $0x2;
	v1 =	vadd.f32 v1, v4;
	v4 =	vld [tilespmem:s30+$0x9000]  }
0x166: {  	s5 =	sshra.s32 s25, $0x2;
	s25 =	sshra.s32 s16, $0x2;
	v5 =	vld [tilespmem:s7+$0xB000];
	s10 =	sadd.s32 $0x0, s8;
	[tilespmem:s26+$0x150A0] =	vst v0  }
0x167: {  	s16 =	simm.s32 $0x400;
	s5 =	sadd.s32 $0x100, s5;
	s7 =	sadd.s32 $0x0, s19;
	v1 =	vadd.f32 v2, v1;
	v0 =	vld [tilespmem:s10+$0x1080]  }
0x168: {  	s8 =	sadd.s32 $0x0, s23;
	s30 =	sadd.s32 $0x0, s29;
	s20 =	sld [smem:$0x7F6];
	v2 =	vld [tilespmem:s14+$0x3080]  }
0x169: {  	s19 =	sshra.s32 s3, $0x2;
	s24 =	sld [smem:$0x7F7];
	s10 =	sadd.s32 $0x30, s9;
	v1 =	vadd.f32 v3, v1;
	v3 =	vld [tilespmem:s5+$0xD000]  }
0x16a: {  	v6 =	vld [tilespmem:s7+$0x5080];
	s5 =	sadd.s32 $0x0, s25;
	s9 =	sand.u32 $0x7F, s6;
	s6 =	sshll.u32 s6, $0x2  }
0x16b: {  	v63 =	vld [tilespmem:s8+$0x7080];
	[dreg:$0x8] =	wrdreg s16;
	s25 =	smov.u32 s1;
	s8 =	sadd.s32 $0x10, s1;
	v1 =	vadd.f32 v4, v1  }
0x16c: {  	s14 =	sadd.s32 $0x10, s17;
	s6 =	sand.u32 $0xFFFFFE00, s6;
	s7 =	sshll.u32 s9, $0x2  }
0x16d: {  	s9 =	sadd.s32 $0x10, s15;
	s13 =	sand.u32 $0x7F, s14;
	s22 =	smov.u32 s20;
	v1 =	vadd.f32 v5, v1  }
0x16e: {  	s23 =	smov.u32 s24;
	s15 =	sadd.s32 $0x10, s24;
	v5 =	vld [tilespmem:s12+$0x11000];
	[dreg:$0x9] =	wrdreg s18  }
0x16f: {  	s24 =	smov.u32 s17;
	s12 =	sadd.s32 $0x10, s20;
	s20 =	rddreg [dreg:$0x4];
	v0 =	vadd.f32 v2, v0;
	v2 =	vadd.f32 v3, v1  }
0x170: {  	s18 =	sadd.s32 $0x10, s28;
	s28 =	simm.s32 $0x2;
	s17 =	sadd.s32 $0x10, s20;
	v4 =	vld [tilespmem:s11+$0x13000]  }
0x171: {  	s16 =	sand.u32 $0x7F, s12;
	s11 =	sand.u32 $0x7F, s9;
	s29 =	sand.u32 $0x7F, s18;
	v1 =	vld [tilespmem:s5+$0x9080];
	v3 =	vadd.f32 v6, v0;
	v6 =	vadd.f32 v7, v2  }
0x172: {  	s20 =	sand.u32 $0x7F, s15;
	v2 =	vld [tilespmem:s30+$0xB080];
	[dreg:$0xd] =	wrdreg s29;
	s30 =	sand.u32 $0x7F, s17  }
0x173: {  	s5 =	sand.u32 $0x7F, s8;
	v0 =	vld [tilespmem:s0+$0xD080];
	v3 =	vadd.f32 v63, v3;
	[dreg:$0x10] =	wrdreg s30;
	s0 =	sand.u32 $0x7F, s10;
	v5 =	vadd.f32 v5, v6  }
.LBB2_3:
0x174: {  	[dreg:$0xa] =	wrdreg s28  }
0x175: {  	s29 =	rddreg [dreg:$0x9]  }
0x176: {  	s1 =	rddreg [dreg:$0xe]  }
0x177: {  	s3 =	sadd.s32 s26, s19;
	s4 =	rddreg [dreg:$0x12]  }
0x178: {  	s6 =	sor.u32 s7, s6;
	s2 =	sshll.u32 s10, $0x2;
	s7 =	rddreg [dreg:$0xc]  }
0x179: {  	s0 =	sshll.u32 s0, $0x2;
	s28 =	rddreg [dreg:$0x7];
	s19 =	sshra.s32 s6, $0x2  }
0x17a: {  	s2 =	sand.u32 $0xFFFFFE00, s2;
	s30 =	sand.u32 $0xFFFFFE00, s1;
	s10 =	sshll.u32 s7, $0x2  }
0x17b: {  	s7 =	sshll.u32 s17, $0x2;
	s0 =	sor.u32 s0, s2;
	s2 =	rddreg [dreg:$0x11]  }
0x17c: {  	v1 =	vadd.f32 v1, v3;
	v3 =	vadd.f32 v4, v5;
	v4 =	vld [tilespmem:s3+$0xF080];
	s3 =	sadd.s32 s26, s19;
	s19 =	sor.u32 s10, s30;
	s30 =	rddreg [dreg:$0xb]  }
0x17d: {  	s17 =	sand.u32 $0xFFFFFE00, s7;
	s7 =	rddreg [dreg:$0xd]  }
0x17e: {  	[smem:$0x7F6] =	sst s22  }
0x17f: {  	s2 =	sor.u32 s4, s2;
	s0 =	sshra.s32 s0, $0x2;
	s1 =	sshll.u32 s30, $0x2  }
0x180: {  	s4 =	rddreg [dreg:$0xf];
	s2 =	sshra.s32 s2, $0x2;
	s0 =	sadd.s32 s26, s0  }
0x181: {  	v1 =	vadd.f32 v2, v1;
	v2 =	vmul.f32 $1.000000010e-01, v3;
	v3 =	vld [tilespmem:s3+$0x11080];
	s3 =	sshra.s32 s19, $0x2;
	s6 =	sor.u32 s1, s4;
	s19 =	rddreg [dreg:$0x10]  }
0x182: {  	s1 =	sshll.u32 s18, $0x2;
	s2 =	sadd.s32 s31, s2;
	s3 =	sadd.s32 s31, s3  }
0x183: {  	v6 =	vld.msk [tilespmem:s29+$0x200], $0x1;
	s10 =	sshra.s32 s6, $0x2;
	s30 =	sshll.u32 s19, $0x2;
	s6 =	sand.u32 $0xFFFFFE00, s1  }
0x184: {  	v0 =	vadd.f32 v0, v1;
	v1 =	vld [tilespmem:s0+$0x13080];
	s1 =	sshll.u32 s14, $0x2;
	[tilespmem:s31+$0x15000] =	vst v2;
	s0 =	sadd.s32 s31, s10;
	s10 =	sshll.u32 s7, $0x2  }
0x185: {  	v2 =	vld [tilespmem:s2+$0x1000];
	s2 =	sor.u32 s30, s17;
	s17 =	sshll.u32 s15, $0x2;
	s30 =	sshll.u32 s20, $0x2  }
0x186: {  	v0 =	vadd.f32 v4, v0;
	v4 =	vld [tilespmem:s3+$0x3000];
	s3 =	sand.u32 $0xFFFFFE00, s1;
	s20 =	sadd.s32 $0x20, s21;
	s4 =	sshra.s32 s2, $0x2  }
0x187: {  	s2 =	sor.u32 s10, s6;
	s19 =	sand.u32 $0xFFFFFE00, s17;
	s6 =	sshll.u32 s12, $0x2  }
0x188: {  	s12 =	sshll.u32 s16, $0x2;
	s16 =	sshll.u32 s11, $0x2;
	s17 =	sshll.u32 s8, $0x2  }
0x189: {  	v0 =	vadd.f32 v3, v0;
	v3 =	vld [tilespmem:s0+$0x5000];
	s0 =	sadd.s32 s31, s4;
	s18 =	sshra.s32 s2, $0x2;
	s2 =	sor.u32 s30, s19  }
0x18a: {  	s4 =	sshll.u32 s13, $0x2;
	s10 =	sand.u32 $0xFFFFFE00, s6;
	s13 =	sshll.u32 s9, $0x2  }
0x18b: {  	s9 =	sadd.s32 $0x20, s23;
	s30 =	rddreg [dreg:$0x6];
	s2 =	sshra.s32 s2, $0x2  }
0x18c: {  	s1 =	sor.u32 s12, s10;
	s15 =	sand.u32 $0xFFFFFE00, s13;
	s10 =	rddreg [dreg:$0x4]  }
0x18d: {  	v0 =	vadd.f32 v1, v0;
	v1 =	vld [tilespmem:s0+$0x7000];
	s0 =	sadd.s32 s31, s18;
	s14 =	sshra.s32 s1, $0x2;
	s1 =	sor.u32 s16, s15  }
0x18e: {  	s18 =	sshll.u32 s5, $0x2;
	s5 =	sadd.s32 $0x20, s22;
	s11 =	sadd.s32 $0x20, s10  }
0x18f: {  	s22 =	smov.u32 s23;
	s23 =	smov.u32 s21;
	s15 =	sshll.u32 s20, $0x2  }
0x190: {  	v2 =	vadd.f32 v4, v2;
	v4 =	vld [tilespmem:s0+$0x9000];
	s0 =	sadd.s32 s31, s2;
	s2 =	sor.u32 s4, s3;
	s1 =	sshra.s32 s1, $0x2  }
0x191: {  	s6 =	sand.u32 $0x7F, s5;
	s15 =	sand.u32 $0xFFFFFE00, s15;
	s5 =	sshll.u32 s5, $0x2  }
0x192: {  	s7 =	sshra.s32 s2, $0x2;
	s2 =	sand.u32 $0xFFFFFE00, s17;
	s1 =	sadd.s32 s31, s1  }
0x193: {  	v0 =	vmul.f32 $1.000000010e-01, v0;
	s17 =	sand.u32 $0x7F, s9;
	s9 =	sshll.u32 s9, $0x2;
	s5 =	sand.u32 $0xFFFFFE00, s5  }
0x194: {  	s6 =	sshll.u32 s6, $0x2;
	s2 =	sor.u32 s18, s2;
	s18 =	sand.u32 $0x7F, s20  }
0x195: {  	s9 =	sand.u32 $0xFFFFFE00, s9;
	s5 =	sor.u32 s6, s5;
	[tilespmem:s26+$0x150B0] =	vst v0;
	v0 =	vld [tilespmem:s0+$0xB000];
	s0 =	sadd.s32 s31, s7  }
0x196: {  	(v2sf) =	vpush v6, $0x0;
	v2 =	vadd.f32 v3, v2;
	s3 =	sshra.s32 s2, $0x2;
	s2 =	sadd.s32 $0x20, s28;
	s7 =	sadd.s32 $0x20, s24  }
0x197: {  	s26 =	rddreg [dreg:$0x5];
	s18 =	sshll.u32 s18, $0x2;
	s5 =	sshra.s32 s5, $0x2  }
0x198: {  	v1 =	vadd.f32 v1, v2;
	v2 =	vld [tilespmem:s0+$0xD000];
	s0 =	sadd.s32 s31, s14;
	s3 =	sadd.s32 s31, s3;
	s13 =	sadd.s32 $0x20, s26  }
0x199: {  	s14 =	sadd.s32 $0x20, s30;
	s4 =	sand.u32 $0x7F, s2;
	s8 =	sand.u32 $0x7F, s7  }
0x19a: {  	s7 =	sshll.u32 s7, $0x2;
	s2 =	sshll.u32 s2, $0x2;
	s5 =	sadd.s32 s31, s5  }
0x19b: {  	s26 =	sadd.s32 $0x30, s26;
	v3 =	vld [tilespmem:s0+$0xF000];
	s0 =	smov.u32 s25;
	s20 =	sand.u32 $0x7F, s13  }
0x19c: {  	s13 =	sshll.u32 s13, $0x2;
	s21 =	sand.u32 $0x7F, s14;
	s14 =	sshll.u32 s14, $0x2;
	v1 =	vadd.f32 v4, v1  }
0x19d: {  	s7 =	sand.u32 $0xFFFFFE00, s7;
	s8 =	sshll.u32 s8, $0x2;
	s2 =	sand.u32 $0xFFFFFE00, s2  }
0x19e: {  	s4 =	sshll.u32 s4, $0x2;
	s13 =	sand.u32 $0xFFFFFE00, s13;
	s20 =	sshll.u32 s20, $0x2;
	v0 =	vadd.f32 v0, v1  }
0x19f: {  	s14 =	sand.u32 $0xFFFFFE00, s14;
	s21 =	sshll.u32 s21, $0x2;
	s7 =	sor.u32 s8, s7;
	v1 =	vld [tilespmem:s1+$0x11000]  }
0x1a0: {  	s2 =	sor.u32 s4, s2;
	s13 =	sor.u32 s20, s13;
	s14 =	sor.u32 s21, s14;
	v0 =	vadd.f32 v2, v0  }
0x1a1: {  	s21 =	sor.u32 s18, s15;
	s7 =	sshra.s32 s7, $0x2;
	s2 =	sshra.s32 s2, $0x2;
	v2 =	vld [tilespmem:s3+$0x13000]  }
0x1a2: {  	s1 =	sadd.s32 $0x20, s25;
	s25 =	smov.u32 s24;
	s24 =	sld [smem:$0x7ED];
	v0 =	vadd.f32 v3, v0  }
0x1a3: {  	s13 =	sshra.s32 s13, $0x2;
	s14 =	sshra.s32 s14, $0x2;
	s15 =	sshra.s32 s21, $0x2  }
0x1a4: {  	s21 =	sshll.u32 s17, $0x2;
	s7 =	sadd.s32 s31, s7;
	s2 =	sadd.s32 s31, s2;
	v0 =	vadd.f32 v1, v0  }
0x1a5: {  	s19 =	spop (v2sf);
	s13 =	sadd.s32 s31, s13;
	s20 =	sadd.s32 s31, s14  }
0x1a6: {  	s9 =	sor.u32 s21, s9;
	s8 =	sadd.s32 $0x30, s25;
	s25 =	sand.u32 $0x7F, s26;
	v0 =	vadd.f32 v2, v0  }
0x1a7: {  	[smem:$0x7DA] =	sst s19;
	s3 =	sand.u32 $0x7F, s1;
	s19 =	sand.u32 $0x7F, s11;
	v1 =	vld.msk [tilespmem:s29+$0x180], $0x1  }
0x1a8: {  	s11 =	sshll.u32 s11, $0x2;
	s9 =	sshra.s32 s9, $0x2;
	s1 =	sshll.u32 s1, $0x2;
	v0 =	vmul.f32 $1.000000010e-01, v0  }
0x1a9: {  	s21 =	sshll.u32 s25, $0x2;
	s12 =	sadd.s32 $0x20, s24;
	s11 =	sand.u32 $0xFFFFFE00, s11  }
0x1aa: {  	s18 =	sshll.u32 s19, $0x2;
	s9 =	sadd.s32 s31, s9;
	s3 =	sshll.u32 s3, $0x2;
	[tilespmem:s31+$0x15010] =	vst v0  }
0x1ab: {  	s16 =	sand.u32 $0x7F, s12;
	s11 =	sor.u32 s18, s11;
	s12 =	sshll.u32 s12, $0x2;
	v0 =	vld [tilespmem:s13+$0x1000]  }
0x1ac: {  	s18 =	sadd.s32 $0x30, s24;
	s12 =	sand.u32 $0xFFFFFE00, s12;
	s19 =	sshll.u32 s16, $0x2;
	(v2sf) =	vpush v1, $0x0;
	v1 =	vld [tilespmem:s20+$0x3000]  }
0x1ad: {  	s11 =	sshra.s32 s11, $0x2;
	s12 =	sor.u32 s19, s12;
	s13 =	sadd.s32 s31, s15  }
0x1ae: {  	s11 =	sadd.s32 s31, s11;
	s20 =	sshra.s32 s12, $0x2;
	s12 =	sld [smem:$0x7F6];
	v2 =	vld [tilespmem:s13+$0x5000]  }
0x1af: {  	v3 =	vld [tilespmem:s11+$0x7000];
	s15 =	sshll.u32 s26, $0x2;
	s11 =	sadd.s32 s31, s20;
	s13 =	sadd.s32 $0x30, s10  }
0x1b0: {  	s10 =	sadd.s32 $0x30, s23;
	s15 =	sand.u32 $0xFFFFFE00, s15;
	s20 =	sld [smem:$0x7DA]  }
0x1b1: {  	s23 =	sand.u32 $0x7F, s10;
	s17 =	sshll.u32 s10, $0x2;
	s24 =	sand.u32 $0x7F, s13;
	v0 =	vadd.f32 v1, v0  }
0x1b2: {  	s15 =	sor.u32 s21, s15;
	s14 =	sshll.u32 s13, $0x2;
	s13 =	sshll.u32 s18, $0x2;
	v1 =	vld [tilespmem:s11+$0x9000]  }
0x1b3: {  	s6 =	sadd.s32 $0x30, s12;
	s12 =	sand.u32 $0x7F, s18;
	s15 =	sshra.s32 s15, $0x2;
	v0 =	vadd.f32 v2, v0  }
0x1b4: {  	s17 =	sand.u32 $0xFFFFFE00, s17;
	s19 =	sshll.u32 s23, $0x2;
	s14 =	sand.u32 $0xFFFFFE00, s14;
	v2 =	vld [tilespmem:s9+$0xB000]  }
0x1b5: {  	s13 =	sand.u32 $0xFFFFFE00, s13;
	s18 =	rddreg [dreg:$0x8];
	s15 =	sadd.s32 s31, s15;
	v0 =	vadd.f32 v3, v0  }
0x1b6: {  	s10 =	sor.u32 s19, s17;
	s17 =	sshll.u32 s24, $0x2;
	s19 =	sshll.u32 s12, $0x2;
	v3 =	vld [tilespmem:s7+$0xD000]  }
0x1b7: {  	s21 =	smov.u32 s20;
	s11 =	sand.u32 $0xFFFFFE00, s1;
	s14 =	sor.u32 s17, s14;
	v0 =	vadd.f32 v1, v0  }
0x1b8: {  	s13 =	sor.u32 s19, s13;
	[smem:$0x7EC] =	sst s21;
	s23 =	sadd.s32 $0x10, s21;
	v1 =	vld [tilespmem:s5+$0xF000]  }
0x1b9: {  	s3 =	sor.u32 s3, s11;
	s11 =	sadd.s32 $0x30, s22;
	s22 =	sand.u32 $0x7F, s8;
	v0 =	vadd.f32 v2, v0  }
0x1ba: {  	s14 =	sshra.s32 s14, $0x2;
	s13 =	sshra.s32 s13, $0x2;
	s8 =	sshll.u32 s8, $0x2  }
0x1bb: {  	[dreg:$0x15] =	wrdreg s23;
	s4 =	sshra.s32 s3, $0x2;
	s3 =	sadd.s32 $0x30, s28;
	v0 =	vadd.f32 v3, v0  }
0x1bc: {  	s9 =	sand.u32 $0x7F, s11;
	s14 =	sadd.s32 s31, s14;
	s11 =	sshll.u32 s11, $0x2;
	v2 =	vld [tilespmem:s2+$0x11000]  }
0x1bd: {  	s13 =	sadd.s32 s31, s13;
	s8 =	sand.u32 $0xFFFFFE00, s8;
	s4 =	sadd.s32 s31, s4;
	v0 =	vadd.f32 v1, v0;
	v1 =	vld.msk [tilespmem:s29+$0x100], $0x1  }
0x1be: {  	v4 =	vld.msk [tilespmem:s29+$0x80], $0x1;
	s11 =	sand.u32 $0xFFFFFE00, s11;
	s12 =	sshll.u32 s9, $0x2;
	s9 =	sshll.u32 s22, $0x2  }
0x1bf: {  	s7 =	sand.u32 $0x7F, s6;
	s11 =	sor.u32 s12, s11;
	s8 =	sor.u32 s9, s8;
	v3 =	vld [tilespmem:s4+$0x13000]  }
0x1c0: {  	s6 =	sshll.u32 s6, $0x2;
	s12 =	sshll.u32 s21, $0x2;
	s11 =	sshra.s32 s11, $0x2  }
0x1c1: {  	s8 =	sshra.s32 s8, $0x2;
	s6 =	sand.u32 $0xFFFFFE00, s6;
	s7 =	sshll.u32 s7, $0x2;
	v0 =	vadd.f32 v2, v0;
	v2 =	vld.msk [tilespmem:s29+$0x0], $0x1  }
0x1c2: {  	s12 =	sand.u32 $0xFFFFFE00, s12;
	s5 =	sand.u32 $0x7F, s3;
	s1 =	spop (v2sf);
	(v2sf) =	vpush v1, $0x0  }
0x1c3: {  	v5 =	vld.msk [tilespmem:s29+$0xFFFFFF80], $0x1;
	s11 =	sadd.s32 s31, s11;
	s8 =	sadd.s32 s31, s8;
	s6 =	sor.u32 s7, s6  }
0x1c4: {  	s3 =	sshll.u32 s3, $0x2;
	s2 =	sadd.s32 $0x30, s0;
	s0 =	sadd.s32 $0x30, s30;
	v0 =	vadd.f32 v3, v0;
	(v2sf) =	vpush v4, $0x0  }
0x1c5: {  	v6 =	vld.msk [tilespmem:s29+$0xFFFFFE80], $0x1;
	s3 =	sand.u32 $0xFFFFFE00, s3;
	s26 =	sand.u32 $0x7F, s0;
	s16 =	sshll.u32 s0, $0x2  }
0x1c6: {  	s5 =	sshll.u32 s5, $0x2;
	s16 =	sand.u32 $0xFFFFFE00, s16;
	s30 =	sshll.u32 s26, $0x2;
	v3 =	vld.msk [tilespmem:s29+$0xFFFFFF00], $0x1;
	v0 =	vmul.f32 $1.000000010e-01, v0;
	(v2sf) =	vpush v2, $0x0  }
0x1c7: {  	v7 =	vld.msk [tilespmem:s29+$0xFFFFFD80], $0x1;
	s6 =	sshra.s32 s6, $0x2;
	s3 =	sor.u32 s5, s3;
	s16 =	sor.u32 s30, s16  }
0x1c8: {  	v8 =	vld.msk [tilespmem:s29+$0xFFFFFE00], $0x1;
	s6 =	sadd.s32 s31, s6;
	s3 =	sshra.s32 s3, $0x2;
	s16 =	sshra.s32 s16, $0x2;
	[tilespmem:s31+$0x15020] =	vst v0;
	(v2sf) =	vpush v5, $0x0  }
0x1c9: {  	s25 =	smov.u32 s1;
	s1 =	sadd.s32 $0x400, s18;
	s0 =	sadd.s32 s31, s16;
	v0 =	vld [tilespmem:s15+$0x1000]  }
0x1ca: {  	s4 =	sand.u32 $0x7F, s2;
	s2 =	sshll.u32 s2, $0x2;
	s16 =	sshra.s32 s10, $0x2;
	v1 =	vld [tilespmem:s0+$0x3000]  }
0x1cb: {  	s2 =	sand.u32 $0xFFFFFE00, s2;
	s4 =	sshll.u32 s4, $0x2;
	s15 =	sadd.s32 s31, s16;
	(v2sf) =	vpush v3, $0x0  }
0x1cc: {  	s3 =	sadd.s32 s31, s3;
	[dreg:$0x7] =	wrdreg s25;
	s2 =	sor.u32 s4, s2;
	v2 =	vld [tilespmem:s15+$0x5000]  }
0x1cd: {  	[dreg:$0x8] =	wrdreg s1;
	s22 =	sadd.s32 $0x10, s25;
	s2 =	sshra.s32 s2, $0x2  }
0x1ce: {  	[dreg:$0x18] =	wrdreg s22;
	s10 =	smov.u32 s31;
	s24 =	sadd.s32 s31, s2;
	v3 =	vld [tilespmem:s14+$0x7000];
	(v2sf) =	vpush v6, $0x0  }
0x1cf: {  	s14 =	rddreg [dreg:$0x3];
	s16 =	smov.u32 s29;
	s31 =	sshra.s32 s1, $0x2;
	v0 =	vadd.f32 v1, v0  }
0x1d0: {  	s29 =	sadd.s32 $0x2, s29;
	s0 =	smov.u32 s14;
	[dreg:$0x3] =	wrdreg s16;
	v1 =	vld [tilespmem:s13+$0x9000]  }
0x1d1: {  	[dreg:$0x9] =	wrdreg s29;
	s14 =	sand.u32 $0x7F, s25;
	(v2sf) =	vpush v7, $0x0;
	v0 =	vadd.f32 v2, v0;
	s19 =	spop (v2sf)  }
0x1d2: {  	v2 =	vld [tilespmem:s11+$0xB000];
	s11 =	sand.u32 $0x7F, s21;
	[smem:$0x7F6] =	sst s19;
	s21 =	sand.u32 $0x7F, s19  }
0x1d3: {  	s15 =	sshll.u32 s25, $0x2;
	v0 =	vadd.f32 v3, v0;
	s17 =	spop (v2sf);
	[smem:$0x7DB] =	sst s21  }
0x1d4: {  	s14 =	sshll.u32 s14, $0x2;
	v3 =	vld [tilespmem:s8+$0xD000];
	s1 =	sadd.s32 $0x10, s17;
	[smem:$0x7EE] =	sst s17  }
0x1d5: {  	s11 =	sshll.u32 s11, $0x2;
	v0 =	vadd.f32 v1, v0;
	s20 =	spop (v2sf);
	[dreg:$0x17] =	wrdreg s1  }
0x1d6: {  	(v2sf) =	vpush v8, $0x0;
	s18 =	sshll.u32 s19, $0x2;
	s2 =	sadd.s32 $0x10, s20;
	[smem:$0x7F7] =	sst s20  }
0x1d7: {  	v0 =	vadd.f32 v2, v0;
	s16 =	sand.u32 $0x7F, s17;
	s26 =	spop (v2sf);
	[dreg:$0x1a] =	wrdreg s2  }
0x1d8: {  	s17 =	sshll.u32 s17, $0x2;
	s1 =	sand.u32 $0x7F, s1;
	[smem:$0x7ED] =	sst s26  }
0x1d9: {  	s16 =	sshll.u32 s16, $0x2;
	v0 =	vadd.f32 v3, v0;
	v3 =	vld [tilespmem:s24+$0x13000];
	s24 =	sadd.s32 $0x10, s19;
	[dreg:$0x19] =	wrdreg s1  }
0x1da: {  	s4 =	spop (v2sf);
	s30 =	sadd.s32 $0x10, s26;
	[dreg:$0x16] =	wrdreg s24  }
0x1db: {  	s25 =	sand.u32 $0x7F, s26;
	s19 =	sand.u32 $0x7F, s20;
	[dreg:$0x1b] =	wrdreg s30  }
0x1dc: {  	s20 =	sshll.u32 s20, $0x2;
	s29 =	sshll.u32 s26, $0x2;
	[smem:$0x7DC] =	sst s25  }
0x1dd: {  	v1 =	vld [tilespmem:s6+$0xF000];
	s2 =	sand.u32 $0x7F, s2;
	s6 =	spop (v2sf);
	[dreg:$0x4] =	wrdreg s4  }
0x1de: {  	v2 =	vld [tilespmem:s3+$0x11000];
	s3 =	sadd.s32 $0x10, s4;
	s21 =	sand.u32 $0x7F, s4;
	[dreg:$0x1e] =	wrdreg s2  }
0x1df: {  	s25 =	sshll.u32 s4, $0x2;
	s24 =	sand.u32 $0x7F, s24;
	s4 =	sld [smem:$0x7DB]  }
0x1e0: {  	s19 =	sshll.u32 s19, $0x2;
	s5 =	spop (v2sf);
	[dreg:$0x1d] =	wrdreg s3  }
0x1e1: {  	s8 =	sadd.s32 $0x10, s6;
	[dreg:$0x1c] =	wrdreg s24;
	s24 =	sand.u32 $0x7F, s22  }
0x1e2: {  	s22 =	sand.u32 $0x7F, s23;
	s23 =	sand.u32 $0x7F, s30;
	s30 =	sand.u32 $0x7F, s3  }
0x1e3: {  	s3 =	sand.u32 $0xFFFFFE00, s18;
	s18 =	sand.u32 $0xFFFFFE00, s20;
	[dreg:$0x5] =	wrdreg s5  }
0x1e4: {  	v0 =	vadd.f32 v1, v0;
	s20 =	sand.u32 $0xFFFFFE00, s25;
	s21 =	sshll.u32 s21, $0x2;
	[dreg:$0x14] =	wrdreg s24  }
0x1e5: {  	s9 =	spop (v2sf);
	s7 =	sadd.s32 $0x10, s5;
	[dreg:$0x13] =	wrdreg s22  }
0x1e6: {  	s26 =	sand.u32 $0x7F, s5;
	s28 =	sshll.u32 s5, $0x2;
	[dreg:$0xd] =	wrdreg s23;
	v0 =	vadd.f32 v2, v0  }
0x1e7: {  	s24 =	sand.u32 $0x7F, s8;
	s8 =	sshll.u32 s8, $0x2;
	[dreg:$0x10] =	wrdreg s30  }
0x1e8: {  	s22 =	sld [smem:$0x7DC];
	s18 =	sor.u32 s19, s18;
	s13 =	sadd.s32 $0x10, s9;
	v0 =	vadd.f32 v3, v0  }
0x1e9: {  	[smem:$0x7DD] =	sst s26;
	s26 =	smov.u32 s6;
	s6 =	sand.u32 $0x7F, s6  }
0x1ea: {  	s5 =	sand.u32 $0x7F, s9;
	[dreg:$0x6] =	wrdreg s9;
	s9 =	sshll.u32 s9, $0x2;
	v0 =	vmul.f32 $1.000000010e-01, v0  }
0x1eb: {  	[dreg:$0xb] =	wrdreg s24;
	s24 =	sand.u32 $0x7F, s7;
	s7 =	sshll.u32 s7, $0x2  }
0x1ec: {  	s25 =	sand.u32 $0xFFFFFE00, s28;
	[dreg:$0x1f] =	wrdreg s26;
	s26 =	sshll.u32 s26, $0x2;
	[tilespmem:s10+$0x15030] =	vst v0  }
0x1ed: {  	s1 =	sand.u32 $0x7F, s13;
	s2 =	sshll.u32 s13, $0x2;
	s13 =	sand.u32 $0xFFFFFE00, s15;
	v0 =	vld.msk [tilespmem:s0+$0x201], $0x1  }
0x1ee: {  	s15 =	sand.u32 $0xFFFFFE00, s17;
	s28 =	sshll.u32 s6, $0x2;
	s6 =	sld [smem:$0x7DD];
	v1 =	vld.msk [tilespmem:s0+$0x181], $0x1  }
0x1ef: {  	s17 =	sshll.u32 s4, $0x2;
	s30 =	sand.u32 $0xFFFFFE00, s9;
	[dreg:$0xc] =	wrdreg s1;
	v2 =	vld.msk [tilespmem:s0+$0x101], $0x1  }
0x1f0: {  	s4 =	sshll.u32 s5, $0x2;
	s5 =	sand.u32 $0xFFFFFE00, s7;
	[dreg:$0xe] =	wrdreg s2;
	v3 =	vld.msk [tilespmem:s0+$0x81], $0x1  }
0x1f1: {  	s7 =	sshll.u32 s24, $0x2;
	s9 =	sand.u32 $0xFFFFFE00, s8;
	[dreg:$0x11] =	wrdreg s5;
	v4 =	vld.msk [tilespmem:s0+$0x1], $0x1  }
0x1f2: {  	s2 =	sand.u32 $0xFFFFFE00, s29;
	s23 =	sshll.u32 s22, $0x2;
	[dreg:$0x12] =	wrdreg s7;
	v5 =	vld.msk [tilespmem:s0+$0xFFFFFF81], $0x1;
	(v2sf) =	vpush v0, $0x0  }
0x1f3: {  	s26 =	sand.u32 $0xFFFFFE00, s26;
	[dreg:$0xf] =	wrdreg s9;
	s3 =	sor.u32 s17, s3;
	v0 =	vld.msk [tilespmem:s0+$0xFFFFFF01], $0x1;
	(v2sf) =	vpush v1, $0x0  }
0x1f4: {  	s13 =	sor.u32 s14, s13;
	s14 =	sor.u32 s11, s12;
	s11 =	sshra.s32 s18, $0x2;
	v1 =	vld.msk [tilespmem:s0+$0xFFFFFE81], $0x1;
	(v2sf) =	vpush v2, $0x0  }
0x1f5: {  	s17 =	sor.u32 s23, s2;
	s23 =	sor.u32 s16, s15;
	s24 =	sor.u32 s28, s26;
	v2 =	vld.msk [tilespmem:s0+$0xFFFFFD81], $0x1;
	(v2sf) =	vpush v3, $0x0  }
0x1f6: {  	s26 =	sor.u32 s4, s30;
	s29 =	sshra.s32 s14, $0x2;
	s3 =	sshra.s32 s3, $0x2;
	(v2sf) =	vpush v4, $0x0  }
0x1f7: {  	s7 =	sshra.s32 s13, $0x2;
	s11 =	sadd.s32 s31, s11;
	s22 =	sshll.u32 s6, $0x2;
	v3 =	vld.msk [tilespmem:s0+$0xFFFFFE01], $0x1;
	(v2sf) =	vpush v5, $0x0  }
0x1f8: {  	s12 =	sshra.s32 s23, $0x2;
	s2 =	sshra.s32 s26, $0x2;
	[smem:$0x7E6] =	sst s11;
	(v2sf) =	vpush v0, $0x0  }
0x1f9: {  	s8 =	sshra.s32 s17, $0x2;
	s5 =	sadd.s32 s31, s29;
	[smem:$0x7DF] =	sst s2;
	(v2sf) =	vpush v1, $0x0  }
0x1fa: {  	s13 =	sshra.s32 s24, $0x2;
	s9 =	sadd.s32 s31, s7;
	[smem:$0x7EA] =	sst s5;
	(v2sf) =	vpush v2, $0x0  }
0x1fb: {  	s6 =	sor.u32 s22, s25;
	[smem:$0x7E9] =	sst s9;
	s12 =	sadd.s32 s31, s12  }
0x1fc: {  	s25 =	sor.u32 s21, s20;
	s16 =	sadd.s32 s31, s8;
	[smem:$0x7E7] =	sst s12;
	(v2sf) =	vpush v3, $0x0  }
0x1fd: {  	s22 =	sadd.s32 s31, s13;
	s14 =	sshra.s32 s25, $0x2;
	[smem:$0x7E5] =	sst s16  }
0x1fe: {  	s30 =	sshra.s32 s6, $0x2;
	s6 =	sadd.s32 s31, s3;
	[smem:$0x7E3] =	sst s22  }
0x1ff: {  	[smem:$0x7E8] =	sst s6;
	s15 =	sadd.s32 s31, s14  }
0x200: {  	s18 =	sadd.s32 s31, s30;
	[smem:$0x7E4] =	sst s15  }
0x201: {  	[smem:$0x7E2] =	sst s18;
	s1 =	spop (v2sf)  }
0x202: {  	s19 =	spop (v2sf);
	s3 =	sand.u32 $0x7F, s1;
	[smem:$0x7E1] =	sst s1  }
0x203: {  	s4 =	spop (v2sf);
	s11 =	sand.u32 $0x7F, s19;
	s3 =	sshll.u32 s3, $0x2  }
0x204: {  	[smem:$0x7E0] =	sst s19;
	s21 =	spop (v2sf);
	s12 =	sand.u32 $0x7F, s4  }
0x205: {  	[smem:$0x7DE] =	sst s4;
	s11 =	sshll.u32 s11, $0x2;
	s20 =	spop (v2sf)  }
0x206: {  	s15 =	sand.u32 $0x7F, s21;
	s12 =	sshll.u32 s12, $0x2;
	s29 =	spop (v2sf)  }
0x207: {  	s14 =	sand.u32 $0x7F, s20;
	s15 =	sshll.u32 s15, $0x2;
	s6 =	spop (v2sf)  }
0x208: {  	s13 =	sand.u32 $0x7F, s29;
	s14 =	sshll.u32 s14, $0x2;
	s2 =	spop (v2sf)  }
0x209: {  	s18 =	sand.u32 $0x7F, s6;
	s13 =	sshll.u32 s13, $0x2;
	s7 =	spop (v2sf)  }
0x20a: {  	s16 =	sand.u32 $0x7F, s2;
	s23 =	sshll.u32 s2, $0x2;
	s18 =	sshll.u32 s18, $0x2  }
0x20b: {  	s8 =	spop (v2sf);
	s26 =	sand.u32 $0x7F, s7;
	s30 =	sshll.u32 s7, $0x2  }
0x20c: {  	s17 =	sand.u32 $0xFFFFFE00, s23;
	s16 =	sshll.u32 s16, $0x2;
	s0 =	sand.u32 $0x7F, s8  }
0x20d: {  	s24 =	sand.u32 $0xFFFFFE00, s30;
	s22 =	sshll.u32 s26, $0x2;
	s5 =	sshll.u32 s8, $0x2  }
0x20e: {  	s22 =	sor.u32 s22, s24;
	s9 =	sand.u32 $0xFFFFFE00, s5;
	s25 =	sshll.u32 s0, $0x2  }
0x20f: {  	s16 =	sor.u32 s16, s17;
	s22 =	sshra.s32 s22, $0x2;
	s24 =	sor.u32 s25, s9  }
0x210: {  	s28 =	sadd.s32 $0x10, s8;
	s22 =	sadd.s32 s10, s22;
	s24 =	sshra.s32 s24, $0x2  }
0x211: {  	s16 =	sshra.s32 s16, $0x2;
	v0 =	vld [tilespmem:s22+$0x1080];
	s23 =	sadd.s32 s10, s24;
	s24 =	sshll.u32 s6, $0x2  }
0x212: {  	s0 =	sshll.u32 s20, $0x2;
	s16 =	sadd.s32 s10, s16;
	v1 =	vld [tilespmem:s23+$0x3080];
	s17 =	sand.u32 $0xFFFFFE00, s24  }
0x213: {  	s25 =	sshll.u32 s29, $0x2;
	s5 =	sand.u32 $0xFFFFFE00, s0;
	s17 =	sor.u32 s18, s17  }
0x214: {  	s9 =	sshll.u32 s21, $0x2;
	v2 =	vld [tilespmem:s16+$0x5080];
	s30 =	sand.u32 $0xFFFFFE00, s25;
	s26 =	sshra.s32 s17, $0x2  }
0x215: {  	s14 =	sor.u32 s14, s5;
	s13 =	sor.u32 s13, s30;
	s16 =	sadd.s32 s10, s26  }
0x216: {  	s14 =	sshra.s32 s14, $0x2;
	s13 =	sshra.s32 s13, $0x2;
	s24 =	sshll.u32 s19, $0x2;
	v3 =	vld [tilespmem:s16+$0x7080]  }
0x217: {  	s13 =	sadd.s32 s10, s13;
	s18 =	sshll.u32 s4, $0x2;
	s25 =	sand.u32 $0xFFFFFE00, s24;
	v0 =	vadd.f32 v1, v0  }
0x218: {  	s24 =	sadd.s32 $0x10, s29;
	s17 =	sand.u32 $0xFFFFFE00, s9;
	s23 =	sand.u32 $0xFFFFFE00, s18;
	v1 =	vld [tilespmem:s13+$0x9080]  }
0x219: {  	s11 =	sor.u32 s11, s25;
	s13 =	sadd.s32 s10, s14;
	s14 =	sor.u32 s15, s17;
	v0 =	vadd.f32 v2, v0  }
0x21a: {  	s18 =	sadd.s32 $0x10, s20;
	s12 =	sor.u32 s12, s23;
	s22 =	sshra.s32 s14, $0x2;
	v2 =	vld [tilespmem:s13+$0xB080]  }
0x21b: {  	s26 =	sshll.u32 s1, $0x2;
	s11 =	sshra.s32 s11, $0x2;
	s13 =	sadd.s32 s10, s22;
	v0 =	vadd.f32 v3, v0  }
0x21c: {  	s23 =	sadd.s32 $0x10, s2;
	s9 =	sand.u32 $0x7F, s18;
	s12 =	sshra.s32 s12, $0x2;
	v3 =	vld [tilespmem:s13+$0xD080]  }
0x21d: {  	s30 =	sand.u32 $0xFFFFFE00, s26;
	s11 =	sadd.s32 s10, s11;
	s12 =	sadd.s32 s10, s12;
	v0 =	vadd.f32 v1, v0  }
0x21e: {  	s16 =	sadd.s32 $0x10, s21;
	s5 =	sand.u32 $0x7F, s23;
	s15 =	sadd.s32 $0x10, s4;
	v1 =	vld [tilespmem:s12+$0xF080]  }
0x21f: {  	s4 =	sand.u32 $0x7F, s24;
	s17 =	sand.u32 $0x7F, s16;
	s12 =	sor.u32 s3, s30;
	v0 =	vadd.f32 v2, v0  }
0x220: {  	s5 =	sshll.u32 s5, $0x2;
	s24 =	sshll.u32 s24, $0x2;
	s0 =	sshra.s32 s12, $0x2;
	v2 =	vld [tilespmem:s11+$0x11080]  }
0x221: {  	s25 =	sand.u32 $0x7F, s15;
	s4 =	sshll.u32 s4, $0x2;
	s13 =	sadd.s32 s10, s0;
	v0 =	vadd.f32 v3, v0  }
0x222: {  	s22 =	sadd.s32 $0x10, s6;
	s3 =	sadd.s32 $0x20, s1;
	s30 =	sshll.u32 s23, $0x2;
	v3 =	vld [tilespmem:s13+$0x13080]  }
0x223: {  	s12 =	sadd.s32 $0x10, s19;
	s30 =	sand.u32 $0xFFFFFE00, s30;
	s11 =	sadd.s32 $0x10, s1;
	v0 =	vadd.f32 v1, v0  }
0x224: {  	s1 =	sadd.s32 $0x10, s7;
	s14 =	sand.u32 $0x7F, s12;
	s0 =	sand.u32 $0x7F, s22  }
0x225: {  	s5 =	sor.u32 s5, s30;
	s22 =	sshll.u32 s22, $0x2;
	s30 =	sshll.u32 s18, $0x2;
	v0 =	vadd.f32 v2, v0  }
0x226: {  	s18 =	sshll.u32 s9, $0x2;
	s9 =	sshll.u32 s12, $0x2;
	s23 =	sand.u32 $0x7F, s1  }
0x227: {  	s26 =	sshll.u32 s1, $0x2;
	s1 =	sand.u32 $0x7F, s28;
	s28 =	sshll.u32 s28, $0x2;
	v0 =	vadd.f32 v3, v0  }
0x228: {  	s5 =	sshra.s32 s5, $0x2;
	s26 =	sand.u32 $0xFFFFFE00, s26;
	s23 =	sshll.u32 s23, $0x2  }
0x229: {  	s1 =	sshll.u32 s1, $0x2;
	s23 =	sor.u32 s23, s26;
	s26 =	sand.u32 $0xFFFFFE00, s28;
	v0 =	vmul.f32 $1.000000010e-01, v0  }
0x22a: {  	s0 =	sshll.u32 s0, $0x2;
	s23 =	sshra.s32 s23, $0x2;
	s1 =	sor.u32 s1, s26  }
0x22b: {  	s13 =	sand.u32 $0x7F, s11;
	s23 =	sadd.s32 s10, s23;
	s1 =	sshra.s32 s1, $0x2;
	[tilespmem:s10+$0x15080] =	vst v0  }
0x22c: {  	s26 =	sand.u32 $0xFFFFFE00, s24;
	s1 =	sadd.s32 s10, s1;
	v0 =	vld [tilespmem:s23+$0x1080];
	s23 =	sand.u32 $0xFFFFFE00, s22  }
0x22d: {  	v1 =	vld [tilespmem:s1+$0x3080];
	s1 =	sadd.s32 s10, s5;
	s5 =	sand.u32 $0xFFFFFE00, s30;
	s22 =	sshll.u32 s16, $0x2  }
0x22e: {  	s30 =	sshll.u32 s15, $0x2;
	s15 =	sand.u32 $0xFFFFFE00, s9;
	s16 =	sshll.u32 s14, $0x2  }
0x22f: {  	s9 =	sadd.s32 $0x20, s6;
	s14 =	sshll.u32 s3, $0x2;
	s0 =	sor.u32 s0, s23  }
0x230: {  	v2 =	vld [tilespmem:s1+$0x5080];
	s1 =	sor.u32 s4, s26;
	s24 =	sand.u32 $0xFFFFFE00, s22;
	s26 =	sshll.u32 s17, $0x2  }
0x231: {  	s4 =	sand.u32 $0xFFFFFE00, s30;
	s17 =	sshll.u32 s11, $0x2;
	s0 =	sshra.s32 s0, $0x2  }
0x232: {  	s30 =	sld [smem:$0x7DE];
	s1 =	sshra.s32 s1, $0x2;
	s0 =	sadd.s32 s10, s0  }
0x233: {  	s11 =	sand.u32 $0x7F, s3;
	v3 =	vld [tilespmem:s0+$0x7080];
	s0 =	sadd.s32 s10, s1;
	s1 =	sor.u32 s18, s5  }
0x234: {  	s22 =	sand.u32 $0xFFFFFE00, s17;
	s5 =	sshll.u32 s25, $0x2;
	s23 =	sshra.s32 s1, $0x2  }
0x235: {  	v0 =	vadd.f32 v1, v0;
	s1 =	sor.u32 s26, s24;
	s24 =	sadd.s32 $0x20, s19;
	s26 =	sadd.s32 $0x20, s2  }
0x236: {  	v1 =	vld [tilespmem:s0+$0x9080];
	s0 =	sadd.s32 s10, s23;
	s1 =	sshra.s32 s1, $0x2;
	s23 =	sshll.u32 s13, $0x2  }
0x237: {  	s3 =	sand.u32 $0x7F, s24;
	s13 =	sshll.u32 s24, $0x2;
	s24 =	sand.u32 $0x7F, s9;
	v0 =	vadd.f32 v2, v0  }
0x238: {  	s9 =	sshll.u32 s9, $0x2;
	v2 =	vld [tilespmem:s0+$0xB080];
	s0 =	sadd.s32 s10, s1;
	s1 =	sor.u32 s5, s4  }
0x239: {  	s5 =	sshll.u32 s26, $0x2;
	s9 =	sand.u32 $0xFFFFFE00, s9;
	s3 =	sshll.u32 s3, $0x2;
	v0 =	vadd.f32 v3, v0  }
0x23a: {  	s12 =	sshra.s32 s1, $0x2;
	s1 =	sor.u32 s16, s15;
	s15 =	sadd.s32 $0x20, s21;
	v3 =	vld [tilespmem:s0+$0xD080]  }
0x23b: {  	s16 =	sadd.s32 $0x20, s20;
	s5 =	sand.u32 $0xFFFFFE00, s5;
	s0 =	sadd.s32 s10, s12;
	v0 =	vadd.f32 v1, v0  }
0x23c: {  	s18 =	sshra.s32 s1, $0x2;
	s1 =	sor.u32 s23, s22;
	s12 =	sadd.s32 $0x20, s30;
	v1 =	vld [tilespmem:s0+$0xF080]  }
0x23d: {  	s22 =	sand.u32 $0x7F, s16;
	s17 =	sand.u32 $0x7F, s15;
	s0 =	sadd.s32 s10, s18;
	v0 =	vadd.f32 v2, v0  }
0x23e: {  	s23 =	sand.u32 $0x7F, s26;
	s25 =	sshra.s32 s1, $0x2;
	s1 =	sadd.s32 $0x20, s29;
	v2 =	vld [tilespmem:s0+$0x11080]  }
0x23f: {  	s23 =	sshll.u32 s23, $0x2;
	s18 =	sadd.s32 $0x20, s8;
	s0 =	sadd.s32 s10, s25;
	v0 =	vadd.f32 v3, v0  }
0x240: {  	s4 =	sand.u32 $0x7F, s1;
	s5 =	sor.u32 s23, s5;
	s23 =	sld [smem:$0x7F7];
	v3 =	vld [tilespmem:s0+$0x13080]  }
0x241: {  	s1 =	sshll.u32 s1, $0x2;
	s28 =	sand.u32 $0x7F, s18;
	s18 =	sshll.u32 s18, $0x2;
	v0 =	vadd.f32 v1, v0  }
0x242: {  	s5 =	sshra.s32 s5, $0x2;
	s1 =	sand.u32 $0xFFFFFE00, s1;
	s4 =	sshll.u32 s4, $0x2  }
0x243: {  	s25 =	sand.u32 $0x7F, s12;
	s18 =	sand.u32 $0xFFFFFE00, s18;
	s0 =	sadd.s32 $0x20, s7;
	v0 =	vadd.f32 v2, v0  }
0x244: {  	s1 =	sor.u32 s4, s1;
	s19 =	sand.u32 $0x7F, s0;
	s0 =	sshll.u32 s0, $0x2  }
0x245: {  	s0 =	sand.u32 $0xFFFFFE00, s0;
	s26 =	sshll.u32 s19, $0x2;
	s19 =	sshll.u32 s28, $0x2;
	v0 =	vadd.f32 v3, v0  }
0x246: {  	s28 =	rddreg [dreg:$0xa];
	s0 =	sor.u32 s26, s0;
	s18 =	sor.u32 s19, s18  }
0x247: {  	s26 =	smov.u32 s10;
	s28 =	sadd.s32 $0x2, s28;
	s0 =	sshra.s32 s0, $0x2;
	v0 =	vmul.f32 $1.000000010e-01, v0  }
0x248: {  	s18 =	sshra.s32 s18, $0x2;
	p0 =	slt.u32 s28, $0x3E;
	s0 =	sadd.s32 s10, s0  }
0x249: {  	s19 =	sadd.s32 s10, s18;
	s18 =	sshll.u32 s24, $0x2;
	s24 =	sld [smem:$0x7EE];
	[tilespmem:s10+$0x15090] =	vst v0  }
0x24a: {  	v0 =	vld [tilespmem:s0+$0x1080];
	s0 =	sadd.s32 s10, s5;
	s5 =	sor.u32 s18, s9;
	s9 =	sshra.s32 s1, $0x2  }
0x24b: {  	v1 =	vld [tilespmem:s19+$0x3080];
	s18 =	sshll.u32 s22, $0x2;
	s19 =	sshra.s32 s5, $0x2;
	s5 =	sshll.u32 s16, $0x2  }
0x24c: {  	s22 =	sld [smem:$0x7F6];
	v2 =	vld [tilespmem:s0+$0x5080];
	s0 =	sadd.s32 s10, s19;
	s16 =	sand.u32 $0xFFFFFE00, s5  }
0x24d: {  	s19 =	sshll.u32 s15, $0x2;
	s15 =	sshll.u32 s17, $0x2;
	v3 =	vld [tilespmem:s0+$0x7080];
	s0 =	sadd.s32 s10, s9  }
0x24e: {  	s1 =	sor.u32 s18, s16;
	s9 =	sand.u32 $0xFFFFFE00, s19;
	s16 =	sshll.u32 s12, $0x2  }
0x24f: {  	s19 =	sshll.u32 s25, $0x2;
	s25 =	sld [smem:$0x7EC];
	s12 =	sand.u32 $0xFFFFFE00, s13  }
0x250: {  	s5 =	sshra.s32 s1, $0x2;
	s1 =	sor.u32 s15, s9;
	s18 =	sand.u32 $0xFFFFFE00, s16  }
0x251: {  	s15 =	sld [smem:$0x7DF];
	v0 =	vadd.f32 v1, v0;
	v1 =	vld [tilespmem:s0+$0x9080];
	s0 =	sadd.s32 s10, s5;
	s17 =	sshra.s32 s1, $0x2  }
0x252: {  	s1 =	sor.u32 s19, s18;
	s5 =	sand.u32 $0xFFFFFE00, s14;
	s18 =	sld [smem:$0x7E0]  }
0x253: {  	s14 =	sshll.u32 s11, $0x2;
	s19 =	sld [smem:$0x7E1];
	s11 =	sadd.s32 $0x30, s30  }
0x254: {  	s30 =	sadd.s32 $0x30, s7;
	s9 =	sshra.s32 s1, $0x2;
	s1 =	sor.u32 s3, s12;
	v0 =	vadd.f32 v2, v0  }
0x255: {  	s12 =	sadd.s32 $0x30, s21;
	s21 =	rddreg [dreg:$0x1f];
	s4 =	sshll.u32 s30, $0x2;
	v2 =	vld [tilespmem:s0+$0xB080]  }
0x256: {  	s0 =	sadd.s32 s10, s17;
	s13 =	sshra.s32 s1, $0x2;
	s16 =	sadd.s32 s31, s15;
	v0 =	vadd.f32 v3, v0  }
0x257: {  	s1 =	sor.u32 s14, s5;
	s15 =	sadd.s32 $0x30, s29;
	s29 =	sld [smem:$0x7E2];
	v3 =	vld [tilespmem:s0+$0xD080]  }
0x258: {  	s4 =	sand.u32 $0xFFFFFE00, s4;
	s17 =	sshra.s32 s1, $0x2;
	s0 =	sadd.s32 s10, s9;
	v0 =	vadd.f32 v1, v0  }
0x259: {  	s3 =	sadd.s32 $0x30, s18;
	s1 =	sadd.s32 $0x30, s6;
	s18 =	sadd.s32 $0x30, s2;
	v1 =	vld [tilespmem:s0+$0xF080]  }
0x25a: {  	s6 =	sand.u32 $0x7F, s11;
	s5 =	sand.u32 $0x7F, s15;
	s0 =	sadd.s32 s10, s13;
	v0 =	vadd.f32 v2, v0  }
0x25b: {  	s9 =	sadd.s32 $0x30, s8;
	s7 =	sand.u32 $0x7F, s3;
	s8 =	sand.u32 $0x7F, s12;
	v2 =	vld [tilespmem:s0+$0x11080]  }
0x25c: {  	s5 =	sshll.u32 s5, $0x2;
	s3 =	sshll.u32 s3, $0x2;
	v4 =	vld [tilespmem:s29+$0x1000];
	s0 =	sadd.s32 s26, s17;
	v0 =	vadd.f32 v3, v0  }
0x25d: {  	s29 =	sand.u32 $0x7F, s9;
	s10 =	sadd.s32 $0x30, s19;
	s19 =	sld [smem:$0x7E3];
	v3 =	vld [tilespmem:s0+$0x13080]  }
0x25e: {  	s9 =	sshll.u32 s9, $0x2;
	s13 =	sadd.s32 $0x30, s20;
	s20 =	sand.u32 $0x7F, s30;
	v0 =	vadd.f32 v1, v0;
	v1 =	vld [tilespmem:s16+$0x3000]  }
0x25f: {  	s30 =	sld [smem:$0x7E4];
	s9 =	sand.u32 $0xFFFFFE00, s9;
	s29 =	sshll.u32 s29, $0x2  }
0x260: {  	s14 =	sand.u32 $0x7F, s13;
	s9 =	sor.u32 s29, s9;
	s17 =	sand.u32 $0x7F, s18;
	v0 =	vadd.f32 v2, v0;
	v2 =	vld [tilespmem:s19+$0x5000]  }
0x261: {  	s29 =	sld [smem:$0x7E6];
	s9 =	sshra.s32 s9, $0x2;
	s17 =	sshll.u32 s17, $0x2  }
0x262: {  	s16 =	sshll.u32 s18, $0x2;
	s19 =	sshll.u32 s20, $0x2;
	s20 =	rddreg [dreg:$0x1e];
	v0 =	vadd.f32 v3, v0;
	v3 =	vld [tilespmem:s30+$0x7000]  }
0x263: {  	s18 =	sand.u32 $0x7F, s1;
	s16 =	sand.u32 $0xFFFFFE00, s16;
	s30 =	sld [smem:$0x7E5];
	v1 =	vadd.f32 v1, v4  }
0x264: {  	s1 =	sshll.u32 s1, $0x2;
	s2 =	sor.u32 s17, s16;
	s17 =	rddreg [dreg:$0x1d];
	v0 =	vmul.f32 $1.000000010e-01, v0  }
0x265: {  	s16 =	rddreg [dreg:$0x1c];
	s4 =	sor.u32 s19, s4;
	s19 =	sshra.s32 s2, $0x2;
	v1 =	vadd.f32 v2, v1  }
0x266: {  	s2 =	sshll.u32 s13, $0x2;
	s13 =	rddreg [dreg:$0x19];
	v4 =	vld [tilespmem:s30+$0x9000];
	s30 =	sadd.s32 s26, s9;
	[tilespmem:s26+$0x150A0] =	vst v0  }
0x267: {  	s1 =	sand.u32 $0xFFFFFE00, s1;
	s4 =	sshra.s32 s4, $0x2;
	v1 =	vadd.f32 v3, v1;
	v3 =	vld [tilespmem:s30+$0x3080];
	s30 =	sld [smem:$0x7E7]  }
0x268: {  	s4 =	sadd.s32 s26, s4;
	v2 =	vld [tilespmem:s29+$0xB000];
	s29 =	sshll.u32 s18, $0x2;
	s18 =	rddreg [dreg:$0x1b]  }
0x269: {  	s7 =	sshll.u32 s7, $0x2;
	s9 =	rddreg [dreg:$0x18];
	s1 =	sor.u32 s29, s1;
	v0 =	vld [tilespmem:s4+$0x1080]  }
0x26a: {  	s4 =	sadd.s32 s26, s19;
	s19 =	sshll.u32 s15, $0x2;
	v5 =	vld [tilespmem:s30+$0xD000];
	s30 =	sld [smem:$0x7E8]  }
0x26b: {  	s15 =	rddreg [dreg:$0x1a];
	s1 =	sshra.s32 s1, $0x2;
	s29 =	sand.u32 $0xFFFFFE00, s19  }
0x26c: {  	v6 =	vld [tilespmem:s4+$0x5080];
	s19 =	sand.u32 $0xFFFFFE00, s2;
	s2 =	sshll.u32 s12, $0x2;
	s12 =	rddreg [dreg:$0x16]  }
0x26d: {  	s1 =	sadd.s32 s26, s1;
	s4 =	sor.u32 s5, s29;
	v1 =	vadd.f32 v4, v1;
	v7 =	vld [tilespmem:s30+$0xF000];
	s30 =	sld [smem:$0x7E9]  }
0x26e: {  	s29 =	sshll.u32 s14, $0x2;
	s14 =	rddreg [dreg:$0x17];
	s4 =	sshra.s32 s4, $0x2  }
0x26f: {  	s0 =	sand.u32 $0x7F, s10;
	v63 =	vld [tilespmem:s1+$0x7080];
	s5 =	rddreg [dreg:$0x13];
	s1 =	sadd.s32 s26, s4;
	v1 =	vadd.f32 v2, v1  }
0x270: {  	s4 =	sor.u32 s29, s19;
	s19 =	sand.u32 $0xFFFFFE00, s2;
	v9 =	vld [tilespmem:s30+$0x11000];
	s30 =	sld [smem:$0x7EA]  }
.Ltmp0:
0x271: {  	s29 =	sshll.u32 s8, $0x2;
	v0 =	vadd.f32 v3, v0;
	s4 =	sshra.s32 s4, $0x2;
	v2 =	vadd.f32 v5, v1;
	(pc) =	sbr.rel @p0 .LBB2_3-.Ltmp0, $4  }
0x272: {  	s2 =	sshll.u32 s11, $0x2;
	v1 =	vld [tilespmem:s1+$0x9080];
	s1 =	sadd.s32 s26, s4;
	s4 =	sor.u32 s29, s19  }
0x273: {  	v0 =	vadd.f32 v6, v0;
	s29 =	sand.u32 $0xFFFFFE00, s2;
	s19 =	sshra.s32 s4, $0x2;
	v5 =	vadd.f32 v7, v2;
	v4 =	vld [tilespmem:s30+$0x13000];
	s30 =	sshll.u32 s6, $0x2  }
0x274: {  	s8 =	rddreg [dreg:$0x15];
	v2 =	vld [tilespmem:s1+$0xB080];
	s1 =	sadd.s32 s26, s19;
	s4 =	sor.u32 s30, s29  }
0x275: {  	s11 =	rddreg [dreg:$0x14];
	v3 =	vadd.f32 v63, v0;
	v0 =	vld [tilespmem:s1+$0xD080];
	s6 =	sand.u32 $0xFFFFFE00, s3;
	v5 =	vadd.f32 v9, v5;
	s19 =	sshra.s32 s4, $0x2  }
0x276: {  	_ = 	snop  }
0x277: {  	s1 =	rddreg [dreg:$0x11]  }
0x278: {  	s2 =	rddreg [dreg:$0x12];
	v4 =	vadd.f32 v4, v5  }
0x279: {  	s3 =	rddreg [dreg:$0xe]  }
0x27a: {  	s4 =	rddreg [dreg:$0xc];
	s14 =	sshll.u32 s14, $0x2;
	v4 =	vmul.f32 $1.000000010e-01, v4  }
0x27b: {  	s1 =	sor.u32 s2, s1;
	s3 =	sand.u32 $0xFFFFFE00, s3;
	s4 =	sshll.u32 s4, $0x2  }
0x27c: {  	s2 =	sshll.u32 s17, $0x2;
	s3 =	sor.u32 s4, s3;
	s1 =	sshra.s32 s1, $0x2;
	[tilespmem:s31+$0x15000] =	vst v4  }
0x27d: {  	s4 =	sand.u32 $0xFFFFFE00, s2;
	s2 =	sshll.u32 s20, $0x2;
	s28 =	rddreg [dreg:$0xb]  }
0x27e: {  	s20 =	sshll.u32 s12, $0x2;
	s1 =	sadd.s32 s31, s1;
	s30 =	rddreg [dreg:$0xf]  }
0x27f: {  	s3 =	sshra.s32 s3, $0x2;
	s17 =	rddreg [dreg:$0x10];
	s29 =	sshll.u32 s28, $0x2  }
0x280: {  	s3 =	sadd.s32 s31, s3;
	v4 =	vld [tilespmem:s1+$0x1000];
	s28 =	sshll.u32 s17, $0x2;
	s1 =	sor.u32 s29, s30  }
0x281: {  	v43 =	vld [tilespmem:s3+$0x3000];
	s17 =	rddreg [dreg:$0xd];
	s3 =	sor.u32 s28, s4;
	s1 =	sshra.s32 s1, $0x2  }
0x282: {  	s29 =	sshll.u32 s18, $0x2;
	s18 =	sshll.u32 s17, $0x2;
	s1 =	sadd.s32 s31, s1  }
0x283: {  	s28 =	sshll.u32 s15, $0x2;
	s30 =	sshra.s32 s3, $0x2;
	s4 =	sand.u32 $0xFFFFFE00, s29;
	v6 =	vld [tilespmem:s1+$0x5000]  }
0x284: {  	s17 =	sand.u32 $0xFFFFFE00, s14;
	s3 =	sor.u32 s18, s4;
	s1 =	sadd.s32 s31, s30  }
0x285: {  	s14 =	sshll.u32 s8, $0x2;
	s29 =	sshra.s32 s3, $0x2;
	s30 =	sand.u32 $0xFFFFFE00, s28;
	v7 =	vld [tilespmem:s1+$0x7000]  }
0x286: {  	s18 =	sshll.u32 s13, $0x2;
	v4 =	vadd.f32 v43, v4;
	s3 =	sor.u32 s2, s30;
	s1 =	sadd.s32 s31, s29  }
0x287: {  	s13 =	sshll.u32 s11, $0x2;
	s29 =	sand.u32 $0xFFFFFE00, s20;
	v44 =	vld [tilespmem:s1+$0x9000];
	s15 =	sshra.s32 s3, $0x2  }
0x288: {  	s30 =	sshll.u32 s16, $0x2;
	s3 =	sor.u32 s18, s17;
	s1 =	sadd.s32 s31, s15;
	v4 =	vadd.f32 v6, v4  }
0x289: {  	s2 =	sshll.u32 s9, $0x2;
	s16 =	sand.u32 $0xFFFFFE00, s14;
	s28 =	sshra.s32 s3, $0x2;
	v45 =	vld [tilespmem:s1+$0xB000]  }
0x28a: {  	s14 =	rddreg [dreg:$0x7];
	s3 =	sor.u32 s30, s29;
	s1 =	sadd.s32 s31, s28;
	v4 =	vadd.f32 v7, v4  }
0x28b: {  	s12 =	sand.u32 $0xFFFFFE00, s2;
	s17 =	sshll.u32 s5, $0x2;
	s9 =	sshra.s32 s3, $0x2;
	v46 =	vld [tilespmem:s1+$0xD000]  }
0x28c: {  	s2 =	rddreg [dreg:$0x4];
	s3 =	sor.u32 s13, s12;
	s1 =	sadd.s32 s31, s9;
	v4 =	vadd.f32 v44, v4  }
0x28d: {  	s4 =	sadd.s32 $0x20, s14;
	s5 =	sadd.s32 $0x20, s2;
	s15 =	sshra.s32 s3, $0x2;
	v47 =	vld [tilespmem:s1+$0xF000]  }
0x28e: {  	s30 =	sadd.s32 $0x20, s21;
	s3 =	sor.u32 s17, s16;
	s1 =	sadd.s32 s31, s15;
	v4 =	vadd.f32 v45, v4  }
0x28f: {  	s11 =	sshll.u32 s30, $0x2;
	s16 =	rddreg [dreg:$0x6];
	s18 =	sshra.s32 s3, $0x2;
	v48 =	vld [tilespmem:s1+$0x11000]  }
0x290: {  	s17 =	sand.u32 $0x7F, s30;
	s30 =	sld [smem:$0x7ED];
	s1 =	sadd.s32 s31, s18;
	v4 =	vadd.f32 v46, v4  }
0x291: {  	s11 =	sand.u32 $0xFFFFFE00, s11;
	s15 =	rddreg [dreg:$0x5];
	s28 =	sadd.s32 $0x20, s16;
	v49 =	vld [tilespmem:s1+$0x13000]  }
0x292: {  	s3 =	sadd.s32 $0x20, s25;
	s20 =	sadd.s32 $0x20, s15;
	s13 =	sand.u32 $0x7F, s28;
	v4 =	vadd.f32 v47, v4  }
0x293: {  	s18 =	sand.u32 $0x7F, s5;
	s5 =	sshll.u32 s5, $0x2;
	s29 =	sand.u32 $0x7F, s20  }
0x294: {  	s8 =	sshll.u32 s20, $0x2;
	s1 =	sshll.u32 s28, $0x2;
	s12 =	sshll.u32 s13, $0x2;
	v4 =	vadd.f32 v48, v4  }
0x295: {  	s5 =	sand.u32 $0xFFFFFE00, s5;
	s20 =	sshll.u32 s18, $0x2;
	s28 =	sadd.s32 $0x20, s30  }
0x296: {  	s13 =	sadd.s32 $0x20, s24;
	s18 =	sadd.s32 $0x20, s23;
	s8 =	sand.u32 $0xFFFFFE00, s8;
	v4 =	vadd.f32 v49, v4  }
0x297: {  	s9 =	sshll.u32 s29, $0x2;
	s1 =	sand.u32 $0xFFFFFE00, s1;
	s5 =	sor.u32 s20, s5  }
0x298: {  	s29 =	sand.u32 $0x7F, s28;
	s8 =	sor.u32 s9, s8;
	s1 =	sor.u32 s12, s1;
	v4 =	vmul.f32 $1.000000010e-01, v4  }
0x299: {  	s9 =	sshll.u32 s17, $0x2;
	s12 =	sshll.u32 s28, $0x2;
	s8 =	sshra.s32 s8, $0x2  }
0x29a: {  	s28 =	sand.u32 $0x7F, s18;
	s1 =	sshra.s32 s1, $0x2;
	s8 =	sadd.s32 s31, s8;
	[tilespmem:s31+$0x15010] =	vst v4  }
0x29b: {  	s5 =	sshra.s32 s5, $0x2;
	s9 =	sor.u32 s9, s11;
	s1 =	sadd.s32 s31, s1;
	v4 =	vld [tilespmem:s8+$0x1000]  }
0x29c: {  	s17 =	sand.u32 $0xFFFFFE00, s12;
	s11 =	sshll.u32 s29, $0x2;
	s9 =	sshra.s32 s9, $0x2;
	v50 =	vld [tilespmem:s1+$0x3000]  }
0x29d: {  	s29 =	sshll.u32 s18, $0x2;
	s12 =	sadd.s32 $0x20, s22;
	s9 =	sadd.s32 s31, s9  }
0x29e: {  	s5 =	sadd.s32 s31, s5;
	s18 =	sand.u32 $0x7F, s13;
	s20 =	sor.u32 s11, s17;
	v51 =	vld [tilespmem:s9+$0x5000]  }
0x29f: {  	s11 =	sand.u32 $0xFFFFFE00, s29;
	s17 =	sand.u32 $0x7F, s12;
	s29 =	sand.u32 $0x7F, s3  }
0x2a0: {  	s12 =	sshll.u32 s12, $0x2;
	s8 =	sshll.u32 s28, $0x2;
	v52 =	vld [tilespmem:s5+$0x7000];
	s1 =	sshra.s32 s20, $0x2  }
0x2a1: {  	s20 =	sshll.u32 s13, $0x2;
	s8 =	sor.u32 s8, s11;
	s1 =	sadd.s32 s31, s1;
	v4 =	vadd.f32 v50, v4  }
0x2a2: {  	s5 =	sshll.u32 s18, $0x2;
	s11 =	sand.u32 $0xFFFFFE00, s20;
	v53 =	vld [tilespmem:s1+$0x9000];
	s8 =	sshra.s32 s8, $0x2  }
0x2a3: {  	s28 =	sand.u32 $0x7F, s4;
	s5 =	sor.u32 s5, s11;
	s8 =	sadd.s32 s31, s8;
	v4 =	vadd.f32 v51, v4  }
0x2a4: {  	s13 =	sand.u32 $0xFFFFFE00, s12;
	s9 =	sshll.u32 s17, $0x2;
	s5 =	sshra.s32 s5, $0x2;
	v54 =	vld [tilespmem:s8+$0xB000]  }
0x2a5: {  	s4 =	sshll.u32 s4, $0x2;
	s5 =	sadd.s32 s31, s5;
	s8 =	sor.u32 s9, s13;
	v4 =	vadd.f32 v52, v4  }
0x2a6: {  	s4 =	sand.u32 $0xFFFFFE00, s4;
	s1 =	sshll.u32 s28, $0x2;
	v55 =	vld [tilespmem:s5+$0xD000];
	s17 =	sshra.s32 s8, $0x2  }
0x2a7: {  	s3 =	sshll.u32 s3, $0x2;
	s1 =	sor.u32 s1, s4;
	s5 =	sadd.s32 s31, s17;
	v4 =	vadd.f32 v53, v4  }
0x2a8: {  	s3 =	sand.u32 $0xFFFFFE00, s3;
	s18 =	sshll.u32 s29, $0x2;
	s1 =	sshra.s32 s1, $0x2;
	v56 =	vld [tilespmem:s5+$0xF000]  }
0x2a9: {  	s3 =	sor.u32 s18, s3;
	s1 =	sadd.s32 s31, s1;
	v4 =	vadd.f32 v54, v4  }
0x2aa: {  	s16 =	sadd.s32 $0x30, s16;
	s15 =	sadd.s32 $0x30, s15;
	s20 =	sshra.s32 s3, $0x2;
	v57 =	vld [tilespmem:s1+$0x11000]  }
0x2ab: {  	s12 =	sadd.s32 $0x30, s24;
	s24 =	sadd.s32 $0x30, s21;
	s1 =	sadd.s32 s31, s20;
	v4 =	vadd.f32 v55, v4  }
0x2ac: {  	s21 =	sand.u32 $0x7F, s12;
	s12 =	sshll.u32 s12, $0x2;
	s3 =	sadd.s32 $0x30, s25;
	v58 =	vld [tilespmem:s1+$0x13000]  }
0x2ad: {  	s25 =	sand.u32 $0x7F, s15;
	s15 =	sshll.u32 s15, $0x2;
	s28 =	sand.u32 $0x7F, s16;
	v4 =	vadd.f32 v56, v4  }
0x2ae: {  	s16 =	sshll.u32 s16, $0x2;
	s12 =	sand.u32 $0xFFFFFE00, s12;
	s4 =	sadd.s32 $0x30, s14  }
0x2af: {  	s14 =	sadd.s32 $0x30, s23;
	s15 =	sand.u32 $0xFFFFFE00, s15;
	s16 =	sand.u32 $0xFFFFFE00, s16;
	v4 =	vadd.f32 v57, v4  }
0x2b0: {  	s29 =	sshll.u32 s28, $0x2;
	s9 =	sadd.s32 $0x30, s22;
	s13 =	sadd.s32 $0x30, s30  }
0x2b1: {  	s22 =	sshll.u32 s25, $0x2;
	s30 =	sand.u32 $0x7F, s24;
	s16 =	sor.u32 s29, s16;
	v4 =	vadd.f32 v58, v4  }
0x2b2: {  	s11 =	sand.u32 $0x7F, s9;
	s18 =	sand.u32 $0x7F, s13;
	s15 =	sor.u32 s22, s15  }
0x2b3: {  	s16 =	sshra.s32 s16, $0x2;
	s23 =	sshll.u32 s30, $0x2;
	s13 =	sshll.u32 s13, $0x2;
	v4 =	vmul.f32 $1.000000010e-01, v4  }
0x2b4: {  	s17 =	sshll.u32 s24, $0x2;
	s15 =	sshra.s32 s15, $0x2;
	s16 =	sadd.s32 s31, s16  }
0x2b5: {  	s1 =	sadd.s32 $0x30, s2;
	s17 =	sand.u32 $0xFFFFFE00, s17;
	s15 =	sadd.s32 s31, s15;
	[tilespmem:s31+$0x15020] =	vst v4  }
0x2b6: {  	s2 =	sand.u32 $0x7F, s1;
	s23 =	sor.u32 s23, s17;
	s1 =	sshll.u32 s1, $0x2;
	v4 =	vld [tilespmem:s15+$0x1000]  }
0x2b7: {  	s24 =	sshra.s32 s23, $0x2;
	s1 =	sand.u32 $0xFFFFFE00, s1;
	s25 =	sshll.u32 s2, $0x2;
	v59 =	vld [tilespmem:s16+$0x3000]  }
0x2b8: {  	s20 =	sand.u32 $0x7F, s14;
	s1 =	sor.u32 s25, s1;
	s15 =	sadd.s32 s31, s24  }
0x2b9: {  	s13 =	sand.u32 $0xFFFFFE00, s13;
	s28 =	sshll.u32 s18, $0x2;
	s1 =	sshra.s32 s1, $0x2;
	v60 =	vld [tilespmem:s15+$0x5000]  }
0x2ba: {  	s14 =	sshll.u32 s14, $0x2;
	s13 =	sor.u32 s28, s13;
	s1 =	sadd.s32 s31, s1  }
0x2bb: {  	s30 =	sand.u32 $0xFFFFFE00, s14;
	s29 =	sshra.s32 s13, $0x2;
	s2 =	sshll.u32 s20, $0x2;
	v61 =	vld [tilespmem:s1+$0x7000]  }
0x2bc: {  	s8 =	sand.u32 $0x7F, s4;
	s13 =	sor.u32 s2, s30;
	s1 =	sadd.s32 s31, s29;
	v4 =	vadd.f32 v59, v4  }
0x2bd: {  	s9 =	sshll.u32 s9, $0x2;
	s14 =	sshra.s32 s13, $0x2;
	v62 =	vld [tilespmem:s1+$0x9000];
	s15 =	sshll.u32 s21, $0x2  }
0x2be: {  	s4 =	sshll.u32 s4, $0x2;
	s1 =	sadd.s32 s31, s14;
	s12 =	sor.u32 s15, s12;
	v4 =	vadd.f32 v60, v4  }
0x2bf: {  	s9 =	sand.u32 $0xFFFFFE00, s9;
	s11 =	sshll.u32 s11, $0x2;
	v63 =	vld [tilespmem:s1+$0xB000];
	s16 =	sshra.s32 s12, $0x2  }
0x2c0: {  	s4 =	sand.u32 $0xFFFFFE00, s4;
	s9 =	sor.u32 s11, s9;
	s1 =	sadd.s32 s31, s16;
	v4 =	vadd.f32 v61, v4  }
0x2c1: {  	s8 =	sshll.u32 s8, $0x2;
	s5 =	sand.u32 $0x7F, s3;
	s17 =	sshra.s32 s9, $0x2;
	v9 =	vld [tilespmem:s1+$0xD000]  }
0x2c2: {  	s4 =	sor.u32 s8, s4;
	s3 =	sshll.u32 s3, $0x2;
	s1 =	sadd.s32 s31, s17;
	v4 =	vadd.f32 v62, v4  }
0x2c3: {  	s18 =	sshra.s32 s4, $0x2;
	s3 =	sand.u32 $0xFFFFFE00, s3;
	s20 =	sshll.u32 s5, $0x2;
	v10 =	vld [tilespmem:s1+$0xF000]  }
0x2c4: {  	s3 =	sor.u32 s20, s3;
	s1 =	sadd.s32 s31, s18;
	v4 =	vadd.f32 v63, v4  }
0x2c5: {  	s21 =	sshra.s32 s3, $0x2;
	v11 =	vld [tilespmem:s1+$0x11000]  }
0x2c6: {  	s1 =	sadd.s32 s31, s21;
	v4 =	vadd.f32 v9, v4  }
0x2c7: {  	v12 =	vld [tilespmem:s1+$0x13000]  }
0x2c8: {  	v4 =	vadd.f32 v10, v4;
	_ =	sdelay $0x1  }
0x2c9: {  	v4 =	vadd.f32 v11, v4;
	_ =	sdelay $0x1  }
0x2ca: {  	v4 =	vadd.f32 v12, v4;
	_ =	sdelay $0x1  }
0x2cb: {  	v4 =	vmul.f32 $1.000000010e-01, v4;
	_ =	sdelay $0x1  }
0x2cc: {  	[tilespmem:s31+$0x15030] =	vst v4  }
0x2cd: {  	s22 =	rddreg [dreg:$0x3]  }
0x2ce: {  	v4 =	vld.msk [tilespmem:s22+$0x201], $0x1  }
0x2cf: {  	v13 =	vld.msk [tilespmem:s22+$0x181], $0x1  }
0x2d0: {  	v14 =	vld.msk [tilespmem:s22+$0x101], $0x1  }
0x2d1: {  	v15 =	vld.msk [tilespmem:s22+$0x81], $0x1  }
0x2d2: {  	v8 =	vld.msk [tilespmem:s22+$0x1], $0x1  }
0x2d3: {  	v16 =	vld.msk [tilespmem:s22+$0xFFFFFF81], $0x1;
	(v2sf) =	vpush v4, $0x0  }
0x2d4: {  	v17 =	vld.msk [tilespmem:s22+$0xFFFFFF01], $0x1;
	(v2sf) =	vpush v13, $0x0  }
0x2d5: {  	v18 =	vld.msk [tilespmem:s22+$0xFFFFFE81], $0x1;
	(v2sf) =	vpush v14, $0x0  }
0x2d6: {  	v19 =	vld.msk [tilespmem:s22+$0xFFFFFD81], $0x1;
	(v2sf) =	vpush v15, $0x0  }
0x2d7: {  	(v2sf) =	vpush v8, $0x0  }
0x2d8: {  	v20 =	vld.msk [tilespmem:s22+$0xFFFFFE01], $0x1;
	(v2sf) =	vpush v16, $0x0  }
0x2d9: {  	(v2sf) =	vpush v17, $0x0  }
0x2da: {  	(v2sf) =	vpush v18, $0x0  }
0x2db: {  	(v2sf) =	vpush v19, $0x0;
	_ =	sdelay $0x1  }
0x2dc: {  	(v2sf) =	vpush v20, $0x0;
	_ =	sdelay $0x4  }
0x2dd: {  	s3 =	spop (v2sf)  }
0x2de: {  	s9 =	spop (v2sf)  }
0x2df: {  	s10 =	sshll.u32 s10, $0x2;
	s0 =	sshll.u32 s0, $0x2;
	s5 =	spop (v2sf)  }
0x2e0: {  	s19 =	sadd.s32 s26, s19;
	s4 =	sor.u32 s7, s6;
	s12 =	spop (v2sf)  }
0x2e1: {  	s4 =	sshra.s32 s4, $0x2;
	s7 =	sand.u32 $0x7F, s3;
	s8 =	spop (v2sf)  }
0x2e2: {  	s11 =	sand.u32 $0x7F, s9;
	s7 =	sshll.u32 s7, $0x2;
	s14 =	spop (v2sf)  }
0x2e3: {  	s1 =	sand.u32 $0x7F, s5;
	s11 =	sshll.u32 s11, $0x2;
	s16 =	spop (v2sf)  }
0x2e4: {  	s18 =	sand.u32 $0x7F, s8;
	s17 =	sand.u32 $0x7F, s14;
	s13 =	spop (v2sf)  }
0x2e5: {  	s18 =	sshll.u32 s18, $0x2;
	s2 =	sand.u32 $0x7F, s16;
	s15 =	spop (v2sf)  }
0x2e6: {  	s25 =	sand.u32 $0x7F, s13;
	s30 =	sshll.u32 s13, $0x2;
	s24 =	sshll.u32 s15, $0x2  }
0x2e7: {  	s6 =	spop (v2sf);
	s23 =	sand.u32 $0x7F, s15;
	s21 =	sand.u32 $0xFFFFFE00, s24  }
0x2e8: {  	s20 =	sshll.u32 s23, $0x2;
	s28 =	sand.u32 $0x7F, s6;
	s29 =	sshll.u32 s6, $0x2  }
0x2e9: {  	s20 =	sor.u32 s20, s21;
	s24 =	sand.u32 $0xFFFFFE00, s29;
	s23 =	sshll.u32 s28, $0x2  }
0x2ea: {  	s22 =	sshll.u32 s25, $0x2;
	s23 =	sor.u32 s23, s24;
	s20 =	sshra.s32 s20, $0x2  }
0x2eb: {  	s21 =	sand.u32 $0xFFFFFE00, s30;
	s20 =	sadd.s32 s31, s20;
	s23 =	sshra.s32 s23, $0x2  }
0x2ec: {  	s25 =	sshll.u32 s16, $0x2;
	s21 =	sor.u32 s22, s21;
	v21 =	vld [tilespmem:s20+$0x1080];
	s28 =	sadd.s32 s31, s23  }
0x2ed: {  	s22 =	sand.u32 $0xFFFFFE00, s25;
	s24 =	sshll.u32 s2, $0x2;
	s21 =	sshra.s32 s21, $0x2;
	v22 =	vld [tilespmem:s28+$0x3080]  }
0x2ee: {  	s30 =	sshll.u32 s14, $0x2;
	s22 =	sor.u32 s24, s22;
	s29 =	sadd.s32 s31, s21  }
0x2ef: {  	s17 =	sshll.u32 s17, $0x2;
	s22 =	sshra.s32 s22, $0x2;
	s21 =	sand.u32 $0xFFFFFE00, s30;
	v23 =	vld [tilespmem:s29+$0x5080]  }
0x2f0: {  	s2 =	sshll.u32 s8, $0x2;
	s17 =	sor.u32 s17, s21;
	s22 =	sadd.s32 s31, s22  }
0x2f1: {  	s25 =	sand.u32 $0x7F, s12;
	s21 =	sand.u32 $0xFFFFFE00, s2;
	s17 =	sshra.s32 s17, $0x2;
	v24 =	vld [tilespmem:s22+$0x7080]  }
0x2f2: {  	s23 =	sshll.u32 s12, $0x2;
	s18 =	sor.u32 s18, s21;
	s17 =	sadd.s32 s31, s17;
	v4 =	vadd.f32 v22, v21  }
0x2f3: {  	s24 =	sshll.u32 s25, $0x2;
	s20 =	sand.u32 $0xFFFFFE00, s23;
	s18 =	sshra.s32 s18, $0x2;
	v25 =	vld [tilespmem:s17+$0x9080]  }
0x2f4: {  	s25 =	sshll.u32 s5, $0x2;
	s28 =	sor.u32 s24, s20;
	s18 =	sadd.s32 s31, s18;
	v4 =	vadd.f32 v23, v4  }
0x2f5: {  	s1 =	sshll.u32 s1, $0x2;
	s29 =	sand.u32 $0xFFFFFE00, s25;
	s17 =	sshra.s32 s28, $0x2;
	v26 =	vld [tilespmem:s18+$0xB080]  }
0x2f6: {  	s30 =	sshll.u32 s9, $0x2;
	s1 =	sor.u32 s1, s29;
	s17 =	sadd.s32 s31, s17;
	v4 =	vadd.f32 v24, v4  }
0x2f7: {  	s2 =	sshll.u32 s3, $0x2;
	s1 =	sshra.s32 s1, $0x2;
	s18 =	sand.u32 $0xFFFFFE00, s30;
	v27 =	vld [tilespmem:s17+$0xD080]  }
0x2f8: {  	s23 =	sadd.s32 $0x10, s15;
	s1 =	sadd.s32 s31, s1;
	s11 =	sor.u32 s11, s18;
	v4 =	vadd.f32 v25, v4  }
0x2f9: {  	s21 =	sand.u32 $0xFFFFFE00, s2;
	s20 =	sadd.s32 $0x10, s14;
	v28 =	vld [tilespmem:s1+$0xF080];
	s11 =	sshra.s32 s11, $0x2  }
0x2fa: {  	s24 =	sadd.s32 $0x10, s6;
	s7 =	sor.u32 s7, s21;
	s22 =	sadd.s32 s31, s11;
	v4 =	vadd.f32 v26, v4  }
0x2fb: {  	s25 =	sand.u32 $0x7F, s23;
	s21 =	sshll.u32 s23, $0x2;
	s17 =	sshra.s32 s7, $0x2;
	v29 =	vld [tilespmem:s22+$0x11080]  }
0x2fc: {  	s23 =	sshll.u32 s25, $0x2;
	s29 =	sand.u32 $0x7F, s24;
	s17 =	sadd.s32 s31, s17;
	v4 =	vadd.f32 v27, v4  }
0x2fd: {  	s25 =	sand.u32 $0x7F, s20;
	s20 =	sshll.u32 s20, $0x2;
	s28 =	sadd.s32 $0x10, s13;
	v30 =	vld [tilespmem:s17+$0x13080]  }
0x2fe: {  	s21 =	sand.u32 $0xFFFFFE00, s21;
	s20 =	sand.u32 $0xFFFFFE00, s20;
	s1 =	sadd.s32 $0x10, s16;
	v4 =	vadd.f32 v28, v4  }
0x2ff: {  	s21 =	sor.u32 s23, s21;
	s30 =	sand.u32 $0x7F, s28;
	s7 =	sadd.s32 $0x10, s3  }
0x300: {  	s18 =	sadd.s32 $0x10, s12;
	s2 =	sand.u32 $0x7F, s1;
	s1 =	sshll.u32 s1, $0x2;
	v4 =	vadd.f32 v29, v4  }
0x301: {  	s23 =	sshll.u32 s30, $0x2;
	s21 =	sshra.s32 s21, $0x2;
	s1 =	sand.u32 $0xFFFFFE00, s1  }
0x302: {  	s21 =	sadd.s32 s31, s21;
	s11 =	sadd.s32 $0x10, s9;
	s17 =	sshll.u32 s28, $0x2;
	v4 =	vadd.f32 v30, v4  }
0x303: {  	s28 =	sadd.s32 $0x10, s8;
	s22 =	sshll.u32 s24, $0x2;
	s24 =	sshll.u32 s29, $0x2  }
0x304: {  	s17 =	sand.u32 $0xFFFFFE00, s17;
	s29 =	sand.u32 $0x7F, s28;
	s22 =	sand.u32 $0xFFFFFE00, s22;
	v4 =	vmul.f32 $1.000000010e-01, v4  }
0x305: {  	s17 =	sor.u32 s23, s17;
	s23 =	sadd.s32 $0x10, s5;
	s22 =	sor.u32 s24, s22  }
0x306: {  	s29 =	sshll.u32 s29, $0x2;
	s24 =	sshll.u32 s2, $0x2;
	s22 =	sshra.s32 s22, $0x2;
	[tilespmem:s31+$0x15080] =	vst v4  }
0x307: {  	s2 =	sshll.u32 s28, $0x2;
	s17 =	sshra.s32 s17, $0x2;
	s30 =	sadd.s32 s31, s22;
	v4 =	vld [tilespmem:s21+$0x1080]  }
0x308: {  	s1 =	sor.u32 s24, s1;
	s24 =	sshll.u32 s25, $0x2;
	s28 =	sand.u32 $0xFFFFFE00, s2;
	v31 =	vld [tilespmem:s30+$0x3080]  }
0x309: {  	s17 =	sadd.s32 s31, s17;
	s20 =	sor.u32 s24, s20;
	s24 =	sand.u32 $0x7F, s23  }
0x30a: {  	s22 =	sand.u32 $0x7F, s11;
	s1 =	sshra.s32 s1, $0x2;
	s11 =	sshll.u32 s11, $0x2;
	v32 =	vld [tilespmem:s17+$0x5080]  }
0x30b: {  	s1 =	sadd.s32 s31, s1;
	s30 =	sand.u32 $0x7F, s18;
	s18 =	sshll.u32 s18, $0x2  }
0x30c: {  	s20 =	sshra.s32 s20, $0x2;
	v33 =	vld [tilespmem:s1+$0x7080];
	s18 =	sand.u32 $0xFFFFFE00, s18;
	s17 =	sshll.u32 s30, $0x2  }
0x30d: {  	s21 =	sor.u32 s29, s28;
	s2 =	sor.u32 s17, s18;
	s18 =	sadd.s32 s31, s20;
	v4 =	vadd.f32 v31, v4  }
0x30e: {  	s23 =	sshll.u32 s23, $0x2;
	s11 =	sand.u32 $0xFFFFFE00, s11;
	s21 =	sshra.s32 s21, $0x2;
	v34 =	vld [tilespmem:s18+$0x9080]  }
0x30f: {  	s28 =	sand.u32 $0xFFFFFE00, s23;
	s29 =	sshll.u32 s24, $0x2;
	s25 =	sadd.s32 s31, s21;
	v4 =	vadd.f32 v32, v4  }
0x310: {  	s23 =	sadd.s32 $0x20, s15;
	s24 =	sadd.s32 $0x20, s13;
	s1 =	sshra.s32 s2, $0x2;
	v35 =	vld [tilespmem:s25+$0xB080]  }
0x311: {  	s13 =	sadd.s32 $0x30, s13;
	s30 =	sor.u32 s29, s28;
	s1 =	sadd.s32 s31, s1;
	v4 =	vadd.f32 v33, v4  }
0x312: {  	s17 =	sand.u32 $0x7F, s7;
	s21 =	sshra.s32 s30, $0x2;
	s2 =	sshll.u32 s22, $0x2;
	v36 =	vld [tilespmem:s1+$0xD080]  }
0x313: {  	s7 =	sshll.u32 s7, $0x2;
	s11 =	sor.u32 s2, s11;
	s1 =	sadd.s32 s31, s21;
	v4 =	vadd.f32 v34, v4  }
0x314: {  	s7 =	sand.u32 $0xFFFFFE00, s7;
	s17 =	sshll.u32 s17, $0x2;
	s11 =	sshra.s32 s11, $0x2;
	v37 =	vld [tilespmem:s1+$0xF080]  }
0x315: {  	s28 =	sand.u32 $0x7F, s23;
	s7 =	sor.u32 s17, s7;
	s22 =	sadd.s32 s31, s11;
	v4 =	vadd.f32 v35, v4  }
0x316: {  	s29 =	sadd.s32 $0x20, s6;
	s6 =	sadd.s32 $0x30, s6;
	s7 =	sshra.s32 s7, $0x2;
	v38 =	vld [tilespmem:s22+$0x11080]  }
0x317: {  	s30 =	sand.u32 $0x7F, s29;
	s20 =	sshll.u32 s24, $0x2;
	s7 =	sadd.s32 s31, s7;
	v4 =	vadd.f32 v36, v4  }
0x318: {  	s25 =	sadd.s32 $0x20, s16;
	s18 =	sshll.u32 s23, $0x2;
	s20 =	sand.u32 $0xFFFFFE00, s20;
	v39 =	vld [tilespmem:s7+$0x13080]  }
0x319: {  	s16 =	sadd.s32 $0x30, s16;
	s17 =	sadd.s32 $0x20, s8;
	s18 =	sand.u32 $0xFFFFFE00, s18;
	v4 =	vadd.f32 v37, v4  }
0x31a: {  	s2 =	sand.u32 $0x7F, s24;
	s23 =	sand.u32 $0x7F, s25;
	s8 =	sadd.s32 $0x30, s8  }
0x31b: {  	s21 =	sshll.u32 s28, $0x2;
	s24 =	sshll.u32 s23, $0x2;
	s28 =	sand.u32 $0x7F, s17;
	v4 =	vadd.f32 v38, v4  }
0x31c: {  	s17 =	sshll.u32 s17, $0x2;
	s11 =	sadd.s32 $0x20, s14;
	s18 =	sor.u32 s21, s18  }
0x31d: {  	s21 =	sshll.u32 s2, $0x2;
	s1 =	sshll.u32 s25, $0x2;
	s17 =	sand.u32 $0xFFFFFE00, s17;
	v4 =	vadd.f32 v39, v4  }
0x31e: {  	s22 =	sshll.u32 s29, $0x2;
	s7 =	sshll.u32 s30, $0x2;
	s20 =	sor.u32 s21, s20  }
0x31f: {  	s1 =	sand.u32 $0xFFFFFE00, s1;
	s25 =	sand.u32 $0x7F, s11;
	s22 =	sand.u32 $0xFFFFFE00, s22;
	v4 =	vmul.f32 $1.000000010e-01, v4  }
0x320: {  	s11 =	sshll.u32 s11, $0x2;
	s18 =	sshra.s32 s18, $0x2;
	s7 =	sor.u32 s7, s22  }
0x321: {  	s21 =	sshll.u32 s28, $0x2;
	s18 =	sadd.s32 s31, s18;
	s7 =	sshra.s32 s7, $0x2;
	[tilespmem:s31+$0x15090] =	vst v4  }
0x322: {  	s29 =	sadd.s32 $0x20, s12;
	s1 =	sor.u32 s24, s1;
	s7 =	sadd.s32 s31, s7;
	v4 =	vld [tilespmem:s18+$0x1080]  }
0x323: {  	s11 =	sand.u32 $0xFFFFFE00, s11;
	s17 =	sor.u32 s21, s17;
	s2 =	sshra.s32 s20, $0x2;
	v40 =	vld [tilespmem:s7+$0x3080]  }
0x324: {  	s30 =	sand.u32 $0x7F, s29;
	s21 =	sshll.u32 s29, $0x2;
	s7 =	sadd.s32 s31, s2  }
0x325: {  	s24 =	sadd.s32 $0x20, s9;
	s22 =	sshll.u32 s25, $0x2;
	s1 =	sshra.s32 s1, $0x2;
	v41 =	vld [tilespmem:s7+$0x5080]  }
0x326: {  	s21 =	sand.u32 $0xFFFFFE00, s21;
	s11 =	sor.u32 s22, s11;
	s1 =	sadd.s32 s31, s1  }
0x327: {  	s25 =	sand.u32 $0x7F, s24;
	s28 =	sshra.s32 s17, $0x2;
	s11 =	sshra.s32 s11, $0x2;
	v42 =	vld [tilespmem:s1+$0x7080]  }
0x328: {  	s22 =	sadd.s32 $0x20, s5;
	s29 =	sshll.u32 s25, $0x2;
	s11 =	sadd.s32 s31, s11;
	v4 =	vadd.f32 v40, v4  }
0x329: {  	s23 =	sand.u32 $0x7F, s22;
	s20 =	sshll.u32 s22, $0x2;
	s18 =	sshll.u32 s30, $0x2;
	v43 =	vld [tilespmem:s11+$0x9080]  }
0x32a: {  	s20 =	sand.u32 $0xFFFFFE00, s20;
	s11 =	sadd.s32 s31, s28;
	s18 =	sor.u32 s18, s21;
	v4 =	vadd.f32 v41, v4  }
0x32b: {  	s1 =	sshll.u32 s24, $0x2;
	s7 =	sshll.u32 s23, $0x2;
	v44 =	vld [tilespmem:s11+$0xB080];
	s18 =	sshra.s32 s18, $0x2  }
0x32c: {  	s30 =	sadd.s32 $0x20, s3;
	s7 =	sor.u32 s7, s20;
	s18 =	sadd.s32 s31, s18;
	v4 =	vadd.f32 v42, v4  }
0x32d: {  	s1 =	sand.u32 $0xFFFFFE00, s1;
	s2 =	sand.u32 $0x7F, s30;
	s7 =	sshra.s32 s7, $0x2;
	v45 =	vld [tilespmem:s18+$0xD080]  }
0x32e: {  	s17 =	sshll.u32 s30, $0x2;
	s1 =	sor.u32 s29, s1;
	s7 =	sadd.s32 s31, s7;
	v4 =	vadd.f32 v43, v4  }
0x32f: {  	s17 =	sand.u32 $0xFFFFFE00, s17;
	s11 =	sshll.u32 s2, $0x2;
	s1 =	sshra.s32 s1, $0x2;
	v46 =	vld [tilespmem:s7+$0xF080]  }
0x330: {  	s12 =	sadd.s32 $0x30, s12;
	s11 =	sor.u32 s11, s17;
	s1 =	sadd.s32 s31, s1;
	v4 =	vadd.f32 v44, v4  }
0x331: {  	s9 =	sadd.s32 $0x30, s9;
	s2 =	sand.u32 $0xFFFFFE00, s10;
	s11 =	sshra.s32 s11, $0x2;
	v47 =	vld [tilespmem:s1+$0x11080]  }
0x332: {  	s5 =	sadd.s32 $0x30, s5;
	s0 =	sor.u32 s0, s2;
	s2 =	sadd.s32 s31, s11;
	v4 =	vadd.f32 v45, v4  }
0x333: {  	s25 =	sand.u32 $0x7F, s8;
	s22 =	sand.u32 $0x7F, s6;
	s6 =	sshll.u32 s6, $0x2;
	v48 =	vld [tilespmem:s2+$0x13080]  }
0x334: {  	s8 =	sshll.u32 s8, $0x2;
	s6 =	sand.u32 $0xFFFFFE00, s6;
	s24 =	sshll.u32 s16, $0x2;
	v4 =	vadd.f32 v46, v4  }
0x335: {  	s28 =	sand.u32 $0xFFFFFE00, s8;
	s3 =	sadd.s32 $0x30, s3;
	s21 =	sand.u32 $0x7F, s13  }
0x336: {  	s13 =	sshll.u32 s13, $0x2;
	s30 =	sand.u32 $0x7F, s5;
	s5 =	sshll.u32 s5, $0x2;
	v4 =	vadd.f32 v47, v4  }
0x337: {  	s13 =	sand.u32 $0xFFFFFE00, s13;
	s29 =	sshll.u32 s25, $0x2;
	s18 =	sadd.s32 $0x30, s15  }
0x338: {  	s10 =	sand.u32 $0x7F, s12;
	s20 =	sand.u32 $0x7F, s18;
	s11 =	sshll.u32 s18, $0x2;
	v4 =	vadd.f32 v48, v4  }
0x339: {  	s17 =	sadd.s32 $0x30, s14;
	s11 =	sand.u32 $0xFFFFFE00, s11;
	s14 =	sshll.u32 s20, $0x2  }
0x33a: {  	s5 =	sand.u32 $0xFFFFFE00, s5;
	s11 =	sor.u32 s14, s11;
	s14 =	sshll.u32 s22, $0x2;
	v4 =	vmul.f32 $1.000000010e-01, v4  }
0x33b: {  	s23 =	sand.u32 $0x7F, s17;
	s6 =	sor.u32 s14, s6;
	s11 =	sshra.s32 s11, $0x2  }
0x33c: {  	s2 =	sshll.u32 s21, $0x2;
	s11 =	sadd.s32 s31, s11;
	s6 =	sshra.s32 s6, $0x2;
	[tilespmem:s31+$0x150A0] =	vst v4  }
0x33d: {  	s7 =	sand.u32 $0x7F, s16;
	s2 =	sor.u32 s2, s13;
	s6 =	sadd.s32 s31, s6;
	v4 =	vld [tilespmem:s11+$0x1080]  }
0x33e: {  	s7 =	sshll.u32 s7, $0x2;
	s13 =	sand.u32 $0xFFFFFE00, s24;
	s2 =	sshra.s32 s2, $0x2;
	v49 =	vld [tilespmem:s6+$0x3080]  }
0x33f: {  	s1 =	sshll.u32 s17, $0x2;
	s7 =	sor.u32 s7, s13;
	s2 =	sadd.s32 s31, s2  }
0x340: {  	s1 =	sand.u32 $0xFFFFFE00, s1;
	s14 =	sshll.u32 s23, $0x2;
	s7 =	sshra.s32 s7, $0x2;
	v50 =	vld [tilespmem:s2+$0x5080]  }
0x341: {  	s8 =	sshll.u32 s30, $0x2;
	s1 =	sor.u32 s14, s1;
	s7 =	sadd.s32 s31, s7  }
0x342: {  	s0 =	sshra.s32 s0, $0x2;
	s16 =	sshll.u32 s9, $0x2;
	s1 =	sshra.s32 s1, $0x2;
	v51 =	vld [tilespmem:s7+$0x7080]  }
0x343: {  	s13 =	sshll.u32 s12, $0x2;
	s1 =	sadd.s32 s31, s1;
	s6 =	sor.u32 s29, s28;
	v4 =	vadd.f32 v49, v4  }
0x344: {  	s11 =	sand.u32 $0xFFFFFE00, s13;
	s2 =	sshll.u32 s10, $0x2;
	v52 =	vld [tilespmem:s1+$0x9080];
	s6 =	sshra.s32 s6, $0x2  }
0x345: {  	s17 =	sor.u32 s8, s5;
	s2 =	sor.u32 s2, s11;
	s15 =	sadd.s32 s31, s6;
	v4 =	vadd.f32 v50, v4  }
0x346: {  	s0 =	sadd.s32 s26, s0;
	s20 =	sadd.s32 s26, s4;
	s2 =	sshra.s32 s2, $0x2;
	v53 =	vld [tilespmem:s15+$0xB080]  }
0x347: {  	v1 =	vadd.f32 v1, v3;
	v55 =	vld [tilespmem:s19+$0xF080];
	s21 =	sand.u32 $0x7F, s3;
	s14 =	sand.u32 $0x7F, s9;
	s2 =	sadd.s32 s31, s2;
	v4 =	vadd.f32 v51, v4  }
0x348: {  	s7 =	sshll.u32 s14, $0x2;
	s1 =	sshra.s32 s17, $0x2;
	s6 =	sand.u32 $0xFFFFFE00, s16;
	v54 =	vld [tilespmem:s2+$0xD080]  }
0x349: {  	v1 =	vadd.f32 v2, v1;
	s3 =	sshll.u32 s3, $0x2;
	v57 =	vld [tilespmem:s20+$0x11080];
	s1 =	sadd.s32 s31, s1;
	s18 =	sor.u32 s7, s6;
	v4 =	vadd.f32 v52, v4  }
0x34a: {  	s3 =	sand.u32 $0xFFFFFE00, s3;
	s4 =	sshll.u32 s21, $0x2;
	v56 =	vld [tilespmem:s1+$0xF080];
	s22 =	sshra.s32 s18, $0x2  }
0x34b: {  	v0 =	vadd.f32 v0, v1;
	v59 =	vld [tilespmem:s0+$0x13080];
	s23 =	sor.u32 s4, s3;
	s1 =	sadd.s32 s31, s22;
	v4 =	vadd.f32 v53, v4  }
0x34c: {  	s24 =	sshra.s32 s23, $0x2;
	v58 =	vld [tilespmem:s1+$0x11080]  }
0x34d: {  	v0 =	vadd.f32 v55, v0;
	s25 =	sadd.s32 s31, s24;
	v4 =	vadd.f32 v54, v4  }
0x34e: {  	v60 =	vld [tilespmem:s25+$0x13080]  }
0x34f: {  	v0 =	vadd.f32 v57, v0;
	v61 =	vadd.f32 v56, v4;
	_ =	sdelay $0x1  }
0x350: {  	v0 =	vadd.f32 v59, v0;
	v62 =	vadd.f32 v58, v61;
	_ =	sdelay $0x1  }
0x351: {  	v0 =	vmul.f32 $1.000000010e-01, v0;
	v63 =	vadd.f32 v60, v62;
	_ =	sdelay $0x1  }
0x352: {  	[tilespmem:s26+$0x150B0] =	vst v0;
	v1 =	vmul.f32 $1.000000010e-01, v63  }
0x353: {  	s26 =	sld [smem:$0x7EB]  }
0x354: {  	[tilespmem:s31+$0x150B0] =	vst v1  }
0x355: {  	s29 =	sld [smem:$0x7FC]  }
0x356: {  	s30 =	simm.s32 $0x0;
	s4 =	sadd.s32 $0x1, s26  }
0x357: {  	s3 =	simm.s32 $0x2;
	s28 =	sshll.u32 s26, $0xA;
	p0 =	sne.s32 s4, $0x8  }
.Ltmp1:
0x358: {  	s31 =	simm.s32 $0x15000;
	s0 =	sadd.s32 s28, s29;
	(pc) =	sbr.rel @p0 .LBB2_2-.Ltmp1, $4  }
0x359: {  	[hbm4b:s0+s30] =	stream.linear.scatter [tilespmem:s31], [sflag:$0x2], $0x2000, $0x38;
	[tilespmem:$0x17000] =	vst v63  }
0x35a: {  	_ =	swait.ge [sflag:s3], $0x2000  }
0x35b: {  	[sflag:s3] =	ssyncset.done $0x0  }
0x35c: {  	[sflag:s3] =	ssyncadd.s32 $0xFFFFE000  }
0x35d: {  	s1 =	sld [smem:$0x7F8]  }
0x35e: {  	s0 =	sld [smem:$0x7FD];
	_ =	sdelay $0x1  }
0x35f: {  	s1 =	sadd.s32 $0x1, s1  }
0x360: {  	p0 =	sne.s32 s1, s0  }
.Ltmp2:
0x361: {  	_ = 	snop;
	(pc) =	sbr.rel @p0 .LBB2_1-.Ltmp2, $1  }
0x362: {  	_ =	sdelay $0x3  }
0x363: {  	_ =	sfence.sel $0x180000  }
0x364: {  	[bflag:$0x0] =	sbarrier.arrive $0xFFFF  }
0x365: {  	_ =	strace $0x90000047  }
0x366: {  	s0 =	stileid.u32;
	[bflag:$0x2] =	sbarrier.arrive $0xFFFF  }
0x367: {  	p0 =	sne.s32 s0, $0x0;
	s0 =	rddreg [dreg:$0x2]  }
0x368: {  	s0 =	sadd.s32 @!p0 $0x100000, s0  }
0x369: {  	[sflag:s0] =	ssyncadd.tile.s32 @!p0 $0x1;
	_ =	shalt  }
.Lfunc_end2:
_tile_overlayer_lowered:
.L_overlay_start_2:
0x36a: {  	(tag) =	ssettag $0x2  }
0x36b: {  	s0 =	rddreg [dreg:$0x0];
	s2 =	stileid.u32  }
0x36c: {  	s1 =	rddreg [dreg:$0x1];
	p0 =	sne.s32 s2, $0x0  }
0x36d: {  	s3 =	rddreg [dreg:$0x2];
	[bflag:$0x3] =	sbarrier.arrive $0xFFFF;
	s2 =	simm.s32 @!p0 $0x1C02  }
0x36e: {  	[timem:s3], [sflag:s2] =	dma.local @!p0 [hbm:s0], s1  }
0x36f: {  	s0 =	simm.s32 @!p0 $0x2  }
0x370: {  	_ =	swait.ge @!p0 [sflag:s0], s1  }
0x371: {  	s1 =	ssub.s32 @!p0 $0x0, s1;
	[sflag:s0] =	ssyncset.done @!p0 $0x0  }
0x372: {  	[sflag:s0] =	ssyncadd.s32 @!p0 s1  }
0x373: {  	[bflag:$0x3] =	sbarrier.arrive $0xFFFF  }
0x374: {  	_ =	shalt  }

</sc_bundles>
